<compile_context>
chip_gen: v7x
topology: tpu7x:2x2x1
jax: 0.10.2.dev20260603
libtpu: 0.0.44.dev20260713+nightly
codegen_flags: <defaults>
</compile_context>

<pallas_src>
import functools

import jax
import jax.numpy as jnp
from jax import lax
from jax.experimental import pallas as pl
from jax.experimental.pallas import tpu as pltpu
from jax.experimental.pallas import tpu_sc as plsc

_NC = 2
_NS = 16
_NW = _NC * _NS
_CH = 128
_L = 16


def _sc_mesh():
    return plsc.VectorSubcoreMesh(
        core_axis_name="c", subcore_axis_name="s",
        num_cores=_NC, num_subcores=_NS)


def _make_winner(B, RS):
    n_v = B // _L

    @functools.partial(
        pl.kernel,
        mesh=_sc_mesh(),
        out_type=jax.ShapeDtypeStruct((_NW * RS,), jnp.int32),
        scratch_types=[
            pltpu.VMEM((B,), jnp.int32),
            pltpu.VMEM((RS,), jnp.int32),
        ],
        compiler_params=pltpu.CompilerParams(needs_layout_passes=False),
    )
    def winner_k(ids_hbm, win_hbm, ids_v, tab_v):
        wid = lax.axis_index("s") * _NC + lax.axis_index("c")
        lo = wid * RS
        pltpu.sync_copy(ids_hbm, ids_v)
        lane = lax.iota(jnp.int32, _L)
        U = 8

        def prep(k):
            v = ids_v[pl.ds(k * _L, _L)]
            local = v - lo
            m = plsc.bitcast(local, jnp.uint32) < jnp.uint32(RS)
            lc = jnp.where(m, local, 0)
            return m, lc, lane + k * _L

        def main_body(k, carry):
            for u in range(U):
                m, lc, pos = prep(k * U + u)
                plsc.store_scatter(tab_v, [lc], pos, mask=m)
            return carry

        lax.fori_loop(0, n_v // U, main_body, jnp.int32(0))

        def fix_body(k, cnt):
            for u in range(U):
                m, lc, pos = prep(k * U + u)
                w = plsc.load_gather(tab_v, [lc], mask=m)
                bad = m & (w < pos)
                plsc.store_scatter(tab_v, [lc], pos, mask=bad)
                cnt = cnt + jnp.sum(bad.astype(jnp.int32))
            return cnt

        lax.while_loop(
            lambda c: c > 0,
            lambda c: lax.fori_loop(0, n_v // U, fix_body, jnp.int32(0)),
            jnp.int32(1))
        pltpu.sync_copy(tab_v, win_hbm.at[pl.ds(lo, RS)])

    return winner_k


def _make_gather(B, D, n_chunks):
    @functools.partial(
        pl.kernel,
        mesh=_sc_mesh(),
        out_type=jax.ShapeDtypeStruct((B, D), jnp.float32),
        scratch_types=[
            pltpu.VMEM((n_chunks, _CH), jnp.int32),
            pltpu.VMEM((n_chunks, _CH, D), jnp.float32),
            pltpu.SemaphoreType.DMA,
        ],
    )
    def gather_k(ids_hbm, tab_hbm, out_hbm, idx_v, rows_v, sem):
        wid = lax.axis_index("s") * _NC + lax.axis_index("c")
        base = wid * (n_chunks * _CH)
        loads = [pltpu.async_copy(ids_hbm.at[pl.ds(base + j * _CH, _CH)],
                                  idx_v.at[j], sem)
                 for j in range(n_chunks)]
        for h in loads:
            h.wait()
        gathers = [pltpu.async_copy(tab_hbm.at[idx_v.at[j]], rows_v.at[j], sem)
                   for j in range(n_chunks)]
        for h in gathers:
            h.wait()
        outs = [pltpu.async_copy(rows_v.at[j],
                                 out_hbm.at[pl.ds(base + j * _CH, _CH)], sem)
                for j in range(n_chunks)]
        for h in outs:
            h.wait()

    return gather_k


def _make_scatter(B, D, n_chunks):
    @functools.partial(
        pl.kernel,
        mesh=_sc_mesh(),
        out_type=(),
        scratch_types=[
            pltpu.VMEM((n_chunks, _CH), jnp.int32),
            pltpu.VMEM((n_chunks, _CH), jnp.int32),
            pltpu.VMEM((n_chunks, _CH, D), jnp.float32),
            pltpu.VMEM((n_chunks, _CH), jnp.float32),
        ] + [pltpu.SemaphoreType.DMA] * 4,
    )
    def scatter_k(ids_hbm, win_hbm, upd_hbm, ts_hbm, mem_ref, lu_ref,
                  cidx_v, wv, rows_v, tsv, *sems):
        wid = lax.axis_index("s") * _NC + lax.axis_index("c")
        base = wid * (n_chunks * _CH)
        loads, wins, gathers, scats = {}, {}, {}, {}
        for j in range(n_chunks):
            sl = pl.ds(base + j * _CH, _CH)
            loads[j] = pltpu.async_copy(ids_hbm.at[sl], cidx_v.at[j], sems[j])
        for j in range(n_chunks):
            loads[j].wait()
            wins[j] = pltpu.async_copy(win_hbm.at[cidx_v.at[j]], wv.at[j],
                                       sems[j])
        for j in range(n_chunks):
            wins[j].wait()
            gathers[j] = (
                pltpu.async_copy(upd_hbm.at[wv.at[j]], rows_v.at[j], sems[j]),
                pltpu.async_copy(ts_hbm.at[wv.at[j]], tsv.at[j], sems[j]))
        for j in range(n_chunks):
            gathers[j][0].wait()
            gathers[j][1].wait()
            scats[j] = (
                pltpu.async_copy(rows_v.at[j], mem_ref.at[cidx_v.at[j]],
                                 sems[j]),
                pltpu.async_copy(tsv.at[j], lu_ref.at[cidx_v.at[j]], sems[j]))
        for j in range(n_chunks):
            scats[j][0].wait()
            scats[j][1].wait()

    return scatter_k


def _gru_body(msg_ref, h_ref, wih_ref, whh_ref, b_ref, out_ref):
    h = h_ref[...]
    gi = jnp.dot(msg_ref[...], wih_ref[...], preferred_element_type=jnp.float32)
    gh = jnp.dot(h, whh_ref[...], preferred_element_type=jnp.float32)
    gi = gi + b_ref[0:1, :]
    gh = gh + b_ref[1:2, :]
    D = h.shape[-1]
    r = jax.nn.sigmoid(gi[:, :D] + gh[:, :D])
    z = jax.nn.sigmoid(gi[:, D:2 * D] + gh[:, D:2 * D])
    n = jnp.tanh(gi[:, 2 * D:] + r * gh[:, 2 * D:])
    out_ref[...] = (1.0 - z) * n + z * h


def _gru(messages, mem_g, W_ih, W_hh, b_ih, b_hh):
    B, D_MSG = messages.shape
    D = mem_g.shape[1]
    RB = 4096
    wih_t = W_ih.T
    whh_t = W_hh.T
    b = jnp.stack([b_ih, b_hh])
    return pl.pallas_call(
        _gru_body,
        grid=(B // RB,),
        in_specs=[
            pl.BlockSpec((RB, D_MSG), lambda i: (i, 0)),
            pl.BlockSpec((RB, D), lambda i: (i, 0)),
            pl.BlockSpec((D_MSG, 3 * D), lambda i: (0, 0)),
            pl.BlockSpec((D, 3 * D), lambda i: (0, 0)),
            pl.BlockSpec((2, 3 * D), lambda i: (0, 0)),
        ],
        out_specs=pl.BlockSpec((RB, D), lambda i: (i, 0)),
        out_shape=jax.ShapeDtypeStruct((B, D), jnp.float32),
    )(messages, mem_g, wih_t, whh_t, b)


def kernel(memory, last_update, unique_node_ids, unique_messages, timestamps,
           W_ih, W_hh, b_ih, b_hh):
    M, D = memory.shape
    B = unique_node_ids.shape[0]
    n_chunks = B // (_NW * _CH)
    RS = ((M + _NW - 1) // _NW + 7) // 8 * 8

    ids = unique_node_ids
    mem_ref = jax.new_ref(memory)
    lu_ref = jax.new_ref(last_update)

    win = _make_winner(B, RS)(ids)
    mem_g = _make_gather(B, D, n_chunks)(ids, memory)
    upd = _gru(unique_messages, mem_g, W_ih, W_hh, b_ih, b_hh)

    _make_scatter(B, D, n_chunks)(ids, win, upd, timestamps, mem_ref, lu_ref)
    return mem_ref[...], lu_ref[...]

# --- scband reference (transcript-rebuilt; emitter-appended) ---
"""Pipeline reference for scband-sequence-memory-updater-8924942041944 (READ-ONLY COPY).

The authoritative reference and input builder live on the scoring server;
editing this copy changes nothing except your own understanding.
"""

import jax, jax.numpy as jnp
import numpy as np

M = 1000000
D_MEM = 128
D_MSG = 256
B = 16384


def gru_cell(x, h, W_ih, W_hh, b_ih, b_hh):
    # PyTorch nn.GRUCell semantics (TGN GRUMemoryUpdater uses nn.GRUCell)
    gi = x @ W_ih.T + b_ih
    gh = h @ W_hh.T + b_hh
    i_r, i_z, i_n = jnp.split(gi, 3, axis=1)
    h_r, h_z, h_n = jnp.split(gh, 3, axis=1)
    r = jax.nn.sigmoid(i_r + h_r)
    z = jax.nn.sigmoid(i_z + h_z)
    n = jnp.tanh(i_n + r * h_n)
    return (1.0 - z) * n + z * h


def setup_inputs(seed=0) -> dict:
    key = jax.random.key(seed)
    ks = jax.random.split(key, 8)
    memory = jax.random.normal(ks[0], (M, D_MEM), dtype=jnp.float32)
    last_update = jnp.zeros((M,), dtype=jnp.float32)
    unique_node_ids = jax.random.randint(ks[1], (B,), 0, M, dtype=jnp.int32)
    unique_messages = jax.random.normal(ks[2], (B, D_MSG), dtype=jnp.float32)
    timestamps = jax.random.uniform(ks[3], (B,), dtype=jnp.float32) * 100.0
    W_ih = jax.random.normal(ks[4], (3 * D_MEM, D_MSG), dtype=jnp.float32) * 0.05
    W_hh = jax.random.normal(ks[5], (3 * D_MEM, D_MEM), dtype=jnp.float32) * 0.05
    b_ih = jnp.zeros((3 * D_MEM,), dtype=jnp.float32)
    b_hh = jnp.zeros((3 * D_MEM,), dtype=jnp.float32)
    return {
        "memory": memory,
        "last_update": last_update,
        "unique_node_ids": unique_node_ids,
        "unique_messages": unique_messages,
        "timestamps": timestamps,
        "W_ih": W_ih,
        "W_hh": W_hh,
        "b_ih": b_ih,
        "b_hh": b_hh,
    }


def reference(memory, last_update, unique_node_ids, unique_messages, timestamps, W_ih, W_hh, b_ih, b_hh):
    # last_update = self.memory.get_last_update(unique_node_ids)  -> gather
    lu_g = jnp.take(last_update, unique_node_ids, axis=0)
    # valid_mask = last_update <= timestamps (mask instead of filter for static shapes)
    valid = lu_g <= timestamps
    # memory = self.memory.get_memory(unique_node_ids)  -> gather
    mem_g = jnp.take(memory, unique_node_ids, axis=0)
    # updated_memory = self.memory_updater(unique_messages, memory)  (GRUCell)
    upd = gru_cell(unique_messages, mem_g, W_ih, W_hh, b_ih, b_hh)
    # invalid updates are skipped: write back original gathered row
    upd = jnp.where(valid[:, None], upd, mem_g)
    # self.memory.set_memory(unique_node_ids, updated_memory)  -> scatter-overwrite
    new_memory = memory.at[unique_node_ids].set(upd)
    # self.memory.last_update[unique_node_ids] = timestamps
    new_ts = jnp.where(valid, timestamps, lu_g)
    new_last_update = last_update.at[unique_node_ids].set(new_ts)
    return (new_memory, new_last_update)

if __name__ == "__main__":
    import jax
    _d = setup_inputs()
    print(jax.jit(kernel)(*tuple(_d.values())))

</pallas_src>

<mosaic_0001>
#map = affine_map<(d0, d1) -> (0)>
#map1 = affine_map<(d0, d1) -> (0, 0)>
module attributes {stable_mosaic.version = 14 : i64} {
  func.func @gather_k(%arg0: i32, %arg1: i32, %arg2: memref<16384xi32, #tpu.memory_space<hbm>>, %arg3: memref<1000000x128xf32, #tpu.memory_space<hbm>>, %arg4: memref<16384x128xf32, #tpu.memory_space<hbm>>, %arg5: memref<4x128xi32, #tpu.memory_space<vmem>>, %arg6: memref<4x128x128xf32, #tpu.memory_space<vmem>>, %arg7: memref<!tpu.dma_semaphore, #tpu.memory_space<semaphore_mem>>) attributes {dimension_semantics = [#tpu.dimension_semantics<core_parallel>, #tpu.dimension_semantics<subcore_parallel>], iteration_bounds = array<i64: 2, 16>, scalar_prefetch = 0 : i64, scratch_operands = 3 : i64, tpu.core_type = #tpu.core_type<sc_vector_subcore>, window_params = [{transform_indices = #map}, {transform_indices = #map1}, {transform_indices = #map1}]} {
    %mul3A = arith.constant 2 : i32
    %mul3A_0 = arith.muli %arg1, %mul3A : i32
    %add3A = arith.addi %mul3A_0, %arg0 : i32
    %mul3A_1 = arith.constant 512 : i32
    %mul3A_2 = arith.muli %add3A, %mul3A_1 : i32
    %add3A_3 = arith.constant 0 : i32
    %add3A_4 = arith.addi %mul3A_2, %add3A_3 : i32
    %dma_start3A = arith.constant 0 : i32
    %dma_start3A_5 = arith.constant 0 : i32
    %dma_start3A_6 = tpu.memref_slice %arg5[%dma_start3A, %dma_start3A_5] : memref<4x128xi32, #tpu.memory_space<vmem>> -> memref<1x128xi32, #tpu.memory_space<vmem>>
    %dma_start3A_7 = tpu.memref_squeeze %dma_start3A_6 : memref<1x128xi32, #tpu.memory_space<vmem>> -> memref<128xi32, #tpu.memory_space<vmem>>
    %dma_start3A_8 = tpu.memref_slice %arg2[%add3A_4] : memref<16384xi32, #tpu.memory_space<hbm>> -> memref<128xi32, #tpu.memory_space<hbm>>
    %dma_start3A_9 = arith.constant 0 : i32
    %dma_start3A_10 = tpu.memref_slice %arg5[%dma_start3A, %dma_start3A_9] : memref<4x128xi32, #tpu.memory_space<vmem>> -> memref<1x128xi32, #tpu.memory_space<vmem>>
    %dma_start3A_11 = tpu.memref_squeeze %dma_start3A_10 : memref<1x128xi32, #tpu.memory_space<vmem>> -> memref<128xi32, #tpu.memory_space<vmem>>
    %dma_start3A_12 = tpu.memref_slice %arg2[%add3A_4] : memref<16384xi32, #tpu.memory_space<hbm>> -> memref<128xi32, #tpu.memory_space<hbm>>
    tpu.enqueue_dma source(%dma_start3A_12 : memref<128xi32, #tpu.memory_space<hbm>>) target(%dma_start3A_11 : memref<128xi32, #tpu.memory_space<vmem>>) target_semaphore(%arg7 : memref<!tpu.dma_semaphore, #tpu.memory_space<semaphore_mem>>)
    %add3A_13 = arith.constant 128 : i32
    %add3A_14 = arith.addi %mul3A_2, %add3A_13 : i32
    %dma_start3A_15 = arith.constant 1 : i32
    %dma_start3A_16 = arith.constant 0 : i32
    %dma_start3A_17 = tpu.memref_slice %arg5[%dma_start3A_15, %dma_start3A_16] : memref<4x128xi32, #tpu.memory_space<vmem>> -> memref<1x128xi32, #tpu.memory_space<vmem>>
    %dma_start3A_18 = tpu.memref_squeeze %dma_start3A_17 : memref<1x128xi32, #tpu.memory_space<vmem>> -> memref<128xi32, #tpu.memory_space<vmem>>
    %dma_start3A_19 = tpu.memref_slice %arg2[%add3A_14] : memref<16384xi32, #tpu.memory_space<hbm>> -> memref<128xi32, #tpu.memory_space<hbm>>
    %dma_start3A_20 = arith.constant 0 : i32
    %dma_start3A_21 = tpu.memref_slice %arg5[%dma_start3A_15, %dma_start3A_20] : memref<4x128xi32, #tpu.memory_space<vmem>> -> memref<1x128xi32, #tpu.memory_space<vmem>>
    %dma_start3A_22 = tpu.memref_squeeze %dma_start3A_21 : memref<1x128xi32, #tpu.memory_space<vmem>> -> memref<128xi32, #tpu.memory_space<vmem>>
    %dma_start3A_23 = tpu.memref_slice %arg2[%add3A_14] : memref<16384xi32, #tpu.memory_space<hbm>> -> memref<128xi32, #tpu.memory_space<hbm>>
    tpu.enqueue_dma source(%dma_start3A_23 : memref<128xi32, #tpu.memory_space<hbm>>) target(%dma_start3A_22 : memref<128xi32, #tpu.memory_space<vmem>>) target_semaphore(%arg7 : memref<!tpu.dma_semaphore, #tpu.memory_space<semaphore_mem>>)
    %add3A_24 = arith.constant 256 : i32
    %add3A_25 = arith.addi %mul3A_2, %add3A_24 : i32
    %dma_start3A_26 = arith.constant 2 : i32
    %dma_start3A_27 = arith.constant 0 : i32
    %dma_start3A_28 = tpu.memref_slice %arg5[%dma_start3A_26, %dma_start3A_27] : memref<4x128xi32, #tpu.memory_space<vmem>> -> memref<1x128xi32, #tpu.memory_space<vmem>>
    %dma_start3A_29 = tpu.memref_squeeze %dma_start3A_28 : memref<1x128xi32, #tpu.memory_space<vmem>> -> memref<128xi32, #tpu.memory_space<vmem>>
    %dma_start3A_30 = tpu.memref_slice %arg2[%add3A_25] : memref<16384xi32, #tpu.memory_space<hbm>> -> memref<128xi32, #tpu.memory_space<hbm>>
    %dma_start3A_31 = arith.constant 0 : i32
    %dma_start3A_32 = tpu.memref_slice %arg5[%dma_start3A_26, %dma_start3A_31] : memref<4x128xi32, #tpu.memory_space<vmem>> -> memref<1x128xi32, #tpu.memory_space<vmem>>
    %dma_start3A_33 = tpu.memref_squeeze %dma_start3A_32 : memref<1x128xi32, #tpu.memory_space<vmem>> -> memref<128xi32, #tpu.memory_space<vmem>>
    %dma_start3A_34 = tpu.memref_slice %arg2[%add3A_25] : memref<16384xi32, #tpu.memory_space<hbm>> -> memref<128xi32, #tpu.memory_space<hbm>>
    tpu.enqueue_dma source(%dma_start3A_34 : memref<128xi32, #tpu.memory_space<hbm>>) target(%dma_start3A_33 : memref<128xi32, #tpu.memory_space<vmem>>) target_semaphore(%arg7 : memref<!tpu.dma_semaphore, #tpu.memory_space<semaphore_mem>>)
    %add3A_35 = arith.constant 384 : i32
    %add3A_36 = arith.addi %mul3A_2, %add3A_35 : i32
    %dma_start3A_37 = arith.constant 3 : i32
    %dma_start3A_38 = arith.constant 0 : i32
    %dma_start3A_39 = tpu.memref_slice %arg5[%dma_start3A_37, %dma_start3A_38] : memref<4x128xi32, #tpu.memory_space<vmem>> -> memref<1x128xi32, #tpu.memory_space<vmem>>
    %dma_start3A_40 = tpu.memref_squeeze %dma_start3A_39 : memref<1x128xi32, #tpu.memory_space<vmem>> -> memref<128xi32, #tpu.memory_space<vmem>>
    %dma_start3A_41 = tpu.memref_slice %arg2[%add3A_36] : memref<16384xi32, #tpu.memory_space<hbm>> -> memref<128xi32, #tpu.memory_space<hbm>>
    %dma_start3A_42 = arith.constant 0 : i32
    %dma_start3A_43 = tpu.memref_slice %arg5[%dma_start3A_37, %dma_start3A_42] : memref<4x128xi32, #tpu.memory_space<vmem>> -> memref<1x128xi32, #tpu.memory_space<vmem>>
    %dma_start3A_44 = tpu.memref_squeeze %dma_start3A_43 : memref<1x128xi32, #tpu.memory_space<vmem>> -> memref<128xi32, #tpu.memory_space<vmem>>
    %dma_start3A_45 = tpu.memref_slice %arg2[%add3A_36] : memref<16384xi32, #tpu.memory_space<hbm>> -> memref<128xi32, #tpu.memory_space<hbm>>
    tpu.enqueue_dma source(%dma_start3A_45 : memref<128xi32, #tpu.memory_space<hbm>>) target(%dma_start3A_44 : memref<128xi32, #tpu.memory_space<vmem>>) target_semaphore(%arg7 : memref<!tpu.dma_semaphore, #tpu.memory_space<semaphore_mem>>)
    %dma_wait3A = arith.constant 0 : i32
    %dma_wait3A_46 = arith.constant 0 : i32
    %dma_wait3A_47 = tpu.memref_slice %arg5[%dma_wait3A, %dma_wait3A_46] : memref<4x128xi32, #tpu.memory_space<vmem>> -> memref<1x128xi32, #tpu.memory_space<vmem>>
    %dma_wait3A_48 = tpu.memref_squeeze %dma_wait3A_47 : memref<1x128xi32, #tpu.memory_space<vmem>> -> memref<128xi32, #tpu.memory_space<vmem>>
    %dma_wait3A_49 = tpu.memref_slice %arg2[%add3A_4] : memref<16384xi32, #tpu.memory_space<hbm>> -> memref<128xi32, #tpu.memory_space<hbm>>
    %dma_wait3A_50 = arith.constant 0 : i32
    %dma_wait3A_51 = tpu.memref_slice %arg5[%dma_wait3A, %dma_wait3A_50] : memref<4x128xi32, #tpu.memory_space<vmem>> -> memref<1x128xi32, #tpu.memory_space<vmem>>
    %dma_wait3A_52 = tpu.memref_squeeze %dma_wait3A_51 : memref<1x128xi32, #tpu.memory_space<vmem>> -> memref<128xi32, #tpu.memory_space<vmem>>
    %dma_wait3A_53 = tpu.memref_slice %arg2[%add3A_4] : memref<16384xi32, #tpu.memory_space<hbm>> -> memref<128xi32, #tpu.memory_space<hbm>>
    tpu.wait_dma2 semaphore(%arg7 : memref<!tpu.dma_semaphore, #tpu.memory_space<semaphore_mem>>) src(%dma_wait3A_53 : memref<128xi32, #tpu.memory_space<hbm>>) dst(%dma_wait3A_52 : memref<128xi32, #tpu.memory_space<vmem>>)
    %dma_wait3A_54 = arith.constant 1 : i32
    %dma_wait3A_55 = arith.constant 0 : i32
    %dma_wait3A_56 = tpu.memref_slice %arg5[%dma_wait3A_54, %dma_wait3A_55] : memref<4x128xi32, #tpu.memory_space<vmem>> -> memref<1x128xi32, #tpu.memory_space<vmem>>
    %dma_wait3A_57 = tpu.memref_squeeze %dma_wait3A_56 : memref<1x128xi32, #tpu.memory_space<vmem>> -> memref<128xi32, #tpu.memory_space<vmem>>
    %dma_wait3A_58 = tpu.memref_slice %arg2[%add3A_14] : memref<16384xi32, #tpu.memory_space<hbm>> -> memref<128xi32, #tpu.memory_space<hbm>>
    %dma_wait3A_59 = arith.constant 0 : i32
    %dma_wait3A_60 = tpu.memref_slice %arg5[%dma_wait3A_54, %dma_wait3A_59] : memref<4x128xi32, #tpu.memory_space<vmem>> -> memref<1x128xi32, #tpu.memory_space<vmem>>
    %dma_wait3A_61 = tpu.memref_squeeze %dma_wait3A_60 : memref<1x128xi32, #tpu.memory_space<vmem>> -> memref<128xi32, #tpu.memory_space<vmem>>
    %dma_wait3A_62 = tpu.memref_slice %arg2[%add3A_14] : memref<16384xi32, #tpu.memory_space<hbm>> -> memref<128xi32, #tpu.memory_space<hbm>>
    tpu.wait_dma2 semaphore(%arg7 : memref<!tpu.dma_semaphore, #tpu.memory_space<semaphore_mem>>) src(%dma_wait3A_62 : memref<128xi32, #tpu.memory_space<hbm>>) dst(%dma_wait3A_61 : memref<128xi32, #tpu.memory_space<vmem>>)
    %dma_wait3A_63 = arith.constant 2 : i32
    %dma_wait3A_64 = arith.constant 0 : i32
    %dma_wait3A_65 = tpu.memref_slice %arg5[%dma_wait3A_63, %dma_wait3A_64] : memref<4x128xi32, #tpu.memory_space<vmem>> -> memref<1x128xi32, #tpu.memory_space<vmem>>
    %dma_wait3A_66 = tpu.memref_squeeze %dma_wait3A_65 : memref<1x128xi32, #tpu.memory_space<vmem>> -> memref<128xi32, #tpu.memory_space<vmem>>
    %dma_wait3A_67 = tpu.memref_slice %arg2[%add3A_25] : memref<16384xi32, #tpu.memory_space<hbm>> -> memref<128xi32, #tpu.memory_space<hbm>>
    %dma_wait3A_68 = arith.constant 0 : i32
    %dma_wait3A_69 = tpu.memref_slice %arg5[%dma_wait3A_63, %dma_wait3A_68] : memref<4x128xi32, #tpu.memory_space<vmem>> -> memref<1x128xi32, #tpu.memory_space<vmem>>
    %dma_wait3A_70 = tpu.memref_squeeze %dma_wait3A_69 : memref<1x128xi32, #tpu.memory_space<vmem>> -> memref<128xi32, #tpu.memory_space<vmem>>
    %dma_wait3A_71 = tpu.memref_slice %arg2[%add3A_25] : memref<16384xi32, #tpu.memory_space<hbm>> -> memref<128xi32, #tpu.memory_space<hbm>>
    tpu.wait_dma2 semaphore(%arg7 : memref<!tpu.dma_semaphore, #tpu.memory_space<semaphore_mem>>) src(%dma_wait3A_71 : memref<128xi32, #tpu.memory_space<hbm>>) dst(%dma_wait3A_70 : memref<128xi32, #tpu.memory_space<vmem>>)
    %dma_wait3A_72 = arith.constant 3 : i32
    %dma_wait3A_73 = arith.constant 0 : i32
    %dma_wait3A_74 = tpu.memref_slice %arg5[%dma_wait3A_72, %dma_wait3A_73] : memref<4x128xi32, #tpu.memory_space<vmem>> -> memref<1x128xi32, #tpu.memory_space<vmem>>
    %dma_wait3A_75 = tpu.memref_squeeze %dma_wait3A_74 : memref<1x128xi32, #tpu.memory_space<vmem>> -> memref<128xi32, #tpu.memory_space<vmem>>
    %dma_wait3A_76 = tpu.memref_slice %arg2[%add3A_36] : memref<16384xi32, #tpu.memory_space<hbm>> -> memref<128xi32, #tpu.memory_space<hbm>>
    %dma_wait3A_77 = arith.constant 0 : i32
    %dma_wait3A_78 = tpu.memref_slice %arg5[%dma_wait3A_72, %dma_wait3A_77] : memref<4x128xi32, #tpu.memory_space<vmem>> -> memref<1x128xi32, #tpu.memory_space<vmem>>
    %dma_wait3A_79 = tpu.memref_squeeze %dma_wait3A_78 : memref<1x128xi32, #tpu.memory_space<vmem>> -> memref<128xi32, #tpu.memory_space<vmem>>
    %dma_wait3A_80 = tpu.memref_slice %arg2[%add3A_36] : memref<16384xi32, #tpu.memory_space<hbm>> -> memref<128xi32, #tpu.memory_space<hbm>>
    tpu.wait_dma2 semaphore(%arg7 : memref<!tpu.dma_semaphore, #tpu.memory_space<semaphore_mem>>) src(%dma_wait3A_80 : memref<128xi32, #tpu.memory_space<hbm>>) dst(%dma_wait3A_79 : memref<128xi32, #tpu.memory_space<vmem>>)
    %dma_start3A_81 = arith.constant 0 : i32
    %dma_start3A_82 = arith.constant 0 : i32
    %dma_start3A_83 = arith.constant 0 : i32
    %dma_start3A_84 = arith.constant 0 : i32
    %dma_start3A_85 = tpu.memref_slice %arg6[%dma_start3A_82, %dma_start3A_83, %dma_start3A_84] : memref<4x128x128xf32, #tpu.memory_space<vmem>> -> memref<1x128x128xf32, #tpu.memory_space<vmem>>
    %dma_start3A_86 = tpu.memref_squeeze %dma_start3A_85 : memref<1x128x128xf32, #tpu.memory_space<vmem>> -> memref<128x128xf32, #tpu.memory_space<vmem>>
    %dma_start3A_87 = arith.constant 0 : i32
    %dma_start3A_88 = tpu.memref_slice %arg5[%dma_start3A_81, %dma_start3A_87] : memref<4x128xi32, #tpu.memory_space<vmem>> -> memref<1x128xi32, #tpu.memory_space<vmem>>
    %dma_start3A_89 = tpu.memref_squeeze %dma_start3A_88 : memref<1x128xi32, #tpu.memory_space<vmem>> -> memref<128xi32, #tpu.memory_space<vmem>>
    %dma_start3A_90 = arith.constant 0 : i32
    %dma_start3A_91 = arith.constant 0 : i32
    %dma_start3A_92 = tpu.memref_slice %arg3[%dma_start3A_90, %dma_start3A_91] : memref<1000000x128xf32, #tpu.memory_space<hbm>> -> memref<1000000x128xf32, #tpu.memory_space<hbm>>
    tpu.enqueue_indirect_dma source(%dma_start3A_92 : memref<1000000x128xf32, #tpu.memory_space<hbm>>) target(%dma_start3A_86 : memref<128x128xf32, #tpu.memory_space<vmem>>) offsets(%dma_start3A_89 : memref<128xi32, #tpu.memory_space<vmem>>) semaphore(%arg7 : memref<!tpu.dma_semaphore, #tpu.memory_space<semaphore_mem>>)
    %dma_start3A_93 = arith.constant 1 : i32
    %dma_start3A_94 = arith.constant 1 : i32
    %dma_start3A_95 = arith.constant 0 : i32
    %dma_start3A_96 = arith.constant 0 : i32
    %dma_start3A_97 = tpu.memref_slice %arg6[%dma_start3A_94, %dma_start3A_95, %dma_start3A_96] : memref<4x128x128xf32, #tpu.memory_space<vmem>> -> memref<1x128x128xf32, #tpu.memory_space<vmem>>
    %dma_start3A_98 = tpu.memref_squeeze %dma_start3A_97 : memref<1x128x128xf32, #tpu.memory_space<vmem>> -> memref<128x128xf32, #tpu.memory_space<vmem>>
    %dma_start3A_99 = arith.constant 0 : i32
    %dma_start3A_100 = tpu.memref_slice %arg5[%dma_start3A_93, %dma_start3A_99] : memref<4x128xi32, #tpu.memory_space<vmem>> -> memref<1x128xi32, #tpu.memory_space<vmem>>
    %dma_start3A_101 = tpu.memref_squeeze %dma_start3A_100 : memref<1x128xi32, #tpu.memory_space<vmem>> -> memref<128xi32, #tpu.memory_space<vmem>>
    %dma_start3A_102 = arith.constant 0 : i32
    %dma_start3A_103 = arith.constant 0 : i32
    %dma_start3A_104 = tpu.memref_slice %arg3[%dma_start3A_102, %dma_start3A_103] : memref<1000000x128xf32, #tpu.memory_space<hbm>> -> memref<1000000x128xf32, #tpu.memory_space<hbm>>
    tpu.enqueue_indirect_dma source(%dma_start3A_104 : memref<1000000x128xf32, #tpu.memory_space<hbm>>) target(%dma_start3A_98 : memref<128x128xf32, #tpu.memory_space<vmem>>) offsets(%dma_start3A_101 : memref<128xi32, #tpu.memory_space<vmem>>) semaphore(%arg7 : memref<!tpu.dma_semaphore, #tpu.memory_space<semaphore_mem>>)
    %dma_start3A_105 = arith.constant 2 : i32
    %dma_start3A_106 = arith.constant 2 : i32
    %dma_start3A_107 = arith.constant 0 : i32
    %dma_start3A_108 = arith.constant 0 : i32
    %dma_start3A_109 = tpu.memref_slice %arg6[%dma_start3A_106, %dma_start3A_107, %dma_start3A_108] : memref<4x128x128xf32, #tpu.memory_space<vmem>> -> memref<1x128x128xf32, #tpu.memory_space<vmem>>
    %dma_start3A_110 = tpu.memref_squeeze %dma_start3A_109 : memref<1x128x128xf32, #tpu.memory_space<vmem>> -> memref<128x128xf32, #tpu.memory_space<vmem>>
    %dma_start3A_111 = arith.constant 0 : i32
    %dma_start3A_112 = tpu.memref_slice %arg5[%dma_start3A_105, %dma_start3A_111] : memref<4x128xi32, #tpu.memory_space<vmem>> -> memref<1x128xi32, #tpu.memory_space<vmem>>
    %dma_start3A_113 = tpu.memref_squeeze %dma_start3A_112 : memref<1x128xi32, #tpu.memory_space<vmem>> -> memref<128xi32, #tpu.memory_space<vmem>>
    %dma_start3A_114 = arith.constant 0 : i32
    %dma_start3A_115 = arith.constant 0 : i32
    %dma_start3A_116 = tpu.memref_slice %arg3[%dma_start3A_114, %dma_start3A_115] : memref<1000000x128xf32, #tpu.memory_space<hbm>> -> memref<1000000x128xf32, #tpu.memory_space<hbm>>
    tpu.enqueue_indirect_dma source(%dma_start3A_116 : memref<1000000x128xf32, #tpu.memory_space<hbm>>) target(%dma_start3A_110 : memref<128x128xf32, #tpu.memory_space<vmem>>) offsets(%dma_start3A_113 : memref<128xi32, #tpu.memory_space<vmem>>) semaphore(%arg7 : memref<!tpu.dma_semaphore, #tpu.memory_space<semaphore_mem>>)
    %dma_start3A_117 = arith.constant 3 : i32
    %dma_start3A_118 = arith.constant 3 : i32
    %dma_start3A_119 = arith.constant 0 : i32
    %dma_start3A_120 = arith.constant 0 : i32
    %dma_start3A_121 = tpu.memref_slice %arg6[%dma_start3A_118, %dma_start3A_119, %dma_start3A_120] : memref<4x128x128xf32, #tpu.memory_space<vmem>> -> memref<1x128x128xf32, #tpu.memory_space<vmem>>
    %dma_start3A_122 = tpu.memref_squeeze %dma_start3A_121 : memref<1x128x128xf32, #tpu.memory_space<vmem>> -> memref<128x128xf32, #tpu.memory_space<vmem>>
    %dma_start3A_123 = arith.constant 0 : i32
    %dma_start3A_124 = tpu.memref_slice %arg5[%dma_start3A_117, %dma_start3A_123] : memref<4x128xi32, #tpu.memory_space<vmem>> -> memref<1x128xi32, #tpu.memory_space<vmem>>
    %dma_start3A_125 = tpu.memref_squeeze %dma_start3A_124 : memref<1x128xi32, #tpu.memory_space<vmem>> -> memref<128xi32, #tpu.memory_space<vmem>>
    %dma_start3A_126 = arith.constant 0 : i32
    %dma_start3A_127 = arith.constant 0 : i32
    %dma_start3A_128 = tpu.memref_slice %arg3[%dma_start3A_126, %dma_start3A_127] : memref<1000000x128xf32, #tpu.memory_space<hbm>> -> memref<1000000x128xf32, #tpu.memory_space<hbm>>
    tpu.enqueue_indirect_dma source(%dma_start3A_128 : memref<1000000x128xf32, #tpu.memory_space<hbm>>) target(%dma_start3A_122 : memref<128x128xf32, #tpu.memory_space<vmem>>) offsets(%dma_start3A_125 : memref<128xi32, #tpu.memory_space<vmem>>) semaphore(%arg7 : memref<!tpu.dma_semaphore, #tpu.memory_space<semaphore_mem>>)
    %dma_wait3A_129 = arith.constant 0 : i32
    %dma_wait3A_130 = arith.constant 0 : i32
    %dma_wait3A_131 = arith.constant 0 : i32
    %dma_wait3A_132 = arith.constant 0 : i32
    %dma_wait3A_133 = tpu.memref_slice %arg6[%dma_wait3A_130, %dma_wait3A_131, %dma_wait3A_132] : memref<4x128x128xf32, #tpu.memory_space<vmem>> -> memref<1x128x128xf32, #tpu.memory_space<vmem>>
    %dma_wait3A_134 = tpu.memref_squeeze %dma_wait3A_133 : memref<1x128x128xf32, #tpu.memory_space<vmem>> -> memref<128x128xf32, #tpu.memory_space<vmem>>
    %dma_wait3A_135 = arith.constant 0 : i32
    %dma_wait3A_136 = tpu.memref_slice %arg5[%dma_wait3A_129, %dma_wait3A_135] : memref<4x128xi32, #tpu.memory_space<vmem>> -> memref<1x128xi32, #tpu.memory_space<vmem>>
    %dma_wait3A_137 = tpu.memref_squeeze %dma_wait3A_136 : memref<1x128xi32, #tpu.memory_space<vmem>> -> memref<128xi32, #tpu.memory_space<vmem>>
    %dma_wait3A_138 = arith.constant 0 : i32
    %dma_wait3A_139 = arith.constant 0 : i32
    %dma_wait3A_140 = tpu.memref_slice %arg3[%dma_wait3A_138, %dma_wait3A_139] : memref<1000000x128xf32, #tpu.memory_space<hbm>> -> memref<1000000x128xf32, #tpu.memory_space<hbm>>
    tpu.wait_indirect_dma semaphore(%arg7 : memref<!tpu.dma_semaphore, #tpu.memory_space<semaphore_mem>>) src(%dma_wait3A_140 : memref<1000000x128xf32, #tpu.memory_space<hbm>>) dst(%dma_wait3A_134 : memref<128x128xf32, #tpu.memory_space<vmem>>)
    %dma_wait3A_141 = arith.constant 1 : i32
    %dma_wait3A_142 = arith.constant 1 : i32
    %dma_wait3A_143 = arith.constant 0 : i32
    %dma_wait3A_144 = arith.constant 0 : i32
    %dma_wait3A_145 = tpu.memref_slice %arg6[%dma_wait3A_142, %dma_wait3A_143, %dma_wait3A_144] : memref<4x128x128xf32, #tpu.memory_space<vmem>> -> memref<1x128x128xf32, #tpu.memory_space<vmem>>
    %dma_wait3A_146 = tpu.memref_squeeze %dma_wait3A_145 : memref<1x128x128xf32, #tpu.memory_space<vmem>> -> memref<128x128xf32, #tpu.memory_space<vmem>>
    %dma_wait3A_147 = arith.constant 0 : i32
    %dma_wait3A_148 = tpu.memref_slice %arg5[%dma_wait3A_141, %dma_wait3A_147] : memref<4x128xi32, #tpu.memory_space<vmem>> -> memref<1x128xi32, #tpu.memory_space<vmem>>
    %dma_wait3A_149 = tpu.memref_squeeze %dma_wait3A_148 : memref<1x128xi32, #tpu.memory_space<vmem>> -> memref<128xi32, #tpu.memory_space<vmem>>
    %dma_wait3A_150 = arith.constant 0 : i32
    %dma_wait3A_151 = arith.constant 0 : i32
    %dma_wait3A_152 = tpu.memref_slice %arg3[%dma_wait3A_150, %dma_wait3A_151] : memref<1000000x128xf32, #tpu.memory_space<hbm>> -> memref<1000000x128xf32, #tpu.memory_space<hbm>>
    tpu.wait_indirect_dma semaphore(%arg7 : memref<!tpu.dma_semaphore, #tpu.memory_space<semaphore_mem>>) src(%dma_wait3A_152 : memref<1000000x128xf32, #tpu.memory_space<hbm>>) dst(%dma_wait3A_146 : memref<128x128xf32, #tpu.memory_space<vmem>>)
    %dma_wait3A_153 = arith.constant 2 : i32
    %dma_wait3A_154 = arith.constant 2 : i32
    %dma_wait3A_155 = arith.constant 0 : i32
    %dma_wait3A_156 = arith.constant 0 : i32
    %dma_wait3A_157 = tpu.memref_slice %arg6[%dma_wait3A_154, %dma_wait3A_155, %dma_wait3A_156] : memref<4x128x128xf32, #tpu.memory_space<vmem>> -> memref<1x128x128xf32, #tpu.memory_space<vmem>>
    %dma_wait3A_158 = tpu.memref_squeeze %dma_wait3A_157 : memref<1x128x128xf32, #tpu.memory_space<vmem>> -> memref<128x128xf32, #tpu.memory_space<vmem>>
    %dma_wait3A_159 = arith.constant 0 : i32
    %dma_wait3A_160 = tpu.memref_slice %arg5[%dma_wait3A_153, %dma_wait3A_159] : memref<4x128xi32, #tpu.memory_space<vmem>> -> memref<1x128xi32, #tpu.memory_space<vmem>>
    %dma_wait3A_161 = tpu.memref_squeeze %dma_wait3A_160 : memref<1x128xi32, #tpu.memory_space<vmem>> -> memref<128xi32, #tpu.memory_space<vmem>>
    %dma_wait3A_162 = arith.constant 0 : i32
    %dma_wait3A_163 = arith.constant 0 : i32
    %dma_wait3A_164 = tpu.memref_slice %arg3[%dma_wait3A_162, %dma_wait3A_163] : memref<1000000x128xf32, #tpu.memory_space<hbm>> -> memref<1000000x128xf32, #tpu.memory_space<hbm>>
    tpu.wait_indirect_dma semaphore(%arg7 : memref<!tpu.dma_semaphore, #tpu.memory_space<semaphore_mem>>) src(%dma_wait3A_164 : memref<1000000x128xf32, #tpu.memory_space<hbm>>) dst(%dma_wait3A_158 : memref<128x128xf32, #tpu.memory_space<vmem>>)
    %dma_wait3A_165 = arith.constant 3 : i32
    %dma_wait3A_166 = arith.constant 3 : i32
    %dma_wait3A_167 = arith.constant 0 : i32
    %dma_wait3A_168 = arith.constant 0 : i32
    %dma_wait3A_169 = tpu.memref_slice %arg6[%dma_wait3A_166, %dma_wait3A_167, %dma_wait3A_168] : memref<4x128x128xf32, #tpu.memory_space<vmem>> -> memref<1x128x128xf32, #tpu.memory_space<vmem>>
    %dma_wait3A_170 = tpu.memref_squeeze %dma_wait3A_169 : memref<1x128x128xf32, #tpu.memory_space<vmem>> -> memref<128x128xf32, #tpu.memory_space<vmem>>
    %dma_wait3A_171 = arith.constant 0 : i32
    %dma_wait3A_172 = tpu.memref_slice %arg5[%dma_wait3A_165, %dma_wait3A_171] : memref<4x128xi32, #tpu.memory_space<vmem>> -> memref<1x128xi32, #tpu.memory_space<vmem>>
    %dma_wait3A_173 = tpu.memref_squeeze %dma_wait3A_172 : memref<1x128xi32, #tpu.memory_space<vmem>> -> memref<128xi32, #tpu.memory_space<vmem>>
    %dma_wait3A_174 = arith.constant 0 : i32
    %dma_wait3A_175 = arith.constant 0 : i32
    %dma_wait3A_176 = tpu.memref_slice %arg3[%dma_wait3A_174, %dma_wait3A_175] : memref<1000000x128xf32, #tpu.memory_space<hbm>> -> memref<1000000x128xf32, #tpu.memory_space<hbm>>
    tpu.wait_indirect_dma semaphore(%arg7 : memref<!tpu.dma_semaphore, #tpu.memory_space<semaphore_mem>>) src(%dma_wait3A_176 : memref<1000000x128xf32, #tpu.memory_space<hbm>>) dst(%dma_wait3A_170 : memref<128x128xf32, #tpu.memory_space<vmem>>)
    %add3A_177 = arith.constant 0 : i32
    %add3A_178 = arith.addi %mul3A_2, %add3A_177 : i32
    %dma_start3A_179 = arith.constant 0 : i32
    %dma_start3A_180 = arith.constant 0 : i32
    %dma_start3A_181 = arith.constant 0 : i32
    %dma_start3A_182 = tpu.memref_slice %arg6[%dma_start3A_179, %dma_start3A_180, %dma_start3A_181] : memref<4x128x128xf32, #tpu.memory_space<vmem>> -> memref<1x128x128xf32, #tpu.memory_space<vmem>>
    %dma_start3A_183 = tpu.memref_squeeze %dma_start3A_182 : memref<1x128x128xf32, #tpu.memory_space<vmem>> -> memref<128x128xf32, #tpu.memory_space<vmem>>
    %dma_start3A_184 = arith.constant 0 : i32
    %dma_start3A_185 = tpu.memref_slice %arg4[%add3A_178, %dma_start3A_184] : memref<16384x128xf32, #tpu.memory_space<hbm>> -> memref<128x128xf32, #tpu.memory_space<hbm>>
    %dma_start3A_186 = arith.constant 0 : i32
    %dma_start3A_187 = tpu.memref_slice %arg4[%add3A_178, %dma_start3A_186] : memref<16384x128xf32, #tpu.memory_space<hbm>> -> memref<128x128xf32, #tpu.memory_space<hbm>>
    %dma_start3A_188 = arith.constant 0 : i32
    %dma_start3A_189 = arith.constant 0 : i32
    %dma_start3A_190 = tpu.memref_slice %arg6[%dma_start3A_179, %dma_start3A_188, %dma_start3A_189] : memref<4x128x128xf32, #tpu.memory_space<vmem>> -> memref<1x128x128xf32, #tpu.memory_space<vmem>>
    %dma_start3A_191 = tpu.memref_squeeze %dma_start3A_190 : memref<1x128x128xf32, #tpu.memory_space<vmem>> -> memref<128x128xf32, #tpu.memory_space<vmem>>
    tpu.enqueue_dma source(%dma_start3A_191 : memref<128x128xf32, #tpu.memory_space<vmem>>) target(%dma_start3A_187 : memref<128x128xf32, #tpu.memory_space<hbm>>) target_semaphore(%arg7 : memref<!tpu.dma_semaphore, #tpu.memory_space<semaphore_mem>>)
    %add3A_192 = arith.constant 128 : i32
    %add3A_193 = arith.addi %mul3A_2, %add3A_192 : i32
    %dma_start3A_194 = arith.constant 1 : i32
    %dma_start3A_195 = arith.constant 0 : i32
    %dma_start3A_196 = arith.constant 0 : i32
    %dma_start3A_197 = tpu.memref_slice %arg6[%dma_start3A_194, %dma_start3A_195, %dma_start3A_196] : memref<4x128x128xf32, #tpu.memory_space<vmem>> -> memref<1x128x128xf32, #tpu.memory_space<vmem>>
    %dma_start3A_198 = tpu.memref_squeeze %dma_start3A_197 : memref<1x128x128xf32, #tpu.memory_space<vmem>> -> memref<128x128xf32, #tpu.memory_space<vmem>>
    %dma_start3A_199 = arith.constant 0 : i32
    %dma_start3A_200 = tpu.memref_slice %arg4[%add3A_193, %dma_start3A_199] : memref<16384x128xf32, #tpu.memory_space<hbm>> -> memref<128x128xf32, #tpu.memory_space<hbm>>
    %dma_start3A_201 = arith.constant 0 : i32
    %dma_start3A_202 = tpu.memref_slice %arg4[%add3A_193, %dma_start3A_201] : memref<16384x128xf32, #tpu.memory_space<hbm>> -> memref<128x128xf32, #tpu.memory_space<hbm>>
    %dma_start3A_203 = arith.constant 0 : i32
    %dma_start3A_204 = arith.constant 0 : i32
    %dma_start3A_205 = tpu.memref_slice %arg6[%dma_start3A_194, %dma_start3A_203, %dma_start3A_204] : memref<4x128x128xf32, #tpu.memory_space<vmem>> -> memref<1x128x128xf32, #tpu.memory_space<vmem>>
    %dma_start3A_206 = tpu.memref_squeeze %dma_start3A_205 : memref<1x128x128xf32, #tpu.memory_space<vmem>> -> memref<128x128xf32, #tpu.memory_space<vmem>>
    tpu.enqueue_dma source(%dma_start3A_206 : memref<128x128xf32, #tpu.memory_space<vmem>>) target(%dma_start3A_202 : memref<128x128xf32, #tpu.memory_space<hbm>>) target_semaphore(%arg7 : memref<!tpu.dma_semaphore, #tpu.memory_space<semaphore_mem>>)
    %add3A_207 = arith.constant 256 : i32
    %add3A_208 = arith.addi %mul3A_2, %add3A_207 : i32
    %dma_start3A_209 = arith.constant 2 : i32
    %dma_start3A_210 = arith.constant 0 : i32
    %dma_start3A_211 = arith.constant 0 : i32
    %dma_start3A_212 = tpu.memref_slice %arg6[%dma_start3A_209, %dma_start3A_210, %dma_start3A_211] : memref<4x128x128xf32, #tpu.memory_space<vmem>> -> memref<1x128x128xf32, #tpu.memory_space<vmem>>
    %dma_start3A_213 = tpu.memref_squeeze %dma_start3A_212 : memref<1x128x128xf32, #tpu.memory_space<vmem>> -> memref<128x128xf32, #tpu.memory_space<vmem>>
    %dma_start3A_214 = arith.constant 0 : i32
    %dma_start3A_215 = tpu.memref_slice %arg4[%add3A_208, %dma_start3A_214] : memref<16384x128xf32, #tpu.memory_space<hbm>> -> memref<128x128xf32, #tpu.memory_space<hbm>>
    %dma_start3A_216 = arith.constant 0 : i32
    %dma_start3A_217 = tpu.memref_slice %arg4[%add3A_208, %dma_start3A_216] : memref<16384x128xf32, #tpu.memory_space<hbm>> -> memref<128x128xf32, #tpu.memory_space<hbm>>
    %dma_start3A_218 = arith.constant 0 : i32
    %dma_start3A_219 = arith.constant 0 : i32
    %dma_start3A_220 = tpu.memref_slice %arg6[%dma_start3A_209, %dma_start3A_218, %dma_start3A_219] : memref<4x128x128xf32, #tpu.memory_space<vmem>> -> memref<1x128x128xf32, #tpu.memory_space<vmem>>
    %dma_start3A_221 = tpu.memref_squeeze %dma_start3A_220 : memref<1x128x128xf32, #tpu.memory_space<vmem>> -> memref<128x128xf32, #tpu.memory_space<vmem>>
    tpu.enqueue_dma source(%dma_start3A_221 : memref<128x128xf32, #tpu.memory_space<vmem>>) target(%dma_start3A_217 : memref<128x128xf32, #tpu.memory_space<hbm>>) target_semaphore(%arg7 : memref<!tpu.dma_semaphore, #tpu.memory_space<semaphore_mem>>)
    %add3A_222 = arith.constant 384 : i32
    %add3A_223 = arith.addi %mul3A_2, %add3A_222 : i32
    %dma_start3A_224 = arith.constant 3 : i32
    %dma_start3A_225 = arith.constant 0 : i32
    %dma_start3A_226 = arith.constant 0 : i32
    %dma_start3A_227 = tpu.memref_slice %arg6[%dma_start3A_224, %dma_start3A_225, %dma_start3A_226] : memref<4x128x128xf32, #tpu.memory_space<vmem>> -> memref<1x128x128xf32, #tpu.memory_space<vmem>>
    %dma_start3A_228 = tpu.memref_squeeze %dma_start3A_227 : memref<1x128x128xf32, #tpu.memory_space<vmem>> -> memref<128x128xf32, #tpu.memory_space<vmem>>
    %dma_start3A_229 = arith.constant 0 : i32
    %dma_start3A_230 = tpu.memref_slice %arg4[%add3A_223, %dma_start3A_229] : memref<16384x128xf32, #tpu.memory_space<hbm>> -> memref<128x128xf32, #tpu.memory_space<hbm>>
    %dma_start3A_231 = arith.constant 0 : i32
    %dma_start3A_232 = tpu.memref_slice %arg4[%add3A_223, %dma_start3A_231] : memref<16384x128xf32, #tpu.memory_space<hbm>> -> memref<128x128xf32, #tpu.memory_space<hbm>>
    %dma_start3A_233 = arith.constant 0 : i32
    %dma_start3A_234 = arith.constant 0 : i32
    %dma_start3A_235 = tpu.memref_slice %arg6[%dma_start3A_224, %dma_start3A_233, %dma_start3A_234] : memref<4x128x128xf32, #tpu.memory_space<vmem>> -> memref<1x128x128xf32, #tpu.memory_space<vmem>>
    %dma_start3A_236 = tpu.memref_squeeze %dma_start3A_235 : memref<1x128x128xf32, #tpu.memory_space<vmem>> -> memref<128x128xf32, #tpu.memory_space<vmem>>
    tpu.enqueue_dma source(%dma_start3A_236 : memref<128x128xf32, #tpu.memory_space<vmem>>) target(%dma_start3A_232 : memref<128x128xf32, #tpu.memory_space<hbm>>) target_semaphore(%arg7 : memref<!tpu.dma_semaphore, #tpu.memory_space<semaphore_mem>>)
    %dma_wait3A_237 = arith.constant 0 : i32
    %dma_wait3A_238 = arith.constant 0 : i32
    %dma_wait3A_239 = arith.constant 0 : i32
    %dma_wait3A_240 = tpu.memref_slice %arg6[%dma_wait3A_237, %dma_wait3A_238, %dma_wait3A_239] : memref<4x128x128xf32, #tpu.memory_space<vmem>> -> memref<1x128x128xf32, #tpu.memory_space<vmem>>
    %dma_wait3A_241 = tpu.memref_squeeze %dma_wait3A_240 : memref<1x128x128xf32, #tpu.memory_space<vmem>> -> memref<128x128xf32, #tpu.memory_space<vmem>>
    %dma_wait3A_242 = arith.constant 0 : i32
    %dma_wait3A_243 = tpu.memref_slice %arg4[%add3A_178, %dma_wait3A_242] : memref<16384x128xf32, #tpu.memory_space<hbm>> -> memref<128x128xf32, #tpu.memory_space<hbm>>
    %dma_wait3A_244 = arith.constant 0 : i32
    %dma_wait3A_245 = tpu.memref_slice %arg4[%add3A_178, %dma_wait3A_244] : memref<16384x128xf32, #tpu.memory_space<hbm>> -> memref<128x128xf32, #tpu.memory_space<hbm>>
    %dma_wait3A_246 = arith.constant 0 : i32
    %dma_wait3A_247 = arith.constant 0 : i32
    %dma_wait3A_248 = tpu.memref_slice %arg6[%dma_wait3A_237, %dma_wait3A_246, %dma_wait3A_247] : memref<4x128x128xf32, #tpu.memory_space<vmem>> -> memref<1x128x128xf32, #tpu.memory_space<vmem>>
    %dma_wait3A_249 = tpu.memref_squeeze %dma_wait3A_248 : memref<1x128x128xf32, #tpu.memory_space<vmem>> -> memref<128x128xf32, #tpu.memory_space<vmem>>
    tpu.wait_dma2 semaphore(%arg7 : memref<!tpu.dma_semaphore, #tpu.memory_space<semaphore_mem>>) src(%dma_wait3A_249 : memref<128x128xf32, #tpu.memory_space<vmem>>) dst(%dma_wait3A_245 : memref<128x128xf32, #tpu.memory_space<hbm>>)
    %dma_wait3A_250 = arith.constant 1 : i32
    %dma_wait3A_251 = arith.constant 0 : i32
    %dma_wait3A_252 = arith.constant 0 : i32
    %dma_wait3A_253 = tpu.memref_slice %arg6[%dma_wait3A_250, %dma_wait3A_251, %dma_wait3A_252] : memref<4x128x128xf32, #tpu.memory_space<vmem>> -> memref<1x128x128xf32, #tpu.memory_space<vmem>>
    %dma_wait3A_254 = tpu.memref_squeeze %dma_wait3A_253 : memref<1x128x128xf32, #tpu.memory_space<vmem>> -> memref<128x128xf32, #tpu.memory_space<vmem>>
    %dma_wait3A_255 = arith.constant 0 : i32
    %dma_wait3A_256 = tpu.memref_slice %arg4[%add3A_193, %dma_wait3A_255] : memref<16384x128xf32, #tpu.memory_space<hbm>> -> memref<128x128xf32, #tpu.memory_space<hbm>>
    %dma_wait3A_257 = arith.constant 0 : i32
    %dma_wait3A_258 = tpu.memref_slice %arg4[%add3A_193, %dma_wait3A_257] : memref<16384x128xf32, #tpu.memory_space<hbm>> -> memref<128x128xf32, #tpu.memory_space<hbm>>
    %dma_wait3A_259 = arith.constant 0 : i32
    %dma_wait3A_260 = arith.constant 0 : i32
    %dma_wait3A_261 = tpu.memref_slice %arg6[%dma_wait3A_250, %dma_wait3A_259, %dma_wait3A_260] : memref<4x128x128xf32, #tpu.memory_space<vmem>> -> memref<1x128x128xf32, #tpu.memory_space<vmem>>
    %dma_wait3A_262 = tpu.memref_squeeze %dma_wait3A_261 : memref<1x128x128xf32, #tpu.memory_space<vmem>> -> memref<128x128xf32, #tpu.memory_space<vmem>>
    tpu.wait_dma2 semaphore(%arg7 : memref<!tpu.dma_semaphore, #tpu.memory_space<semaphore_mem>>) src(%dma_wait3A_262 : memref<128x128xf32, #tpu.memory_space<vmem>>) dst(%dma_wait3A_258 : memref<128x128xf32, #tpu.memory_space<hbm>>)
    %dma_wait3A_263 = arith.constant 2 : i32
    %dma_wait3A_264 = arith.constant 0 : i32
    %dma_wait3A_265 = arith.constant 0 : i32
    %dma_wait3A_266 = tpu.memref_slice %arg6[%dma_wait3A_263, %dma_wait3A_264, %dma_wait3A_265] : memref<4x128x128xf32, #tpu.memory_space<vmem>> -> memref<1x128x128xf32, #tpu.memory_space<vmem>>
    %dma_wait3A_267 = tpu.memref_squeeze %dma_wait3A_266 : memref<1x128x128xf32, #tpu.memory_space<vmem>> -> memref<128x128xf32, #tpu.memory_space<vmem>>
    %dma_wait3A_268 = arith.constant 0 : i32
    %dma_wait3A_269 = tpu.memref_slice %arg4[%add3A_208, %dma_wait3A_268] : memref<16384x128xf32, #tpu.memory_space<hbm>> -> memref<128x128xf32, #tpu.memory_space<hbm>>
    %dma_wait3A_270 = arith.constant 0 : i32
    %dma_wait3A_271 = tpu.memref_slice %arg4[%add3A_208, %dma_wait3A_270] : memref<16384x128xf32, #tpu.memory_space<hbm>> -> memref<128x128xf32, #tpu.memory_space<hbm>>
    %dma_wait3A_272 = arith.constant 0 : i32
    %dma_wait3A_273 = arith.constant 0 : i32
    %dma_wait3A_274 = tpu.memref_slice %arg6[%dma_wait3A_263, %dma_wait3A_272, %dma_wait3A_273] : memref<4x128x128xf32, #tpu.memory_space<vmem>> -> memref<1x128x128xf32, #tpu.memory_space<vmem>>
    %dma_wait3A_275 = tpu.memref_squeeze %dma_wait3A_274 : memref<1x128x128xf32, #tpu.memory_space<vmem>> -> memref<128x128xf32, #tpu.memory_space<vmem>>
    tpu.wait_dma2 semaphore(%arg7 : memref<!tpu.dma_semaphore, #tpu.memory_space<semaphore_mem>>) src(%dma_wait3A_275 : memref<128x128xf32, #tpu.memory_space<vmem>>) dst(%dma_wait3A_271 : memref<128x128xf32, #tpu.memory_space<hbm>>)
    %dma_wait3A_276 = arith.constant 3 : i32
    %dma_wait3A_277 = arith.constant 0 : i32
    %dma_wait3A_278 = arith.constant 0 : i32
    %dma_wait3A_279 = tpu.memref_slice %arg6[%dma_wait3A_276, %dma_wait3A_277, %dma_wait3A_278] : memref<4x128x128xf32, #tpu.memory_space<vmem>> -> memref<1x128x128xf32, #tpu.memory_space<vmem>>
    %dma_wait3A_280 = tpu.memref_squeeze %dma_wait3A_279 : memref<1x128x128xf32, #tpu.memory_space<vmem>> -> memref<128x128xf32, #tpu.memory_space<vmem>>
    %dma_wait3A_281 = arith.constant 0 : i32
    %dma_wait3A_282 = tpu.memref_slice %arg4[%add3A_223, %dma_wait3A_281] : memref<16384x128xf32, #tpu.memory_space<hbm>> -> memref<128x128xf32, #tpu.memory_space<hbm>>
    %dma_wait3A_283 = arith.constant 0 : i32
    %dma_wait3A_284 = tpu.memref_slice %arg4[%add3A_223, %dma_wait3A_283] : memref<16384x128xf32, #tpu.memory_space<hbm>> -> memref<128x128xf32, #tpu.memory_space<hbm>>
    %dma_wait3A_285 = arith.constant 0 : i32
    %dma_wait3A_286 = arith.constant 0 : i32
    %dma_wait3A_287 = tpu.memref_slice %arg6[%dma_wait3A_276, %dma_wait3A_285, %dma_wait3A_286] : memref<4x128x128xf32, #tpu.memory_space<vmem>> -> memref<1x128x128xf32, #tpu.memory_space<vmem>>
    %dma_wait3A_288 = tpu.memref_squeeze %dma_wait3A_287 : memref<1x128x128xf32, #tpu.memory_space<vmem>> -> memref<128x128xf32, #tpu.memory_space<vmem>>
    tpu.wait_dma2 semaphore(%arg7 : memref<!tpu.dma_semaphore, #tpu.memory_space<semaphore_mem>>) src(%dma_wait3A_288 : memref<128x128xf32, #tpu.memory_space<vmem>>) dst(%dma_wait3A_284 : memref<128x128xf32, #tpu.memory_space<hbm>>)
    return
  }
}

#map = affine_map<(d0, d1) -> (0)>
module attributes {stable_mosaic.version = 14 : i64} {
  func.func @winner_k(%arg0: i32, %arg1: i32, %arg2: memref<16384xi32, #tpu.memory_space<hbm>>, %arg3: memref<1000192xi32, #tpu.memory_space<hbm>>, %arg4: memref<16384xi32, #tpu.memory_space<vmem>>, %arg5: memref<31256xi32, #tpu.memory_space<vmem>>) attributes {dimension_semantics = [#tpu.dimension_semantics<core_parallel>, #tpu.dimension_semantics<subcore_parallel>], iteration_bounds = array<i64: 2, 16>, scalar_prefetch = 0 : i64, scratch_operands = 2 : i64, tpu.core_type = #tpu.core_type<sc_vector_subcore>, window_params = [{transform_indices = #map}, {transform_indices = #map}]} {
    %mul3A = arith.constant 2 : i32
    %mul3A_0 = arith.muli %arg1, %mul3A : i32
    %add3A = arith.addi %mul3A_0, %arg0 : i32
    %mul3A_1 = arith.constant 31256 : i32
    %mul3A_2 = arith.muli %add3A, %mul3A_1 : i32
    "tpu.region"() ({
      %run_scoped3A = tpu.sem_alloc : memref<!tpu.dma_semaphore, #tpu.memory_space<semaphore_mem>>
      tpu.enqueue_dma source(%arg2 : memref<16384xi32, #tpu.memory_space<hbm>>) target(%arg4 : memref<16384xi32, #tpu.memory_space<vmem>>) target_semaphore(%run_scoped3A : memref<!tpu.dma_semaphore, #tpu.memory_space<semaphore_mem>>)
      tpu.wait_dma2 semaphore(%run_scoped3A : memref<!tpu.dma_semaphore, #tpu.memory_space<semaphore_mem>>) src(%arg2 : memref<16384xi32, #tpu.memory_space<hbm>>) dst(%arg4 : memref<16384xi32, #tpu.memory_space<vmem>>)
      tpu.yield
    }) : () -> ()
    %iota3A = tpu.iota {dimensions = array<i32: 0>} : vector<16xi32>
    %scan3A = arith.constant 0 : i32
    %scan3A_3 = arith.constant 0 : i32
    %scan3A_4 = arith.constant 128 : i32
    %scan3A_5 = arith.addi %scan3A_3, %scan3A_4 : i32
    %scan3A_6 = arith.constant 1 : i32
    scf.for %scan3A_9 = %scan3A_3 to %scan3A_5 step %scan3A_6  : i32 {
      %mul3A_10 = arith.constant 8 : i32
      %mul3A_11 = arith.muli %scan3A_9, %mul3A_10 : i32
      %add3A_12 = arith.constant 0 : i32
      %add3A_13 = arith.addi %mul3A_11, %add3A_12 : i32
      %mul3A_14 = arith.constant 16 : i32
      %mul3A_15 = arith.muli %add3A_13, %mul3A_14 : i32
      %get3A = arith.index_cast %mul3A_15 : i32 to index
      %get3A_16 = tpu.vector_load %arg4[%get3A] {strides = array<i32>} : memref<16384xi32, #tpu.memory_space<vmem>>, vector<16xi32>,
      %sub3A = vector.broadcast %mul3A_2 : i32 to vector<16xi32>
      %sub3A_17 = arith.subi %get3A_16, %sub3A : vector<16xi32>
      %bitcast3A = vector.bitcast %sub3A_17 : vector<16xi32> to vector<16xi32>
      %lt3A = arith.constant 31256 : i32
      %lt3A_18 = vector.broadcast %lt3A : i32 to vector<16xi32>
      %lt3A_19 = arith.cmpi ult, %bitcast3A, %lt3A_18 : vector<16xi32>
      %jit3A = arith.constant 0 : i32
      %broadcast_in_dim3A = vector.broadcast %jit3A : i32 to vector<16xi32>
      %select_n3A = arith.select %lt3A_19, %sub3A_17, %broadcast_in_dim3A : vector<16xi1>, vector<16xi32>
      %mul3A_20 = arith.constant 16 : i32
      %mul3A_21 = arith.muli %add3A_13, %mul3A_20 : i32
      %add3A_22 = vector.broadcast %mul3A_21 : i32 to vector<16xi32>
      %add3A_23 = arith.addi %iota3A, %add3A_22 : vector<16xi32>
      tpu.vector_store_idx %arg5[%select_n3A], %add3A_23 masked %lt3A_19 : memref<31256xi32, #tpu.memory_space<vmem>>[vector<16xi32>], vector<16xi32>, vector<16xi1>
      %mul3A_24 = arith.constant 8 : i32
      %mul3A_25 = arith.muli %scan3A_9, %mul3A_24 : i32
      %add3A_26 = arith.constant 1 : i32
      %add3A_27 = arith.addi %mul3A_25, %add3A_26 : i32
      %mul3A_28 = arith.constant 16 : i32
      %mul3A_29 = arith.muli %add3A_27, %mul3A_28 : i32
      %get3A_30 = arith.index_cast %mul3A_29 : i32 to index
      %get3A_31 = tpu.vector_load %arg4[%get3A_30] {strides = array<i32>} : memref<16384xi32, #tpu.memory_space<vmem>>, vector<16xi32>,
      %sub3A_32 = vector.broadcast %mul3A_2 : i32 to vector<16xi32>
      %sub3A_33 = arith.subi %get3A_31, %sub3A_32 : vector<16xi32>
      %bitcast3A_34 = vector.bitcast %sub3A_33 : vector<16xi32> to vector<16xi32>
      %lt3A_35 = arith.constant 31256 : i32
      %lt3A_36 = vector.broadcast %lt3A_35 : i32 to vector<16xi32>
      %lt3A_37 = arith.cmpi ult, %bitcast3A_34, %lt3A_36 : vector<16xi32>
      %jit3A_38 = arith.constant 0 : i32
      %broadcast_in_dim3A_39 = vector.broadcast %jit3A_38 : i32 to vector<16xi32>
      %select_n3A_40 = arith.select %lt3A_37, %sub3A_33, %broadcast_in_dim3A_39 : vector<16xi1>, vector<16xi32>
      %mul3A_41 = arith.constant 16 : i32
      %mul3A_42 = arith.muli %add3A_27, %mul3A_41 : i32
      %add3A_43 = vector.broadcast %mul3A_42 : i32 to vector<16xi32>
      %add3A_44 = arith.addi %iota3A, %add3A_43 : vector<16xi32>
      tpu.vector_store_idx %arg5[%select_n3A_40], %add3A_44 masked %lt3A_37 : memref<31256xi32, #tpu.memory_space<vmem>>[vector<16xi32>], vector<16xi32>, vector<16xi1>
      %mul3A_45 = arith.constant 8 : i32
      %mul3A_46 = arith.muli %scan3A_9, %mul3A_45 : i32
      %add3A_47 = arith.constant 2 : i32
      %add3A_48 = arith.addi %mul3A_46, %add3A_47 : i32
      %mul3A_49 = arith.constant 16 : i32
      %mul3A_50 = arith.muli %add3A_48, %mul3A_49 : i32
      %get3A_51 = arith.index_cast %mul3A_50 : i32 to index
      %get3A_52 = tpu.vector_load %arg4[%get3A_51] {strides = array<i32>} : memref<16384xi32, #tpu.memory_space<vmem>>, vector<16xi32>,
      %sub3A_53 = vector.broadcast %mul3A_2 : i32 to vector<16xi32>
      %sub3A_54 = arith.subi %get3A_52, %sub3A_53 : vector<16xi32>
      %bitcast3A_55 = vector.bitcast %sub3A_54 : vector<16xi32> to vector<16xi32>
      %lt3A_56 = arith.constant 31256 : i32
      %lt3A_57 = vector.broadcast %lt3A_56 : i32 to vector<16xi32>
      %lt3A_58 = arith.cmpi ult, %bitcast3A_55, %lt3A_57 : vector<16xi32>
      %jit3A_59 = arith.constant 0 : i32
      %broadcast_in_dim3A_60 = vector.broadcast %jit3A_59 : i32 to vector<16xi32>
      %select_n3A_61 = arith.select %lt3A_58, %sub3A_54, %broadcast_in_dim3A_60 : vector<16xi1>, vector<16xi32>
      %mul3A_62 = arith.constant 16 : i32
      %mul3A_63 = arith.muli %add3A_48, %mul3A_62 : i32
      %add3A_64 = vector.broadcast %mul3A_63 : i32 to vector<16xi32>
      %add3A_65 = arith.addi %iota3A, %add3A_64 : vector<16xi32>
      tpu.vector_store_idx %arg5[%select_n3A_61], %add3A_65 masked %lt3A_58 : memref<31256xi32, #tpu.memory_space<vmem>>[vector<16xi32>], vector<16xi32>, vector<16xi1>
      %mul3A_66 = arith.constant 8 : i32
      %mul3A_67 = arith.muli %scan3A_9, %mul3A_66 : i32
      %add3A_68 = arith.constant 3 : i32
      %add3A_69 = arith.addi %mul3A_67, %add3A_68 : i32
      %mul3A_70 = arith.constant 16 : i32
      %mul3A_71 = arith.muli %add3A_69, %mul3A_70 : i32
      %get3A_72 = arith.index_cast %mul3A_71 : i32 to index
      %get3A_73 = tpu.vector_load %arg4[%get3A_72] {strides = array<i32>} : memref<16384xi32, #tpu.memory_space<vmem>>, vector<16xi32>,
      %sub3A_74 = vector.broadcast %mul3A_2 : i32 to vector<16xi32>
      %sub3A_75 = arith.subi %get3A_73, %sub3A_74 : vector<16xi32>
      %bitcast3A_76 = vector.bitcast %sub3A_75 : vector<16xi32> to vector<16xi32>
      %lt3A_77 = arith.constant 31256 : i32
      %lt3A_78 = vector.broadcast %lt3A_77 : i32 to vector<16xi32>
      %lt3A_79 = arith.cmpi ult, %bitcast3A_76, %lt3A_78 : vector<16xi32>
      %jit3A_80 = arith.constant 0 : i32
      %broadcast_in_dim3A_81 = vector.broadcast %jit3A_80 : i32 to vector<16xi32>
      %select_n3A_82 = arith.select %lt3A_79, %sub3A_75, %broadcast_in_dim3A_81 : vector<16xi1>, vector<16xi32>
      %mul3A_83 = arith.constant 16 : i32
      %mul3A_84 = arith.muli %add3A_69, %mul3A_83 : i32
      %add3A_85 = vector.broadcast %mul3A_84 : i32 to vector<16xi32>
      %add3A_86 = arith.addi %iota3A, %add3A_85 : vector<16xi32>
      tpu.vector_store_idx %arg5[%select_n3A_82], %add3A_86 masked %lt3A_79 : memref<31256xi32, #tpu.memory_space<vmem>>[vector<16xi32>], vector<16xi32>, vector<16xi1>
      %mul3A_87 = arith.constant 8 : i32
      %mul3A_88 = arith.muli %scan3A_9, %mul3A_87 : i32
      %add3A_89 = arith.constant 4 : i32
      %add3A_90 = arith.addi %mul3A_88, %add3A_89 : i32
      %mul3A_91 = arith.constant 16 : i32
      %mul3A_92 = arith.muli %add3A_90, %mul3A_91 : i32
      %get3A_93 = arith.index_cast %mul3A_92 : i32 to index
      %get3A_94 = tpu.vector_load %arg4[%get3A_93] {strides = array<i32>} : memref<16384xi32, #tpu.memory_space<vmem>>, vector<16xi32>,
      %sub3A_95 = vector.broadcast %mul3A_2 : i32 to vector<16xi32>
      %sub3A_96 = arith.subi %get3A_94, %sub3A_95 : vector<16xi32>
      %bitcast3A_97 = vector.bitcast %sub3A_96 : vector<16xi32> to vector<16xi32>
      %lt3A_98 = arith.constant 31256 : i32
      %lt3A_99 = vector.broadcast %lt3A_98 : i32 to vector<16xi32>
      %lt3A_100 = arith.cmpi ult, %bitcast3A_97, %lt3A_99 : vector<16xi32>
      %jit3A_101 = arith.constant 0 : i32
      %broadcast_in_dim3A_102 = vector.broadcast %jit3A_101 : i32 to vector<16xi32>
      %select_n3A_103 = arith.select %lt3A_100, %sub3A_96, %broadcast_in_dim3A_102 : vector<16xi1>, vector<16xi32>
      %mul3A_104 = arith.constant 16 : i32
      %mul3A_105 = arith.muli %add3A_90, %mul3A_104 : i32
      %add3A_106 = vector.broadcast %mul3A_105 : i32 to vector<16xi32>
      %add3A_107 = arith.addi %iota3A, %add3A_106 : vector<16xi32>
      tpu.vector_store_idx %arg5[%select_n3A_103], %add3A_107 masked %lt3A_100 : memref<31256xi32, #tpu.memory_space<vmem>>[vector<16xi32>], vector<16xi32>, vector<16xi1>
      %mul3A_108 = arith.constant 8 : i32
      %mul3A_109 = arith.muli %scan3A_9, %mul3A_108 : i32
      %add3A_110 = arith.constant 5 : i32
      %add3A_111 = arith.addi %mul3A_109, %add3A_110 : i32
      %mul3A_112 = arith.constant 16 : i32
      %mul3A_113 = arith.muli %add3A_111, %mul3A_112 : i32
      %get3A_114 = arith.index_cast %mul3A_113 : i32 to index
      %get3A_115 = tpu.vector_load %arg4[%get3A_114] {strides = array<i32>} : memref<16384xi32, #tpu.memory_space<vmem>>, vector<16xi32>,
      %sub3A_116 = vector.broadcast %mul3A_2 : i32 to vector<16xi32>
      %sub3A_117 = arith.subi %get3A_115, %sub3A_116 : vector<16xi32>
      %bitcast3A_118 = vector.bitcast %sub3A_117 : vector<16xi32> to vector<16xi32>
      %lt3A_119 = arith.constant 31256 : i32
      %lt3A_120 = vector.broadcast %lt3A_119 : i32 to vector<16xi32>
      %lt3A_121 = arith.cmpi ult, %bitcast3A_118, %lt3A_120 : vector<16xi32>
      %jit3A_122 = arith.constant 0 : i32
      %broadcast_in_dim3A_123 = vector.broadcast %jit3A_122 : i32 to vector<16xi32>
      %select_n3A_124 = arith.select %lt3A_121, %sub3A_117, %broadcast_in_dim3A_123 : vector<16xi1>, vector<16xi32>
      %mul3A_125 = arith.constant 16 : i32
      %mul3A_126 = arith.muli %add3A_111, %mul3A_125 : i32
      %add3A_127 = vector.broadcast %mul3A_126 : i32 to vector<16xi32>
      %add3A_128 = arith.addi %iota3A, %add3A_127 : vector<16xi32>
      tpu.vector_store_idx %arg5[%select_n3A_124], %add3A_128 masked %lt3A_121 : memref<31256xi32, #tpu.memory_space<vmem>>[vector<16xi32>], vector<16xi32>, vector<16xi1>
      %mul3A_129 = arith.constant 8 : i32
      %mul3A_130 = arith.muli %scan3A_9, %mul3A_129 : i32
      %add3A_131 = arith.constant 6 : i32
      %add3A_132 = arith.addi %mul3A_130, %add3A_131 : i32
      %mul3A_133 = arith.constant 16 : i32
      %mul3A_134 = arith.muli %add3A_132, %mul3A_133 : i32
      %get3A_135 = arith.index_cast %mul3A_134 : i32 to index
      %get3A_136 = tpu.vector_load %arg4[%get3A_135] {strides = array<i32>} : memref<16384xi32, #tpu.memory_space<vmem>>, vector<16xi32>,
      %sub3A_137 = vector.broadcast %mul3A_2 : i32 to vector<16xi32>
      %sub3A_138 = arith.subi %get3A_136, %sub3A_137 : vector<16xi32>
      %bitcast3A_139 = vector.bitcast %sub3A_138 : vector<16xi32> to vector<16xi32>
      %lt3A_140 = arith.constant 31256 : i32
      %lt3A_141 = vector.broadcast %lt3A_140 : i32 to vector<16xi32>
      %lt3A_142 = arith.cmpi ult, %bitcast3A_139, %lt3A_141 : vector<16xi32>
      %jit3A_143 = arith.constant 0 : i32
      %broadcast_in_dim3A_144 = vector.broadcast %jit3A_143 : i32 to vector<16xi32>
      %select_n3A_145 = arith.select %lt3A_142, %sub3A_138, %broadcast_in_dim3A_144 : vector<16xi1>, vector<16xi32>
      %mul3A_146 = arith.constant 16 : i32
      %mul3A_147 = arith.muli %add3A_132, %mul3A_146 : i32
      %add3A_148 = vector.broadcast %mul3A_147 : i32 to vector<16xi32>
      %add3A_149 = arith.addi %iota3A, %add3A_148 : vector<16xi32>
      tpu.vector_store_idx %arg5[%select_n3A_145], %add3A_149 masked %lt3A_142 : memref<31256xi32, #tpu.memory_space<vmem>>[vector<16xi32>], vector<16xi32>, vector<16xi1>
      %mul3A_150 = arith.constant 8 : i32
      %mul3A_151 = arith.muli %scan3A_9, %mul3A_150 : i32
      %add3A_152 = arith.constant 7 : i32
      %add3A_153 = arith.addi %mul3A_151, %add3A_152 : i32
      %mul3A_154 = arith.constant 16 : i32
      %mul3A_155 = arith.muli %add3A_153, %mul3A_154 : i32
      %get3A_156 = arith.index_cast %mul3A_155 : i32 to index
      %get3A_157 = tpu.vector_load %arg4[%get3A_156] {strides = array<i32>} : memref<16384xi32, #tpu.memory_space<vmem>>, vector<16xi32>,
      %sub3A_158 = vector.broadcast %mul3A_2 : i32 to vector<16xi32>
      %sub3A_159 = arith.subi %get3A_157, %sub3A_158 : vector<16xi32>
      %bitcast3A_160 = vector.bitcast %sub3A_159 : vector<16xi32> to vector<16xi32>
      %lt3A_161 = arith.constant 31256 : i32
      %lt3A_162 = vector.broadcast %lt3A_161 : i32 to vector<16xi32>
      %lt3A_163 = arith.cmpi ult, %bitcast3A_160, %lt3A_162 : vector<16xi32>
      %jit3A_164 = arith.constant 0 : i32
      %broadcast_in_dim3A_165 = vector.broadcast %jit3A_164 : i32 to vector<16xi32>
      %select_n3A_166 = arith.select %lt3A_163, %sub3A_159, %broadcast_in_dim3A_165 : vector<16xi1>, vector<16xi32>
      %mul3A_167 = arith.constant 16 : i32
      %mul3A_168 = arith.muli %add3A_153, %mul3A_167 : i32
      %add3A_169 = vector.broadcast %mul3A_168 : i32 to vector<16xi32>
      %add3A_170 = arith.addi %iota3A, %add3A_169 : vector<16xi32>
      tpu.vector_store_idx %arg5[%select_n3A_166], %add3A_170 masked %lt3A_163 : memref<31256xi32, #tpu.memory_space<vmem>>[vector<16xi32>], vector<16xi32>, vector<16xi1>
    }
    %scan3A_7 = arith.constant 128 : i32
    %while3A = arith.constant 1 : i32
    %while3A_8 = scf.while (%while3A_9 = %while3A) : (i32) -> i32 {
      %gt3A = arith.constant 0 : i32
      %gt3A_10 = arith.cmpi sgt, %while3A_9, %gt3A : i32
      scf.condition(%gt3A_10) %while3A_9 : i32
    } do {
    ^bb0(%while3A_9: i32):
      %scan3A_10 = arith.constant 0 : i32
      %scan3A_11 = arith.constant 0 : i32
      %scan3A_12 = arith.constant 128 : i32
      %scan3A_13 = arith.addi %scan3A_11, %scan3A_12 : i32
      %scan3A_14 = arith.constant 1 : i32
      %scan3A_15 = scf.for %scan3A_17 = %scan3A_11 to %scan3A_13 step %scan3A_14 iter_args(%scan3A_18 = %scan3A_10) -> (i32)  : i32 {
        %mul3A_19 = arith.constant 8 : i32
        %mul3A_20 = arith.muli %scan3A_17, %mul3A_19 : i32
        %add3A_21 = arith.constant 0 : i32
        %add3A_22 = arith.addi %mul3A_20, %add3A_21 : i32
        %mul3A_23 = arith.constant 16 : i32
        %mul3A_24 = arith.muli %add3A_22, %mul3A_23 : i32
        %get3A = arith.index_cast %mul3A_24 : i32 to index
        %get3A_25 = tpu.vector_load %arg4[%get3A] {strides = array<i32>} : memref<16384xi32, #tpu.memory_space<vmem>>, vector<16xi32>,
        %sub3A = vector.broadcast %mul3A_2 : i32 to vector<16xi32>
        %sub3A_26 = arith.subi %get3A_25, %sub3A : vector<16xi32>
        %bitcast3A = vector.bitcast %sub3A_26 : vector<16xi32> to vector<16xi32>
        %lt3A = arith.constant 31256 : i32
        %lt3A_27 = vector.broadcast %lt3A : i32 to vector<16xi32>
        %lt3A_28 = arith.cmpi ult, %bitcast3A, %lt3A_27 : vector<16xi32>
        %jit3A = arith.constant 0 : i32
        %broadcast_in_dim3A = vector.broadcast %jit3A : i32 to vector<16xi32>
        %select_n3A = arith.select %lt3A_28, %sub3A_26, %broadcast_in_dim3A : vector<16xi1>, vector<16xi32>
        %mul3A_29 = arith.constant 16 : i32
        %mul3A_30 = arith.muli %add3A_22, %mul3A_29 : i32
        %add3A_31 = vector.broadcast %mul3A_30 : i32 to vector<16xi32>
        %add3A_32 = arith.addi %iota3A, %add3A_31 : vector<16xi32>
        %gather3A = tpu.vector_load_idx %arg5[%select_n3A] masked %lt3A_28 : memref<31256xi32, #tpu.memory_space<vmem>>[vector<16xi32>], vector<16xi32>, vector<16xi1>
        %lt3A_33 = arith.cmpi slt, %gather3A, %add3A_32 : vector<16xi32>
        %and3A = arith.andi %lt3A_28, %lt3A_33 : vector<16xi1>
        tpu.vector_store_idx %arg5[%select_n3A], %add3A_32 masked %and3A : memref<31256xi32, #tpu.memory_space<vmem>>[vector<16xi32>], vector<16xi32>, vector<16xi1>
        %convert_element_type3A = arith.extui %and3A : vector<16xi1> to vector<16xi32>
        %reduce_sum3A = arith.constant true
        %reduce_sum3A_34 = vector.broadcast %reduce_sum3A : i1 to vector<16xi1>
        %reduce_sum3A_35 = tpu.scan <sum>, %convert_element_type3A masked %reduce_sum3A_34 : vector<16xi32>, vector<16xi1> -> vector<16xi32>
        %reduce_sum3A_36 = vector.extract %reduce_sum3A_35[15] : i32 from vector<16xi32>
        %add3A_37 = arith.addi %scan3A_18, %reduce_sum3A_36 : i32
        %mul3A_38 = arith.constant 8 : i32
        %mul3A_39 = arith.muli %scan3A_17, %mul3A_38 : i32
        %add3A_40 = arith.constant 1 : i32
        %add3A_41 = arith.addi %mul3A_39, %add3A_40 : i32
        %mul3A_42 = arith.constant 16 : i32
        %mul3A_43 = arith.muli %add3A_41, %mul3A_42 : i32
        %get3A_44 = arith.index_cast %mul3A_43 : i32 to index
        %get3A_45 = tpu.vector_load %arg4[%get3A_44] {strides = array<i32>} : memref<16384xi32, #tpu.memory_space<vmem>>, vector<16xi32>,
        %sub3A_46 = vector.broadcast %mul3A_2 : i32 to vector<16xi32>
        %sub3A_47 = arith.subi %get3A_45, %sub3A_46 : vector<16xi32>
        %bitcast3A_48 = vector.bitcast %sub3A_47 : vector<16xi32> to vector<16xi32>
        %lt3A_49 = arith.constant 31256 : i32
        %lt3A_50 = vector.broadcast %lt3A_49 : i32 to vector<16xi32>
        %lt3A_51 = arith.cmpi ult, %bitcast3A_48, %lt3A_50 : vector<16xi32>
        %jit3A_52 = arith.constant 0 : i32
        %broadcast_in_dim3A_53 = vector.broadcast %jit3A_52 : i32 to vector<16xi32>
        %select_n3A_54 = arith.select %lt3A_51, %sub3A_47, %broadcast_in_dim3A_53 : vector<16xi1>, vector<16xi32>
        %mul3A_55 = arith.constant 16 : i32
        %mul3A_56 = arith.muli %add3A_41, %mul3A_55 : i32
        %add3A_57 = vector.broadcast %mul3A_56 : i32 to vector<16xi32>
        %add3A_58 = arith.addi %iota3A, %add3A_57 : vector<16xi32>
        %gather3A_59 = tpu.vector_load_idx %arg5[%select_n3A_54] masked %lt3A_51 : memref<31256xi32, #tpu.memory_space<vmem>>[vector<16xi32>], vector<16xi32>, vector<16xi1>
        %lt3A_60 = arith.cmpi slt, %gather3A_59, %add3A_58 : vector<16xi32>
        %and3A_61 = arith.andi %lt3A_51, %lt3A_60 : vector<16xi1>
        tpu.vector_store_idx %arg5[%select_n3A_54], %add3A_58 masked %and3A_61 : memref<31256xi32, #tpu.memory_space<vmem>>[vector<16xi32>], vector<16xi32>, vector<16xi1>
        %convert_element_type3A_62 = arith.extui %and3A_61 : vector<16xi1> to vector<16xi32>
        %reduce_sum3A_63 = arith.constant true
        %reduce_sum3A_64 = vector.broadcast %reduce_sum3A_63 : i1 to vector<16xi1>
        %reduce_sum3A_65 = tpu.scan <sum>, %convert_element_type3A_62 masked %reduce_sum3A_64 : vector<16xi32>, vector<16xi1> -> vector<16xi32>
        %reduce_sum3A_66 = vector.extract %reduce_sum3A_65[15] : i32 from vector<16xi32>
        %add3A_67 = arith.addi %add3A_37, %reduce_sum3A_66 : i32
        %mul3A_68 = arith.constant 8 : i32
        %mul3A_69 = arith.muli %scan3A_17, %mul3A_68 : i32
        %add3A_70 = arith.constant 2 : i32
        %add3A_71 = arith.addi %mul3A_69, %add3A_70 : i32
        %mul3A_72 = arith.constant 16 : i32
        %mul3A_73 = arith.muli %add3A_71, %mul3A_72 : i32
        %get3A_74 = arith.index_cast %mul3A_73 : i32 to index
        %get3A_75 = tpu.vector_load %arg4[%get3A_74] {strides = array<i32>} : memref<16384xi32, #tpu.memory_space<vmem>>, vector<16xi32>,
        %sub3A_76 = vector.broadcast %mul3A_2 : i32 to vector<16xi32>
        %sub3A_77 = arith.subi %get3A_75, %sub3A_76 : vector<16xi32>
        %bitcast3A_78 = vector.bitcast %sub3A_77 : vector<16xi32> to vector<16xi32>
        %lt3A_79 = arith.constant 31256 : i32
        %lt3A_80 = vector.broadcast %lt3A_79 : i32 to vector<16xi32>
        %lt3A_81 = arith.cmpi ult, %bitcast3A_78, %lt3A_80 : vector<16xi32>
        %jit3A_82 = arith.constant 0 : i32
        %broadcast_in_dim3A_83 = vector.broadcast %jit3A_82 : i32 to vector<16xi32>
        %select_n3A_84 = arith.select %lt3A_81, %sub3A_77, %broadcast_in_dim3A_83 : vector<16xi1>, vector<16xi32>
        %mul3A_85 = arith.constant 16 : i32
        %mul3A_86 = arith.muli %add3A_71, %mul3A_85 : i32
        %add3A_87 = vector.broadcast %mul3A_86 : i32 to vector<16xi32>
        %add3A_88 = arith.addi %iota3A, %add3A_87 : vector<16xi32>
        %gather3A_89 = tpu.vector_load_idx %arg5[%select_n3A_84] masked %lt3A_81 : memref<31256xi32, #tpu.memory_space<vmem>>[vector<16xi32>], vector<16xi32>, vector<16xi1>
        %lt3A_90 = arith.cmpi slt, %gather3A_89, %add3A_88 : vector<16xi32>
        %and3A_91 = arith.andi %lt3A_81, %lt3A_90 : vector<16xi1>
        tpu.vector_store_idx %arg5[%select_n3A_84], %add3A_88 masked %and3A_91 : memref<31256xi32, #tpu.memory_space<vmem>>[vector<16xi32>], vector<16xi32>, vector<16xi1>
        %convert_element_type3A_92 = arith.extui %and3A_91 : vector<16xi1> to vector<16xi32>
        %reduce_sum3A_93 = arith.constant true
        %reduce_sum3A_94 = vector.broadcast %reduce_sum3A_93 : i1 to vector<16xi1>
        %reduce_sum3A_95 = tpu.scan <sum>, %convert_element_type3A_92 masked %reduce_sum3A_94 : vector<16xi32>, vector<16xi1> -> vector<16xi32>
        %reduce_sum3A_96 = vector.extract %reduce_sum3A_95[15] : i32 from vector<16xi32>
        %add3A_97 = arith.addi %add3A_67, %reduce_sum3A_96 : i32
        %mul3A_98 = arith.constant 8 : i32
        %mul3A_99 = arith.muli %scan3A_17, %mul3A_98 : i32
        %add3A_100 = arith.constant 3 : i32
        %add3A_101 = arith.addi %mul3A_99, %add3A_100 : i32
        %mul3A_102 = arith.constant 16 : i32
        %mul3A_103 = arith.muli %add3A_101, %mul3A_102 : i32
        %get3A_104 = arith.index_cast %mul3A_103 : i32 to index
        %get3A_105 = tpu.vector_load %arg4[%get3A_104] {strides = array<i32>} : memref<16384xi32, #tpu.memory_space<vmem>>, vector<16xi32>,
        %sub3A_106 = vector.broadcast %mul3A_2 : i32 to vector<16xi32>
        %sub3A_107 = arith.subi %get3A_105, %sub3A_106 : vector<16xi32>
        %bitcast3A_108 = vector.bitcast %sub3A_107 : vector<16xi32> to vector<16xi32>
        %lt3A_109 = arith.constant 31256 : i32
        %lt3A_110 = vector.broadcast %lt3A_109 : i32 to vector<16xi32>
        %lt3A_111 = arith.cmpi ult, %bitcast3A_108, %lt3A_110 : vector<16xi32>
        %jit3A_112 = arith.constant 0 : i32
        %broadcast_in_dim3A_113 = vector.broadcast %jit3A_112 : i32 to vector<16xi32>
        %select_n3A_114 = arith.select %lt3A_111, %sub3A_107, %broadcast_in_dim3A_113 : vector<16xi1>, vector<16xi32>
        %mul3A_115 = arith.constant 16 : i32
        %mul3A_116 = arith.muli %add3A_101, %mul3A_115 : i32
        %add3A_117 = vector.broadcast %mul3A_116 : i32 to vector<16xi32>
        %add3A_118 = arith.addi %iota3A, %add3A_117 : vector<16xi32>
        %gather3A_119 = tpu.vector_load_idx %arg5[%select_n3A_114] masked %lt3A_111 : memref<31256xi32, #tpu.memory_space<vmem>>[vector<16xi32>], vector<16xi32>, vector<16xi1>
        %lt3A_120 = arith.cmpi slt, %gather3A_119, %add3A_118 : vector<16xi32>
        %and3A_121 = arith.andi %lt3A_111, %lt3A_120 : vector<16xi1>
        tpu.vector_store_idx %arg5[%select_n3A_114], %add3A_118 masked %and3A_121 : memref<31256xi32, #tpu.memory_space<vmem>>[vector<16xi32>], vector<16xi32>, vector<16xi1>
        %convert_element_type3A_122 = arith.extui %and3A_121 : vector<16xi1> to vector<16xi32>
        %reduce_sum3A_123 = arith.constant true
        %reduce_sum3A_124 = vector.broadcast %reduce_sum3A_123 : i1 to vector<16xi1>
        %reduce_sum3A_125 = tpu.scan <sum>, %convert_element_type3A_122 masked %reduce_sum3A_124 : vector<16xi32>, vector<16xi1> -> vector<16xi32>
        %reduce_sum3A_126 = vector.extract %reduce_sum3A_125[15] : i32 from vector<16xi32>
        %add3A_127 = arith.addi %add3A_97, %reduce_sum3A_126 : i32
        %mul3A_128 = arith.constant 8 : i32
        %mul3A_129 = arith.muli %scan3A_17, %mul3A_128 : i32
        %add3A_130 = arith.constant 4 : i32
        %add3A_131 = arith.addi %mul3A_129, %add3A_130 : i32
        %mul3A_132 = arith.constant 16 : i32
        %mul3A_133 = arith.muli %add3A_131, %mul3A_132 : i32
        %get3A_134 = arith.index_cast %mul3A_133 : i32 to index
        %get3A_135 = tpu.vector_load %arg4[%get3A_134] {strides = array<i32>} : memref<16384xi32, #tpu.memory_space<vmem>>, vector<16xi32>,
        %sub3A_136 = vector.broadcast %mul3A_2 : i32 to vector<16xi32>
        %sub3A_137 = arith.subi %get3A_135, %sub3A_136 : vector<16xi32>
        %bitcast3A_138 = vector.bitcast %sub3A_137 : vector<16xi32> to vector<16xi32>
        %lt3A_139 = arith.constant 31256 : i32
        %lt3A_140 = vector.broadcast %lt3A_139 : i32 to vector<16xi32>
        %lt3A_141 = arith.cmpi ult, %bitcast3A_138, %lt3A_140 : vector<16xi32>
        %jit3A_142 = arith.constant 0 : i32
        %broadcast_in_dim3A_143 = vector.broadcast %jit3A_142 : i32 to vector<16xi32>
        %select_n3A_144 = arith.select %lt3A_141, %sub3A_137, %broadcast_in_dim3A_143 : vector<16xi1>, vector<16xi32>
        %mul3A_145 = arith.constant 16 : i32
        %mul3A_146 = arith.muli %add3A_131, %mul3A_145 : i32
        %add3A_147 = vector.broadcast %mul3A_146 : i32 to vector<16xi32>
        %add3A_148 = arith.addi %iota3A, %add3A_147 : vector<16xi32>
        %gather3A_149 = tpu.vector_load_idx %arg5[%select_n3A_144] masked %lt3A_141 : memref<31256xi32, #tpu.memory_space<vmem>>[vector<16xi32>], vector<16xi32>, vector<16xi1>
        %lt3A_150 = arith.cmpi slt, %gather3A_149, %add3A_148 : vector<16xi32>
        %and3A_151 = arith.andi %lt3A_141, %lt3A_150 : vector<16xi1>
        tpu.vector_store_idx %arg5[%select_n3A_144], %add3A_148 masked %and3A_151 : memref<31256xi32, #tpu.memory_space<vmem>>[vector<16xi32>], vector<16xi32>, vector<16xi1>
        %convert_element_type3A_152 = arith.extui %and3A_151 : vector<16xi1> to vector<16xi32>
        %reduce_sum3A_153 = arith.constant true
        %reduce_sum3A_154 = vector.broadcast %reduce_sum3A_153 : i1 to vector<16xi1>
        %reduce_sum3A_155 = tpu.scan <sum>, %convert_element_type3A_152 masked %reduce_sum3A_154 : vector<16xi32>, vector<16xi1> -> vector<16xi32>
        %reduce_sum3A_156 = vector.extract %reduce_sum3A_155[15] : i32 from vector<16xi32>
        %add3A_157 = arith.addi %add3A_127, %reduce_sum3A_156 : i32
        %mul3A_158 = arith.constant 8 : i32
        %mul3A_159 = arith.muli %scan3A_17, %mul3A_158 : i32
        %add3A_160 = arith.constant 5 : i32
        %add3A_161 = arith.addi %mul3A_159, %add3A_160 : i32
        %mul3A_162 = arith.constant 16 : i32
        %mul3A_163 = arith.muli %add3A_161, %mul3A_162 : i32
        %get3A_164 = arith.index_cast %mul3A_163 : i32 to index
        %get3A_165 = tpu.vector_load %arg4[%get3A_164] {strides = array<i32>} : memref<16384xi32, #tpu.memory_space<vmem>>, vector<16xi32>,
        %sub3A_166 = vector.broadcast %mul3A_2 : i32 to vector<16xi32>
        %sub3A_167 = arith.subi %get3A_165, %sub3A_166 : vector<16xi32>
        %bitcast3A_168 = vector.bitcast %sub3A_167 : vector<16xi32> to vector<16xi32>
        %lt3A_169 = arith.constant 31256 : i32
        %lt3A_170 = vector.broadcast %lt3A_169 : i32 to vector<16xi32>
        %lt3A_171 = arith.cmpi ult, %bitcast3A_168, %lt3A_170 : vector<16xi32>
        %jit3A_172 = arith.constant 0 : i32
        %broadcast_in_dim3A_173 = vector.broadcast %jit3A_172 : i32 to vector<16xi32>
        %select_n3A_174 = arith.select %lt3A_171, %sub3A_167, %broadcast_in_dim3A_173 : vector<16xi1>, vector<16xi32>
        %mul3A_175 = arith.constant 16 : i32
        %mul3A_176 = arith.muli %add3A_161, %mul3A_175 : i32
        %add3A_177 = vector.broadcast %mul3A_176 : i32 to vector<16xi32>
        %add3A_178 = arith.addi %iota3A, %add3A_177 : vector<16xi32>
        %gather3A_179 = tpu.vector_load_idx %arg5[%select_n3A_174] masked %lt3A_171 : memref<31256xi32, #tpu.memory_space<vmem>>[vector<16xi32>], vector<16xi32>, vector<16xi1>
        %lt3A_180 = arith.cmpi slt, %gather3A_179, %add3A_178 : vector<16xi32>
        %and3A_181 = arith.andi %lt3A_171, %lt3A_180 : vector<16xi1>
        tpu.vector_store_idx %arg5[%select_n3A_174], %add3A_178 masked %and3A_181 : memref<31256xi32, #tpu.memory_space<vmem>>[vector<16xi32>], vector<16xi32>, vector<16xi1>
        %convert_element_type3A_182 = arith.extui %and3A_181 : vector<16xi1> to vector<16xi32>
        %reduce_sum3A_183 = arith.constant true
        %reduce_sum3A_184 = vector.broadcast %reduce_sum3A_183 : i1 to vector<16xi1>
        %reduce_sum3A_185 = tpu.scan <sum>, %convert_element_type3A_182 masked %reduce_sum3A_184 : vector<16xi32>, vector<16xi1> -> vector<16xi32>
        %reduce_sum3A_186 = vector.extract %reduce_sum3A_185[15] : i32 from vector<16xi32>
        %add3A_187 = arith.addi %add3A_157, %reduce_sum3A_186 : i32
        %mul3A_188 = arith.constant 8 : i32
        %mul3A_189 = arith.muli %scan3A_17, %mul3A_188 : i32
        %add3A_190 = arith.constant 6 : i32
        %add3A_191 = arith.addi %mul3A_189, %add3A_190 : i32
        %mul3A_192 = arith.constant 16 : i32
        %mul3A_193 = arith.muli %add3A_191, %mul3A_192 : i32
        %get3A_194 = arith.index_cast %mul3A_193 : i32 to index
        %get3A_195 = tpu.vector_load %arg4[%get3A_194] {strides = array<i32>} : memref<16384xi32, #tpu.memory_space<vmem>>, vector<16xi32>,
        %sub3A_196 = vector.broadcast %mul3A_2 : i32 to vector<16xi32>
        %sub3A_197 = arith.subi %get3A_195, %sub3A_196 : vector<16xi32>
        %bitcast3A_198 = vector.bitcast %sub3A_197 : vector<16xi32> to vector<16xi32>
        %lt3A_199 = arith.constant 31256 : i32
        %lt3A_200 = vector.broadcast %lt3A_199 : i32 to vector<16xi32>
        %lt3A_201 = arith.cmpi ult, %bitcast3A_198, %lt3A_200 : vector<16xi32>
        %jit3A_202 = arith.constant 0 : i32
        %broadcast_in_dim3A_203 = vector.broadcast %jit3A_202 : i32 to vector<16xi32>
        %select_n3A_204 = arith.select %lt3A_201, %sub3A_197, %broadcast_in_dim3A_203 : vector<16xi1>, vector<16xi32>
        %mul3A_205 = arith.constant 16 : i32
        %mul3A_206 = arith.muli %add3A_191, %mul3A_205 : i32
        %add3A_207 = vector.broadcast %mul3A_206 : i32 to vector<16xi32>
        %add3A_208 = arith.addi %iota3A, %add3A_207 : vector<16xi32>
        %gather3A_209 = tpu.vector_load_idx %arg5[%select_n3A_204] masked %lt3A_201 : memref<31256xi32, #tpu.memory_space<vmem>>[vector<16xi32>], vector<16xi32>, vector<16xi1>
        %lt3A_210 = arith.cmpi slt, %gather3A_209, %add3A_208 : vector<16xi32>
        %and3A_211 = arith.andi %lt3A_201, %lt3A_210 : vector<16xi1>
        tpu.vector_store_idx %arg5[%select_n3A_204], %add3A_208 masked %and3A_211 : memref<31256xi32, #tpu.memory_space<vmem>>[vector<16xi32>], vector<16xi32>, vector<16xi1>
        %convert_element_type3A_212 = arith.extui %and3A_211 : vector<16xi1> to vector<16xi32>
        %reduce_sum3A_213 = arith.constant true
        %reduce_sum3A_214 = vector.broadcast %reduce_sum3A_213 : i1 to vector<16xi1>
        %reduce_sum3A_215 = tpu.scan <sum>, %convert_element_type3A_212 masked %reduce_sum3A_214 : vector<16xi32>, vector<16xi1> -> vector<16xi32>
        %reduce_sum3A_216 = vector.extract %reduce_sum3A_215[15] : i32 from vector<16xi32>
        %add3A_217 = arith.addi %add3A_187, %reduce_sum3A_216 : i32
        %mul3A_218 = arith.constant 8 : i32
        %mul3A_219 = arith.muli %scan3A_17, %mul3A_218 : i32
        %add3A_220 = arith.constant 7 : i32
        %add3A_221 = arith.addi %mul3A_219, %add3A_220 : i32
        %mul3A_222 = arith.constant 16 : i32
        %mul3A_223 = arith.muli %add3A_221, %mul3A_222 : i32
        %get3A_224 = arith.index_cast %mul3A_223 : i32 to index
        %get3A_225 = tpu.vector_load %arg4[%get3A_224] {strides = array<i32>} : memref<16384xi32, #tpu.memory_space<vmem>>, vector<16xi32>,
        %sub3A_226 = vector.broadcast %mul3A_2 : i32 to vector<16xi32>
        %sub3A_227 = arith.subi %get3A_225, %sub3A_226 : vector<16xi32>
        %bitcast3A_228 = vector.bitcast %sub3A_227 : vector<16xi32> to vector<16xi32>
        %lt3A_229 = arith.constant 31256 : i32
        %lt3A_230 = vector.broadcast %lt3A_229 : i32 to vector<16xi32>
        %lt3A_231 = arith.cmpi ult, %bitcast3A_228, %lt3A_230 : vector<16xi32>
        %jit3A_232 = arith.constant 0 : i32
        %broadcast_in_dim3A_233 = vector.broadcast %jit3A_232 : i32 to vector<16xi32>
        %select_n3A_234 = arith.select %lt3A_231, %sub3A_227, %broadcast_in_dim3A_233 : vector<16xi1>, vector<16xi32>
        %mul3A_235 = arith.constant 16 : i32
        %mul3A_236 = arith.muli %add3A_221, %mul3A_235 : i32
        %add3A_237 = vector.broadcast %mul3A_236 : i32 to vector<16xi32>
        %add3A_238 = arith.addi %iota3A, %add3A_237 : vector<16xi32>
        %gather3A_239 = tpu.vector_load_idx %arg5[%select_n3A_234] masked %lt3A_231 : memref<31256xi32, #tpu.memory_space<vmem>>[vector<16xi32>], vector<16xi32>, vector<16xi1>
        %lt3A_240 = arith.cmpi slt, %gather3A_239, %add3A_238 : vector<16xi32>
        %and3A_241 = arith.andi %lt3A_231, %lt3A_240 : vector<16xi1>
        tpu.vector_store_idx %arg5[%select_n3A_234], %add3A_238 masked %and3A_241 : memref<31256xi32, #tpu.memory_space<vmem>>[vector<16xi32>], vector<16xi32>, vector<16xi1>
        %convert_element_type3A_242 = arith.extui %and3A_241 : vector<16xi1> to vector<16xi32>
        %reduce_sum3A_243 = arith.constant true
        %reduce_sum3A_244 = vector.broadcast %reduce_sum3A_243 : i1 to vector<16xi1>
        %reduce_sum3A_245 = tpu.scan <sum>, %convert_element_type3A_242 masked %reduce_sum3A_244 : vector<16xi32>, vector<16xi1> -> vector<16xi32>
        %reduce_sum3A_246 = vector.extract %reduce_sum3A_245[15] : i32 from vector<16xi32>
        %add3A_247 = arith.addi %add3A_217, %reduce_sum3A_246 : i32
        scf.yield %add3A_247 : i32
      }
      %scan3A_16 = arith.constant 128 : i32
      scf.yield %scan3A_15 : i32
    }
    "tpu.region"() ({
      %run_scoped3A = tpu.sem_alloc : memref<!tpu.dma_semaphore, #tpu.memory_space<semaphore_mem>>
      %dma_start3A = tpu.memref_slice %arg3[%mul3A_2] : memref<1000192xi32, #tpu.memory_space<hbm>> -> memref<31256xi32, #tpu.memory_space<hbm>>
      %dma_start3A_9 = tpu.memref_slice %arg3[%mul3A_2] : memref<1000192xi32, #tpu.memory_space<hbm>> -> memref<31256xi32, #tpu.memory_space<hbm>>
      tpu.enqueue_dma source(%arg5 : memref<31256xi32, #tpu.memory_space<vmem>>) target(%dma_start3A_9 : memref<31256xi32, #tpu.memory_space<hbm>>) target_semaphore(%run_scoped3A : memref<!tpu.dma_semaphore, #tpu.memory_space<semaphore_mem>>)
      %dma_wait3A = tpu.memref_slice %arg3[%mul3A_2] : memref<1000192xi32, #tpu.memory_space<hbm>> -> memref<31256xi32, #tpu.memory_space<hbm>>
      %dma_wait3A_10 = tpu.memref_slice %arg3[%mul3A_2] : memref<1000192xi32, #tpu.memory_space<hbm>> -> memref<31256xi32, #tpu.memory_space<hbm>>
      tpu.wait_dma2 semaphore(%run_scoped3A : memref<!tpu.dma_semaphore, #tpu.memory_space<semaphore_mem>>) src(%arg5 : memref<31256xi32, #tpu.memory_space<vmem>>) dst(%dma_wait3A_10 : memref<31256xi32, #tpu.memory_space<hbm>>)
      tpu.yield
    }) : () -> ()
    return
  }
}

#map = affine_map<(d0, d1) -> (0)>
#map1 = affine_map<(d0, d1) -> (0, 0)>
module attributes {stable_mosaic.version = 14 : i64} {
  func.func @new_body(%arg0: i32, %arg1: i32, %arg2: memref<16384xi32, #tpu.memory_space<hbm>>, %arg3: memref<1000192xi32, #tpu.memory_space<hbm>>, %arg4: memref<16384x128xf32, #tpu.memory_space<hbm>>, %arg5: memref<16384xf32, #tpu.memory_space<hbm>>, %arg6: memref<1000000x128xf32, #tpu.memory_space<hbm>>, %arg7: memref<1000000xf32, #tpu.memory_space<hbm>>, %arg8: memref<1000000x128xf32, #tpu.memory_space<hbm>>, %arg9: memref<1000000xf32, #tpu.memory_space<hbm>>, %arg10: memref<4x128xi32, #tpu.memory_space<vmem>>, %arg11: memref<4x128xi32, #tpu.memory_space<vmem>>, %arg12: memref<4x128x128xf32, #tpu.memory_space<vmem>>, %arg13: memref<4x128xf32, #tpu.memory_space<vmem>>, %arg14: memref<!tpu.dma_semaphore, #tpu.memory_space<semaphore_mem>>, %arg15: memref<!tpu.dma_semaphore, #tpu.memory_space<semaphore_mem>>, %arg16: memref<!tpu.dma_semaphore, #tpu.memory_space<semaphore_mem>>, %arg17: memref<!tpu.dma_semaphore, #tpu.memory_space<semaphore_mem>>) attributes {dimension_semantics = [#tpu.dimension_semantics<core_parallel>, #tpu.dimension_semantics<subcore_parallel>], iteration_bounds = array<i64: 2, 16>, scalar_prefetch = 0 : i64, scratch_operands = 8 : i64, tpu.core_type = #tpu.core_type<sc_vector_subcore>, window_params = [{transform_indices = #map}, {transform_indices = #map}, {transform_indices = #map1}, {transform_indices = #map}, {transform_indices = #map1}, {transform_indices = #map}, {transform_indices = #map1}, {transform_indices = #map}]} {
    %mul3A = arith.constant 2 : i32
    %mul3A_0 = arith.muli %arg1, %mul3A : i32
    %add3A = arith.addi %mul3A_0, %arg0 : i32
    %mul3A_1 = arith.constant 512 : i32
    %mul3A_2 = arith.muli %add3A, %mul3A_1 : i32
    %add3A_3 = arith.constant 0 : i32
    %add3A_4 = arith.addi %mul3A_2, %add3A_3 : i32
    %dma_start3A = arith.constant 0 : i32
    %dma_start3A_5 = arith.constant 0 : i32
    %dma_start3A_6 = tpu.memref_slice %arg10[%dma_start3A, %dma_start3A_5] : memref<4x128xi32, #tpu.memory_space<vmem>> -> memref<1x128xi32, #tpu.memory_space<vmem>>
    %dma_start3A_7 = tpu.memref_squeeze %dma_start3A_6 : memref<1x128xi32, #tpu.memory_space<vmem>> -> memref<128xi32, #tpu.memory_space<vmem>>
    %dma_start3A_8 = tpu.memref_slice %arg2[%add3A_4] : memref<16384xi32, #tpu.memory_space<hbm>> -> memref<128xi32, #tpu.memory_space<hbm>>
    %dma_start3A_9 = arith.constant 0 : i32
    %dma_start3A_10 = tpu.memref_slice %arg10[%dma_start3A, %dma_start3A_9] : memref<4x128xi32, #tpu.memory_space<vmem>> -> memref<1x128xi32, #tpu.memory_space<vmem>>
    %dma_start3A_11 = tpu.memref_squeeze %dma_start3A_10 : memref<1x128xi32, #tpu.memory_space<vmem>> -> memref<128xi32, #tpu.memory_space<vmem>>
    %dma_start3A_12 = tpu.memref_slice %arg2[%add3A_4] : memref<16384xi32, #tpu.memory_space<hbm>> -> memref<128xi32, #tpu.memory_space<hbm>>
    tpu.enqueue_dma source(%dma_start3A_12 : memref<128xi32, #tpu.memory_space<hbm>>) target(%dma_start3A_11 : memref<128xi32, #tpu.memory_space<vmem>>) target_semaphore(%arg14 : memref<!tpu.dma_semaphore, #tpu.memory_space<semaphore_mem>>)
    %add3A_13 = arith.constant 128 : i32
    %add3A_14 = arith.addi %mul3A_2, %add3A_13 : i32
    %dma_start3A_15 = arith.constant 1 : i32
    %dma_start3A_16 = arith.constant 0 : i32
    %dma_start3A_17 = tpu.memref_slice %arg10[%dma_start3A_15, %dma_start3A_16] : memref<4x128xi32, #tpu.memory_space<vmem>> -> memref<1x128xi32, #tpu.memory_space<vmem>>
    %dma_start3A_18 = tpu.memref_squeeze %dma_start3A_17 : memref<1x128xi32, #tpu.memory_space<vmem>> -> memref<128xi32, #tpu.memory_space<vmem>>
    %dma_start3A_19 = tpu.memref_slice %arg2[%add3A_14] : memref<16384xi32, #tpu.memory_space<hbm>> -> memref<128xi32, #tpu.memory_space<hbm>>
    %dma_start3A_20 = arith.constant 0 : i32
    %dma_start3A_21 = tpu.memref_slice %arg10[%dma_start3A_15, %dma_start3A_20] : memref<4x128xi32, #tpu.memory_space<vmem>> -> memref<1x128xi32, #tpu.memory_space<vmem>>
    %dma_start3A_22 = tpu.memref_squeeze %dma_start3A_21 : memref<1x128xi32, #tpu.memory_space<vmem>> -> memref<128xi32, #tpu.memory_space<vmem>>
    %dma_start3A_23 = tpu.memref_slice %arg2[%add3A_14] : memref<16384xi32, #tpu.memory_space<hbm>> -> memref<128xi32, #tpu.memory_space<hbm>>
    tpu.enqueue_dma source(%dma_start3A_23 : memref<128xi32, #tpu.memory_space<hbm>>) target(%dma_start3A_22 : memref<128xi32, #tpu.memory_space<vmem>>) target_semaphore(%arg15 : memref<!tpu.dma_semaphore, #tpu.memory_space<semaphore_mem>>)
    %add3A_24 = arith.constant 256 : i32
    %add3A_25 = arith.addi %mul3A_2, %add3A_24 : i32
    %dma_start3A_26 = arith.constant 2 : i32
    %dma_start3A_27 = arith.constant 0 : i32
    %dma_start3A_28 = tpu.memref_slice %arg10[%dma_start3A_26, %dma_start3A_27] : memref<4x128xi32, #tpu.memory_space<vmem>> -> memref<1x128xi32, #tpu.memory_space<vmem>>
    %dma_start3A_29 = tpu.memref_squeeze %dma_start3A_28 : memref<1x128xi32, #tpu.memory_space<vmem>> -> memref<128xi32, #tpu.memory_space<vmem>>
    %dma_start3A_30 = tpu.memref_slice %arg2[%add3A_25] : memref<16384xi32, #tpu.memory_space<hbm>> -> memref<128xi32, #tpu.memory_space<hbm>>
    %dma_start3A_31 = arith.constant 0 : i32
    %dma_start3A_32 = tpu.memref_slice %arg10[%dma_start3A_26, %dma_start3A_31] : memref<4x128xi32, #tpu.memory_space<vmem>> -> memref<1x128xi32, #tpu.memory_space<vmem>>
    %dma_start3A_33 = tpu.memref_squeeze %dma_start3A_32 : memref<1x128xi32, #tpu.memory_space<vmem>> -> memref<128xi32, #tpu.memory_space<vmem>>
    %dma_start3A_34 = tpu.memref_slice %arg2[%add3A_25] : memref<16384xi32, #tpu.memory_space<hbm>> -> memref<128xi32, #tpu.memory_space<hbm>>
    tpu.enqueue_dma source(%dma_start3A_34 : memref<128xi32, #tpu.memory_space<hbm>>) target(%dma_start3A_33 : memref<128xi32, #tpu.memory_space<vmem>>) target_semaphore(%arg16 : memref<!tpu.dma_semaphore, #tpu.memory_space<semaphore_mem>>)
    %add3A_35 = arith.constant 384 : i32
    %add3A_36 = arith.addi %mul3A_2, %add3A_35 : i32
    %dma_start3A_37 = arith.constant 3 : i32
    %dma_start3A_38 = arith.constant 0 : i32
    %dma_start3A_39 = tpu.memref_slice %arg10[%dma_start3A_37, %dma_start3A_38] : memref<4x128xi32, #tpu.memory_space<vmem>> -> memref<1x128xi32, #tpu.memory_space<vmem>>
    %dma_start3A_40 = tpu.memref_squeeze %dma_start3A_39 : memref<1x128xi32, #tpu.memory_space<vmem>> -> memref<128xi32, #tpu.memory_space<vmem>>
    %dma_start3A_41 = tpu.memref_slice %arg2[%add3A_36] : memref<16384xi32, #tpu.memory_space<hbm>> -> memref<128xi32, #tpu.memory_space<hbm>>
    %dma_start3A_42 = arith.constant 0 : i32
    %dma_start3A_43 = tpu.memref_slice %arg10[%dma_start3A_37, %dma_start3A_42] : memref<4x128xi32, #tpu.memory_space<vmem>> -> memref<1x128xi32, #tpu.memory_space<vmem>>
    %dma_start3A_44 = tpu.memref_squeeze %dma_start3A_43 : memref<1x128xi32, #tpu.memory_space<vmem>> -> memref<128xi32, #tpu.memory_space<vmem>>
    %dma_start3A_45 = tpu.memref_slice %arg2[%add3A_36] : memref<16384xi32, #tpu.memory_space<hbm>> -> memref<128xi32, #tpu.memory_space<hbm>>
    tpu.enqueue_dma source(%dma_start3A_45 : memref<128xi32, #tpu.memory_space<hbm>>) target(%dma_start3A_44 : memref<128xi32, #tpu.memory_space<vmem>>) target_semaphore(%arg17 : memref<!tpu.dma_semaphore, #tpu.memory_space<semaphore_mem>>)
    %dma_wait3A = arith.constant 0 : i32
    %dma_wait3A_46 = arith.constant 0 : i32
    %dma_wait3A_47 = tpu.memref_slice %arg10[%dma_wait3A, %dma_wait3A_46] : memref<4x128xi32, #tpu.memory_space<vmem>> -> memref<1x128xi32, #tpu.memory_space<vmem>>
    %dma_wait3A_48 = tpu.memref_squeeze %dma_wait3A_47 : memref<1x128xi32, #tpu.memory_space<vmem>> -> memref<128xi32, #tpu.memory_space<vmem>>
    %dma_wait3A_49 = tpu.memref_slice %arg2[%add3A_4] : memref<16384xi32, #tpu.memory_space<hbm>> -> memref<128xi32, #tpu.memory_space<hbm>>
    %dma_wait3A_50 = arith.constant 0 : i32
    %dma_wait3A_51 = tpu.memref_slice %arg10[%dma_wait3A, %dma_wait3A_50] : memref<4x128xi32, #tpu.memory_space<vmem>> -> memref<1x128xi32, #tpu.memory_space<vmem>>
    %dma_wait3A_52 = tpu.memref_squeeze %dma_wait3A_51 : memref<1x128xi32, #tpu.memory_space<vmem>> -> memref<128xi32, #tpu.memory_space<vmem>>
    %dma_wait3A_53 = tpu.memref_slice %arg2[%add3A_4] : memref<16384xi32, #tpu.memory_space<hbm>> -> memref<128xi32, #tpu.memory_space<hbm>>
    tpu.wait_dma2 semaphore(%arg14 : memref<!tpu.dma_semaphore, #tpu.memory_space<semaphore_mem>>) src(%dma_wait3A_53 : memref<128xi32, #tpu.memory_space<hbm>>) dst(%dma_wait3A_52 : memref<128xi32, #tpu.memory_space<vmem>>)
    %dma_start3A_54 = arith.constant 0 : i32
    %dma_start3A_55 = arith.constant 0 : i32
    %dma_start3A_56 = arith.constant 0 : i32
    %dma_start3A_57 = tpu.memref_slice %arg11[%dma_start3A_55, %dma_start3A_56] : memref<4x128xi32, #tpu.memory_space<vmem>> -> memref<1x128xi32, #tpu.memory_space<vmem>>
    %dma_start3A_58 = tpu.memref_squeeze %dma_start3A_57 : memref<1x128xi32, #tpu.memory_space<vmem>> -> memref<128xi32, #tpu.memory_space<vmem>>
    %dma_start3A_59 = arith.constant 0 : i32
    %dma_start3A_60 = tpu.memref_slice %arg10[%dma_start3A_54, %dma_start3A_59] : memref<4x128xi32, #tpu.memory_space<vmem>> -> memref<1x128xi32, #tpu.memory_space<vmem>>
    %dma_start3A_61 = tpu.memref_squeeze %dma_start3A_60 : memref<1x128xi32, #tpu.memory_space<vmem>> -> memref<128xi32, #tpu.memory_space<vmem>>
    %dma_start3A_62 = arith.constant 0 : i32
    %dma_start3A_63 = tpu.memref_slice %arg3[%dma_start3A_62] : memref<1000192xi32, #tpu.memory_space<hbm>> -> memref<1000192xi32, #tpu.memory_space<hbm>>
    tpu.enqueue_indirect_dma source(%dma_start3A_63 : memref<1000192xi32, #tpu.memory_space<hbm>>) target(%dma_start3A_58 : memref<128xi32, #tpu.memory_space<vmem>>) offsets(%dma_start3A_61 : memref<128xi32, #tpu.memory_space<vmem>>) semaphore(%arg14 : memref<!tpu.dma_semaphore, #tpu.memory_space<semaphore_mem>>)
    %dma_wait3A_64 = arith.constant 1 : i32
    %dma_wait3A_65 = arith.constant 0 : i32
    %dma_wait3A_66 = tpu.memref_slice %arg10[%dma_wait3A_64, %dma_wait3A_65] : memref<4x128xi32, #tpu.memory_space<vmem>> -> memref<1x128xi32, #tpu.memory_space<vmem>>
    %dma_wait3A_67 = tpu.memref_squeeze %dma_wait3A_66 : memref<1x128xi32, #tpu.memory_space<vmem>> -> memref<128xi32, #tpu.memory_space<vmem>>
    %dma_wait3A_68 = tpu.memref_slice %arg2[%add3A_14] : memref<16384xi32, #tpu.memory_space<hbm>> -> memref<128xi32, #tpu.memory_space<hbm>>
    %dma_wait3A_69 = arith.constant 0 : i32
    %dma_wait3A_70 = tpu.memref_slice %arg10[%dma_wait3A_64, %dma_wait3A_69] : memref<4x128xi32, #tpu.memory_space<vmem>> -> memref<1x128xi32, #tpu.memory_space<vmem>>
    %dma_wait3A_71 = tpu.memref_squeeze %dma_wait3A_70 : memref<1x128xi32, #tpu.memory_space<vmem>> -> memref<128xi32, #tpu.memory_space<vmem>>
    %dma_wait3A_72 = tpu.memref_slice %arg2[%add3A_14] : memref<16384xi32, #tpu.memory_space<hbm>> -> memref<128xi32, #tpu.memory_space<hbm>>
    tpu.wait_dma2 semaphore(%arg15 : memref<!tpu.dma_semaphore, #tpu.memory_space<semaphore_mem>>) src(%dma_wait3A_72 : memref<128xi32, #tpu.memory_space<hbm>>) dst(%dma_wait3A_71 : memref<128xi32, #tpu.memory_space<vmem>>)
    %dma_start3A_73 = arith.constant 1 : i32
    %dma_start3A_74 = arith.constant 1 : i32
    %dma_start3A_75 = arith.constant 0 : i32
    %dma_start3A_76 = tpu.memref_slice %arg11[%dma_start3A_74, %dma_start3A_75] : memref<4x128xi32, #tpu.memory_space<vmem>> -> memref<1x128xi32, #tpu.memory_space<vmem>>
    %dma_start3A_77 = tpu.memref_squeeze %dma_start3A_76 : memref<1x128xi32, #tpu.memory_space<vmem>> -> memref<128xi32, #tpu.memory_space<vmem>>
    %dma_start3A_78 = arith.constant 0 : i32
    %dma_start3A_79 = tpu.memref_slice %arg10[%dma_start3A_73, %dma_start3A_78] : memref<4x128xi32, #tpu.memory_space<vmem>> -> memref<1x128xi32, #tpu.memory_space<vmem>>
    %dma_start3A_80 = tpu.memref_squeeze %dma_start3A_79 : memref<1x128xi32, #tpu.memory_space<vmem>> -> memref<128xi32, #tpu.memory_space<vmem>>
    %dma_start3A_81 = arith.constant 0 : i32
    %dma_start3A_82 = tpu.memref_slice %arg3[%dma_start3A_81] : memref<1000192xi32, #tpu.memory_space<hbm>> -> memref<1000192xi32, #tpu.memory_space<hbm>>
    tpu.enqueue_indirect_dma source(%dma_start3A_82 : memref<1000192xi32, #tpu.memory_space<hbm>>) target(%dma_start3A_77 : memref<128xi32, #tpu.memory_space<vmem>>) offsets(%dma_start3A_80 : memref<128xi32, #tpu.memory_space<vmem>>) semaphore(%arg15 : memref<!tpu.dma_semaphore, #tpu.memory_space<semaphore_mem>>)
    %dma_wait3A_83 = arith.constant 2 : i32
    %dma_wait3A_84 = arith.constant 0 : i32
    %dma_wait3A_85 = tpu.memref_slice %arg10[%dma_wait3A_83, %dma_wait3A_84] : memref<4x128xi32, #tpu.memory_space<vmem>> -> memref<1x128xi32, #tpu.memory_space<vmem>>
    %dma_wait3A_86 = tpu.memref_squeeze %dma_wait3A_85 : memref<1x128xi32, #tpu.memory_space<vmem>> -> memref<128xi32, #tpu.memory_space<vmem>>
    %dma_wait3A_87 = tpu.memref_slice %arg2[%add3A_25] : memref<16384xi32, #tpu.memory_space<hbm>> -> memref<128xi32, #tpu.memory_space<hbm>>
    %dma_wait3A_88 = arith.constant 0 : i32
    %dma_wait3A_89 = tpu.memref_slice %arg10[%dma_wait3A_83, %dma_wait3A_88] : memref<4x128xi32, #tpu.memory_space<vmem>> -> memref<1x128xi32, #tpu.memory_space<vmem>>
    %dma_wait3A_90 = tpu.memref_squeeze %dma_wait3A_89 : memref<1x128xi32, #tpu.memory_space<vmem>> -> memref<128xi32, #tpu.memory_space<vmem>>
    %dma_wait3A_91 = tpu.memref_slice %arg2[%add3A_25] : memref<16384xi32, #tpu.memory_space<hbm>> -> memref<128xi32, #tpu.memory_space<hbm>>
    tpu.wait_dma2 semaphore(%arg16 : memref<!tpu.dma_semaphore, #tpu.memory_space<semaphore_mem>>) src(%dma_wait3A_91 : memref<128xi32, #tpu.memory_space<hbm>>) dst(%dma_wait3A_90 : memref<128xi32, #tpu.memory_space<vmem>>)
    %dma_start3A_92 = arith.constant 2 : i32
    %dma_start3A_93 = arith.constant 2 : i32
    %dma_start3A_94 = arith.constant 0 : i32
    %dma_start3A_95 = tpu.memref_slice %arg11[%dma_start3A_93, %dma_start3A_94] : memref<4x128xi32, #tpu.memory_space<vmem>> -> memref<1x128xi32, #tpu.memory_space<vmem>>
    %dma_start3A_96 = tpu.memref_squeeze %dma_start3A_95 : memref<1x128xi32, #tpu.memory_space<vmem>> -> memref<128xi32, #tpu.memory_space<vmem>>
    %dma_start3A_97 = arith.constant 0 : i32
    %dma_start3A_98 = tpu.memref_slice %arg10[%dma_start3A_92, %dma_start3A_97] : memref<4x128xi32, #tpu.memory_space<vmem>> -> memref<1x128xi32, #tpu.memory_space<vmem>>
    %dma_start3A_99 = tpu.memref_squeeze %dma_start3A_98 : memref<1x128xi32, #tpu.memory_space<vmem>> -> memref<128xi32, #tpu.memory_space<vmem>>
    %dma_start3A_100 = arith.constant 0 : i32
    %dma_start3A_101 = tpu.memref_slice %arg3[%dma_start3A_100] : memref<1000192xi32, #tpu.memory_space<hbm>> -> memref<1000192xi32, #tpu.memory_space<hbm>>
    tpu.enqueue_indirect_dma source(%dma_start3A_101 : memref<1000192xi32, #tpu.memory_space<hbm>>) target(%dma_start3A_96 : memref<128xi32, #tpu.memory_space<vmem>>) offsets(%dma_start3A_99 : memref<128xi32, #tpu.memory_space<vmem>>) semaphore(%arg16 : memref<!tpu.dma_semaphore, #tpu.memory_space<semaphore_mem>>)
    %dma_wait3A_102 = arith.constant 3 : i32
    %dma_wait3A_103 = arith.constant 0 : i32
    %dma_wait3A_104 = tpu.memref_slice %arg10[%dma_wait3A_102, %dma_wait3A_103] : memref<4x128xi32, #tpu.memory_space<vmem>> -> memref<1x128xi32, #tpu.memory_space<vmem>>
    %dma_wait3A_105 = tpu.memref_squeeze %dma_wait3A_104 : memref<1x128xi32, #tpu.memory_space<vmem>> -> memref<128xi32, #tpu.memory_space<vmem>>
    %dma_wait3A_106 = tpu.memref_slice %arg2[%add3A_36] : memref<16384xi32, #tpu.memory_space<hbm>> -> memref<128xi32, #tpu.memory_space<hbm>>
    %dma_wait3A_107 = arith.constant 0 : i32
    %dma_wait3A_108 = tpu.memref_slice %arg10[%dma_wait3A_102, %dma_wait3A_107] : memref<4x128xi32, #tpu.memory_space<vmem>> -> memref<1x128xi32, #tpu.memory_space<vmem>>
    %dma_wait3A_109 = tpu.memref_squeeze %dma_wait3A_108 : memref<1x128xi32, #tpu.memory_space<vmem>> -> memref<128xi32, #tpu.memory_space<vmem>>
    %dma_wait3A_110 = tpu.memref_slice %arg2[%add3A_36] : memref<16384xi32, #tpu.memory_space<hbm>> -> memref<128xi32, #tpu.memory_space<hbm>>
    tpu.wait_dma2 semaphore(%arg17 : memref<!tpu.dma_semaphore, #tpu.memory_space<semaphore_mem>>) src(%dma_wait3A_110 : memref<128xi32, #tpu.memory_space<hbm>>) dst(%dma_wait3A_109 : memref<128xi32, #tpu.memory_space<vmem>>)
    %dma_start3A_111 = arith.constant 3 : i32
    %dma_start3A_112 = arith.constant 3 : i32
    %dma_start3A_113 = arith.constant 0 : i32
    %dma_start3A_114 = tpu.memref_slice %arg11[%dma_start3A_112, %dma_start3A_113] : memref<4x128xi32, #tpu.memory_space<vmem>> -> memref<1x128xi32, #tpu.memory_space<vmem>>
    %dma_start3A_115 = tpu.memref_squeeze %dma_start3A_114 : memref<1x128xi32, #tpu.memory_space<vmem>> -> memref<128xi32, #tpu.memory_space<vmem>>
    %dma_start3A_116 = arith.constant 0 : i32
    %dma_start3A_117 = tpu.memref_slice %arg10[%dma_start3A_111, %dma_start3A_116] : memref<4x128xi32, #tpu.memory_space<vmem>> -> memref<1x128xi32, #tpu.memory_space<vmem>>
    %dma_start3A_118 = tpu.memref_squeeze %dma_start3A_117 : memref<1x128xi32, #tpu.memory_space<vmem>> -> memref<128xi32, #tpu.memory_space<vmem>>
    %dma_start3A_119 = arith.constant 0 : i32
    %dma_start3A_120 = tpu.memref_slice %arg3[%dma_start3A_119] : memref<1000192xi32, #tpu.memory_space<hbm>> -> memref<1000192xi32, #tpu.memory_space<hbm>>
    tpu.enqueue_indirect_dma source(%dma_start3A_120 : memref<1000192xi32, #tpu.memory_space<hbm>>) target(%dma_start3A_115 : memref<128xi32, #tpu.memory_space<vmem>>) offsets(%dma_start3A_118 : memref<128xi32, #tpu.memory_space<vmem>>) semaphore(%arg17 : memref<!tpu.dma_semaphore, #tpu.memory_space<semaphore_mem>>)
    %dma_wait3A_121 = arith.constant 0 : i32
    %dma_wait3A_122 = arith.constant 0 : i32
    %dma_wait3A_123 = arith.constant 0 : i32
    %dma_wait3A_124 = tpu.memref_slice %arg11[%dma_wait3A_122, %dma_wait3A_123] : memref<4x128xi32, #tpu.memory_space<vmem>> -> memref<1x128xi32, #tpu.memory_space<vmem>>
    %dma_wait3A_125 = tpu.memref_squeeze %dma_wait3A_124 : memref<1x128xi32, #tpu.memory_space<vmem>> -> memref<128xi32, #tpu.memory_space<vmem>>
    %dma_wait3A_126 = arith.constant 0 : i32
    %dma_wait3A_127 = tpu.memref_slice %arg10[%dma_wait3A_121, %dma_wait3A_126] : memref<4x128xi32, #tpu.memory_space<vmem>> -> memref<1x128xi32, #tpu.memory_space<vmem>>
    %dma_wait3A_128 = tpu.memref_squeeze %dma_wait3A_127 : memref<1x128xi32, #tpu.memory_space<vmem>> -> memref<128xi32, #tpu.memory_space<vmem>>
    %dma_wait3A_129 = arith.constant 0 : i32
    %dma_wait3A_130 = tpu.memref_slice %arg3[%dma_wait3A_129] : memref<1000192xi32, #tpu.memory_space<hbm>> -> memref<1000192xi32, #tpu.memory_space<hbm>>
    tpu.wait_indirect_dma semaphore(%arg14 : memref<!tpu.dma_semaphore, #tpu.memory_space<semaphore_mem>>) src(%dma_wait3A_130 : memref<1000192xi32, #tpu.memory_space<hbm>>) dst(%dma_wait3A_125 : memref<128xi32, #tpu.memory_space<vmem>>)
    %dma_start3A_131 = arith.constant 0 : i32
    %dma_start3A_132 = arith.constant 0 : i32
    %dma_start3A_133 = arith.constant 0 : i32
    %dma_start3A_134 = arith.constant 0 : i32
    %dma_start3A_135 = tpu.memref_slice %arg12[%dma_start3A_132, %dma_start3A_133, %dma_start3A_134] : memref<4x128x128xf32, #tpu.memory_space<vmem>> -> memref<1x128x128xf32, #tpu.memory_space<vmem>>
    %dma_start3A_136 = tpu.memref_squeeze %dma_start3A_135 : memref<1x128x128xf32, #tpu.memory_space<vmem>> -> memref<128x128xf32, #tpu.memory_space<vmem>>
    %dma_start3A_137 = arith.constant 0 : i32
    %dma_start3A_138 = tpu.memref_slice %arg11[%dma_start3A_131, %dma_start3A_137] : memref<4x128xi32, #tpu.memory_space<vmem>> -> memref<1x128xi32, #tpu.memory_space<vmem>>
    %dma_start3A_139 = tpu.memref_squeeze %dma_start3A_138 : memref<1x128xi32, #tpu.memory_space<vmem>> -> memref<128xi32, #tpu.memory_space<vmem>>
    %dma_start3A_140 = arith.constant 0 : i32
    %dma_start3A_141 = arith.constant 0 : i32
    %dma_start3A_142 = tpu.memref_slice %arg4[%dma_start3A_140, %dma_start3A_141] : memref<16384x128xf32, #tpu.memory_space<hbm>> -> memref<16384x128xf32, #tpu.memory_space<hbm>>
    tpu.enqueue_indirect_dma source(%dma_start3A_142 : memref<16384x128xf32, #tpu.memory_space<hbm>>) target(%dma_start3A_136 : memref<128x128xf32, #tpu.memory_space<vmem>>) offsets(%dma_start3A_139 : memref<128xi32, #tpu.memory_space<vmem>>) semaphore(%arg14 : memref<!tpu.dma_semaphore, #tpu.memory_space<semaphore_mem>>)
    %dma_start3A_143 = arith.constant 0 : i32
    %dma_start3A_144 = arith.constant 0 : i32
    %dma_start3A_145 = arith.constant 0 : i32
    %dma_start3A_146 = tpu.memref_slice %arg13[%dma_start3A_144, %dma_start3A_145] : memref<4x128xf32, #tpu.memory_space<vmem>> -> memref<1x128xf32, #tpu.memory_space<vmem>>
    %dma_start3A_147 = tpu.memref_squeeze %dma_start3A_146 : memref<1x128xf32, #tpu.memory_space<vmem>> -> memref<128xf32, #tpu.memory_space<vmem>>
    %dma_start3A_148 = arith.constant 0 : i32
    %dma_start3A_149 = tpu.memref_slice %arg11[%dma_start3A_143, %dma_start3A_148] : memref<4x128xi32, #tpu.memory_space<vmem>> -> memref<1x128xi32, #tpu.memory_space<vmem>>
    %dma_start3A_150 = tpu.memref_squeeze %dma_start3A_149 : memref<1x128xi32, #tpu.memory_space<vmem>> -> memref<128xi32, #tpu.memory_space<vmem>>
    %dma_start3A_151 = arith.constant 0 : i32
    %dma_start3A_152 = tpu.memref_slice %arg5[%dma_start3A_151] : memref<16384xf32, #tpu.memory_space<hbm>> -> memref<16384xf32, #tpu.memory_space<hbm>>
    tpu.enqueue_indirect_dma source(%dma_start3A_152 : memref<16384xf32, #tpu.memory_space<hbm>>) target(%dma_start3A_147 : memref<128xf32, #tpu.memory_space<vmem>>) offsets(%dma_start3A_150 : memref<128xi32, #tpu.memory_space<vmem>>) semaphore(%arg14 : memref<!tpu.dma_semaphore, #tpu.memory_space<semaphore_mem>>)
    %dma_wait3A_153 = arith.constant 1 : i32
    %dma_wait3A_154 = arith.constant 1 : i32
    %dma_wait3A_155 = arith.constant 0 : i32
    %dma_wait3A_156 = tpu.memref_slice %arg11[%dma_wait3A_154, %dma_wait3A_155] : memref<4x128xi32, #tpu.memory_space<vmem>> -> memref<1x128xi32, #tpu.memory_space<vmem>>
    %dma_wait3A_157 = tpu.memref_squeeze %dma_wait3A_156 : memref<1x128xi32, #tpu.memory_space<vmem>> -> memref<128xi32, #tpu.memory_space<vmem>>
    %dma_wait3A_158 = arith.constant 0 : i32
    %dma_wait3A_159 = tpu.memref_slice %arg10[%dma_wait3A_153, %dma_wait3A_158] : memref<4x128xi32, #tpu.memory_space<vmem>> -> memref<1x128xi32, #tpu.memory_space<vmem>>
    %dma_wait3A_160 = tpu.memref_squeeze %dma_wait3A_159 : memref<1x128xi32, #tpu.memory_space<vmem>> -> memref<128xi32, #tpu.memory_space<vmem>>
    %dma_wait3A_161 = arith.constant 0 : i32
    %dma_wait3A_162 = tpu.memref_slice %arg3[%dma_wait3A_161] : memref<1000192xi32, #tpu.memory_space<hbm>> -> memref<1000192xi32, #tpu.memory_space<hbm>>
    tpu.wait_indirect_dma semaphore(%arg15 : memref<!tpu.dma_semaphore, #tpu.memory_space<semaphore_mem>>) src(%dma_wait3A_162 : memref<1000192xi32, #tpu.memory_space<hbm>>) dst(%dma_wait3A_157 : memref<128xi32, #tpu.memory_space<vmem>>)
    %dma_start3A_163 = arith.constant 1 : i32
    %dma_start3A_164 = arith.constant 1 : i32
    %dma_start3A_165 = arith.constant 0 : i32
    %dma_start3A_166 = arith.constant 0 : i32
    %dma_start3A_167 = tpu.memref_slice %arg12[%dma_start3A_164, %dma_start3A_165, %dma_start3A_166] : memref<4x128x128xf32, #tpu.memory_space<vmem>> -> memref<1x128x128xf32, #tpu.memory_space<vmem>>
    %dma_start3A_168 = tpu.memref_squeeze %dma_start3A_167 : memref<1x128x128xf32, #tpu.memory_space<vmem>> -> memref<128x128xf32, #tpu.memory_space<vmem>>
    %dma_start3A_169 = arith.constant 0 : i32
    %dma_start3A_170 = tpu.memref_slice %arg11[%dma_start3A_163, %dma_start3A_169] : memref<4x128xi32, #tpu.memory_space<vmem>> -> memref<1x128xi32, #tpu.memory_space<vmem>>
    %dma_start3A_171 = tpu.memref_squeeze %dma_start3A_170 : memref<1x128xi32, #tpu.memory_space<vmem>> -> memref<128xi32, #tpu.memory_space<vmem>>
    %dma_start3A_172 = arith.constant 0 : i32
    %dma_start3A_173 = arith.constant 0 : i32
    %dma_start3A_174 = tpu.memref_slice %arg4[%dma_start3A_172, %dma_start3A_173] : memref<16384x128xf32, #tpu.memory_space<hbm>> -> memref<16384x128xf32, #tpu.memory_space<hbm>>
    tpu.enqueue_indirect_dma source(%dma_start3A_174 : memref<16384x128xf32, #tpu.memory_space<hbm>>) target(%dma_start3A_168 : memref<128x128xf32, #tpu.memory_space<vmem>>) offsets(%dma_start3A_171 : memref<128xi32, #tpu.memory_space<vmem>>) semaphore(%arg15 : memref<!tpu.dma_semaphore, #tpu.memory_space<semaphore_mem>>)
    %dma_start3A_175 = arith.constant 1 : i32
    %dma_start3A_176 = arith.constant 1 : i32
    %dma_start3A_177 = arith.constant 0 : i32
    %dma_start3A_178 = tpu.memref_slice %arg13[%dma_start3A_176, %dma_start3A_177] : memref<4x128xf32, #tpu.memory_space<vmem>> -> memref<1x128xf32, #tpu.memory_space<vmem>>
    %dma_start3A_179 = tpu.memref_squeeze %dma_start3A_178 : memref<1x128xf32, #tpu.memory_space<vmem>> -> memref<128xf32, #tpu.memory_space<vmem>>
    %dma_start3A_180 = arith.constant 0 : i32
    %dma_start3A_181 = tpu.memref_slice %arg11[%dma_start3A_175, %dma_start3A_180] : memref<4x128xi32, #tpu.memory_space<vmem>> -> memref<1x128xi32, #tpu.memory_space<vmem>>
    %dma_start3A_182 = tpu.memref_squeeze %dma_start3A_181 : memref<1x128xi32, #tpu.memory_space<vmem>> -> memref<128xi32, #tpu.memory_space<vmem>>
    %dma_start3A_183 = arith.constant 0 : i32
    %dma_start3A_184 = tpu.memref_slice %arg5[%dma_start3A_183] : memref<16384xf32, #tpu.memory_space<hbm>> -> memref<16384xf32, #tpu.memory_space<hbm>>
    tpu.enqueue_indirect_dma source(%dma_start3A_184 : memref<16384xf32, #tpu.memory_space<hbm>>) target(%dma_start3A_179 : memref<128xf32, #tpu.memory_space<vmem>>) offsets(%dma_start3A_182 : memref<128xi32, #tpu.memory_space<vmem>>) semaphore(%arg15 : memref<!tpu.dma_semaphore, #tpu.memory_space<semaphore_mem>>)
    %dma_wait3A_185 = arith.constant 2 : i32
    %dma_wait3A_186 = arith.constant 2 : i32
    %dma_wait3A_187 = arith.constant 0 : i32
    %dma_wait3A_188 = tpu.memref_slice %arg11[%dma_wait3A_186, %dma_wait3A_187] : memref<4x128xi32, #tpu.memory_space<vmem>> -> memref<1x128xi32, #tpu.memory_space<vmem>>
    %dma_wait3A_189 = tpu.memref_squeeze %dma_wait3A_188 : memref<1x128xi32, #tpu.memory_space<vmem>> -> memref<128xi32, #tpu.memory_space<vmem>>
    %dma_wait3A_190 = arith.constant 0 : i32
    %dma_wait3A_191 = tpu.memref_slice %arg10[%dma_wait3A_185, %dma_wait3A_190] : memref<4x128xi32, #tpu.memory_space<vmem>> -> memref<1x128xi32, #tpu.memory_space<vmem>>
    %dma_wait3A_192 = tpu.memref_squeeze %dma_wait3A_191 : memref<1x128xi32, #tpu.memory_space<vmem>> -> memref<128xi32, #tpu.memory_space<vmem>>
    %dma_wait3A_193 = arith.constant 0 : i32
    %dma_wait3A_194 = tpu.memref_slice %arg3[%dma_wait3A_193] : memref<1000192xi32, #tpu.memory_space<hbm>> -> memref<1000192xi32, #tpu.memory_space<hbm>>
    tpu.wait_indirect_dma semaphore(%arg16 : memref<!tpu.dma_semaphore, #tpu.memory_space<semaphore_mem>>) src(%dma_wait3A_194 : memref<1000192xi32, #tpu.memory_space<hbm>>) dst(%dma_wait3A_189 : memref<128xi32, #tpu.memory_space<vmem>>)
    %dma_start3A_195 = arith.constant 2 : i32
    %dma_start3A_196 = arith.constant 2 : i32
    %dma_start3A_197 = arith.constant 0 : i32
    %dma_start3A_198 = arith.constant 0 : i32
    %dma_start3A_199 = tpu.memref_slice %arg12[%dma_start3A_196, %dma_start3A_197, %dma_start3A_198] : memref<4x128x128xf32, #tpu.memory_space<vmem>> -> memref<1x128x128xf32, #tpu.memory_space<vmem>>
    %dma_start3A_200 = tpu.memref_squeeze %dma_start3A_199 : memref<1x128x128xf32, #tpu.memory_space<vmem>> -> memref<128x128xf32, #tpu.memory_space<vmem>>
    %dma_start3A_201 = arith.constant 0 : i32
    %dma_start3A_202 = tpu.memref_slice %arg11[%dma_start3A_195, %dma_start3A_201] : memref<4x128xi32, #tpu.memory_space<vmem>> -> memref<1x128xi32, #tpu.memory_space<vmem>>
    %dma_start3A_203 = tpu.memref_squeeze %dma_start3A_202 : memref<1x128xi32, #tpu.memory_space<vmem>> -> memref<128xi32, #tpu.memory_space<vmem>>
    %dma_start3A_204 = arith.constant 0 : i32
    %dma_start3A_205 = arith.constant 0 : i32
    %dma_start3A_206 = tpu.memref_slice %arg4[%dma_start3A_204, %dma_start3A_205] : memref<16384x128xf32, #tpu.memory_space<hbm>> -> memref<16384x128xf32, #tpu.memory_space<hbm>>
    tpu.enqueue_indirect_dma source(%dma_start3A_206 : memref<16384x128xf32, #tpu.memory_space<hbm>>) target(%dma_start3A_200 : memref<128x128xf32, #tpu.memory_space<vmem>>) offsets(%dma_start3A_203 : memref<128xi32, #tpu.memory_space<vmem>>) semaphore(%arg16 : memref<!tpu.dma_semaphore, #tpu.memory_space<semaphore_mem>>)
    %dma_start3A_207 = arith.constant 2 : i32
    %dma_start3A_208 = arith.constant 2 : i32
    %dma_start3A_209 = arith.constant 0 : i32
    %dma_start3A_210 = tpu.memref_slice %arg13[%dma_start3A_208, %dma_start3A_209] : memref<4x128xf32, #tpu.memory_space<vmem>> -> memref<1x128xf32, #tpu.memory_space<vmem>>
    %dma_start3A_211 = tpu.memref_squeeze %dma_start3A_210 : memref<1x128xf32, #tpu.memory_space<vmem>> -> memref<128xf32, #tpu.memory_space<vmem>>
    %dma_start3A_212 = arith.constant 0 : i32
    %dma_start3A_213 = tpu.memref_slice %arg11[%dma_start3A_207, %dma_start3A_212] : memref<4x128xi32, #tpu.memory_space<vmem>> -> memref<1x128xi32, #tpu.memory_space<vmem>>
    %dma_start3A_214 = tpu.memref_squeeze %dma_start3A_213 : memref<1x128xi32, #tpu.memory_space<vmem>> -> memref<128xi32, #tpu.memory_space<vmem>>
    %dma_start3A_215 = arith.constant 0 : i32
    %dma_start3A_216 = tpu.memref_slice %arg5[%dma_start3A_215] : memref<16384xf32, #tpu.memory_space<hbm>> -> memref<16384xf32, #tpu.memory_space<hbm>>
    tpu.enqueue_indirect_dma source(%dma_start3A_216 : memref<16384xf32, #tpu.memory_space<hbm>>) target(%dma_start3A_211 : memref<128xf32, #tpu.memory_space<vmem>>) offsets(%dma_start3A_214 : memref<128xi32, #tpu.memory_space<vmem>>) semaphore(%arg16 : memref<!tpu.dma_semaphore, #tpu.memory_space<semaphore_mem>>)
    %dma_wait3A_217 = arith.constant 3 : i32
    %dma_wait3A_218 = arith.constant 3 : i32
    %dma_wait3A_219 = arith.constant 0 : i32
    %dma_wait3A_220 = tpu.memref_slice %arg11[%dma_wait3A_218, %dma_wait3A_219] : memref<4x128xi32, #tpu.memory_space<vmem>> -> memref<1x128xi32, #tpu.memory_space<vmem>>
    %dma_wait3A_221 = tpu.memref_squeeze %dma_wait3A_220 : memref<1x128xi32, #tpu.memory_space<vmem>> -> memref<128xi32, #tpu.memory_space<vmem>>
    %dma_wait3A_222 = arith.constant 0 : i32
    %dma_wait3A_223 = tpu.memref_slice %arg10[%dma_wait3A_217, %dma_wait3A_222] : memref<4x128xi32, #tpu.memory_space<vmem>> -> memref<1x128xi32, #tpu.memory_space<vmem>>
    %dma_wait3A_224 = tpu.memref_squeeze %dma_wait3A_223 : memref<1x128xi32, #tpu.memory_space<vmem>> -> memref<128xi32, #tpu.memory_space<vmem>>
    %dma_wait3A_225 = arith.constant 0 : i32
    %dma_wait3A_226 = tpu.memref_slice %arg3[%dma_wait3A_225] : memref<1000192xi32, #tpu.memory_space<hbm>> -> memref<1000192xi32, #tpu.memory_space<hbm>>
    tpu.wait_indirect_dma semaphore(%arg17 : memref<!tpu.dma_semaphore, #tpu.memory_space<semaphore_mem>>) src(%dma_wait3A_226 : memref<1000192xi32, #tpu.memory_space<hbm>>) dst(%dma_wait3A_221 : memref<128xi32, #tpu.memory_space<vmem>>)
    %dma_start3A_227 = arith.constant 3 : i32
    %dma_start3A_228 = arith.constant 3 : i32
    %dma_start3A_229 = arith.constant 0 : i32
    %dma_start3A_230 = arith.constant 0 : i32
    %dma_start3A_231 = tpu.memref_slice %arg12[%dma_start3A_228, %dma_start3A_229, %dma_start3A_230] : memref<4x128x128xf32, #tpu.memory_space<vmem>> -> memref<1x128x128xf32, #tpu.memory_space<vmem>>
    %dma_start3A_232 = tpu.memref_squeeze %dma_start3A_231 : memref<1x128x128xf32, #tpu.memory_space<vmem>> -> memref<128x128xf32, #tpu.memory_space<vmem>>
    %dma_start3A_233 = arith.constant 0 : i32
    %dma_start3A_234 = tpu.memref_slice %arg11[%dma_start3A_227, %dma_start3A_233] : memref<4x128xi32, #tpu.memory_space<vmem>> -> memref<1x128xi32, #tpu.memory_space<vmem>>
    %dma_start3A_235 = tpu.memref_squeeze %dma_start3A_234 : memref<1x128xi32, #tpu.memory_space<vmem>> -> memref<128xi32, #tpu.memory_space<vmem>>
    %dma_start3A_236 = arith.constant 0 : i32
    %dma_start3A_237 = arith.constant 0 : i32
    %dma_start3A_238 = tpu.memref_slice %arg4[%dma_start3A_236, %dma_start3A_237] : memref<16384x128xf32, #tpu.memory_space<hbm>> -> memref<16384x128xf32, #tpu.memory_space<hbm>>
    tpu.enqueue_indirect_dma source(%dma_start3A_238 : memref<16384x128xf32, #tpu.memory_space<hbm>>) target(%dma_start3A_232 : memref<128x128xf32, #tpu.memory_space<vmem>>) offsets(%dma_start3A_235 : memref<128xi32, #tpu.memory_space<vmem>>) semaphore(%arg17 : memref<!tpu.dma_semaphore, #tpu.memory_space<semaphore_mem>>)
    %dma_start3A_239 = arith.constant 3 : i32
    %dma_start3A_240 = arith.constant 3 : i32
    %dma_start3A_241 = arith.constant 0 : i32
    %dma_start3A_242 = tpu.memref_slice %arg13[%dma_start3A_240, %dma_start3A_241] : memref<4x128xf32, #tpu.memory_space<vmem>> -> memref<1x128xf32, #tpu.memory_space<vmem>>
    %dma_start3A_243 = tpu.memref_squeeze %dma_start3A_242 : memref<1x128xf32, #tpu.memory_space<vmem>> -> memref<128xf32, #tpu.memory_space<vmem>>
    %dma_start3A_244 = arith.constant 0 : i32
    %dma_start3A_245 = tpu.memref_slice %arg11[%dma_start3A_239, %dma_start3A_244] : memref<4x128xi32, #tpu.memory_space<vmem>> -> memref<1x128xi32, #tpu.memory_space<vmem>>
    %dma_start3A_246 = tpu.memref_squeeze %dma_start3A_245 : memref<1x128xi32, #tpu.memory_space<vmem>> -> memref<128xi32, #tpu.memory_space<vmem>>
    %dma_start3A_247 = arith.constant 0 : i32
    %dma_start3A_248 = tpu.memref_slice %arg5[%dma_start3A_247] : memref<16384xf32, #tpu.memory_space<hbm>> -> memref<16384xf32, #tpu.memory_space<hbm>>
    tpu.enqueue_indirect_dma source(%dma_start3A_248 : memref<16384xf32, #tpu.memory_space<hbm>>) target(%dma_start3A_243 : memref<128xf32, #tpu.memory_space<vmem>>) offsets(%dma_start3A_246 : memref<128xi32, #tpu.memory_space<vmem>>) semaphore(%arg17 : memref<!tpu.dma_semaphore, #tpu.memory_space<semaphore_mem>>)
    %dma_wait3A_249 = arith.constant 0 : i32
    %dma_wait3A_250 = arith.constant 0 : i32
    %dma_wait3A_251 = arith.constant 0 : i32
    %dma_wait3A_252 = arith.constant 0 : i32
    %dma_wait3A_253 = tpu.memref_slice %arg12[%dma_wait3A_250, %dma_wait3A_251, %dma_wait3A_252] : memref<4x128x128xf32, #tpu.memory_space<vmem>> -> memref<1x128x128xf32, #tpu.memory_space<vmem>>
    %dma_wait3A_254 = tpu.memref_squeeze %dma_wait3A_253 : memref<1x128x128xf32, #tpu.memory_space<vmem>> -> memref<128x128xf32, #tpu.memory_space<vmem>>
    %dma_wait3A_255 = arith.constant 0 : i32
    %dma_wait3A_256 = tpu.memref_slice %arg11[%dma_wait3A_249, %dma_wait3A_255] : memref<4x128xi32, #tpu.memory_space<vmem>> -> memref<1x128xi32, #tpu.memory_space<vmem>>
    %dma_wait3A_257 = tpu.memref_squeeze %dma_wait3A_256 : memref<1x128xi32, #tpu.memory_space<vmem>> -> memref<128xi32, #tpu.memory_space<vmem>>
    %dma_wait3A_258 = arith.constant 0 : i32
    %dma_wait3A_259 = arith.constant 0 : i32
    %dma_wait3A_260 = tpu.memref_slice %arg4[%dma_wait3A_258, %dma_wait3A_259] : memref<16384x128xf32, #tpu.memory_space<hbm>> -> memref<16384x128xf32, #tpu.memory_space<hbm>>
    tpu.wait_indirect_dma semaphore(%arg14 : memref<!tpu.dma_semaphore, #tpu.memory_space<semaphore_mem>>) src(%dma_wait3A_260 : memref<16384x128xf32, #tpu.memory_space<hbm>>) dst(%dma_wait3A_254 : memref<128x128xf32, #tpu.memory_space<vmem>>)
    %dma_wait3A_261 = arith.constant 0 : i32
    %dma_wait3A_262 = arith.constant 0 : i32
    %dma_wait3A_263 = arith.constant 0 : i32
    %dma_wait3A_264 = tpu.memref_slice %arg13[%dma_wait3A_262, %dma_wait3A_263] : memref<4x128xf32, #tpu.memory_space<vmem>> -> memref<1x128xf32, #tpu.memory_space<vmem>>
    %dma_wait3A_265 = tpu.memref_squeeze %dma_wait3A_264 : memref<1x128xf32, #tpu.memory_space<vmem>> -> memref<128xf32, #tpu.memory_space<vmem>>
    %dma_wait3A_266 = arith.constant 0 : i32
    %dma_wait3A_267 = tpu.memref_slice %arg11[%dma_wait3A_261, %dma_wait3A_266] : memref<4x128xi32, #tpu.memory_space<vmem>> -> memref<1x128xi32, #tpu.memory_space<vmem>>
    %dma_wait3A_268 = tpu.memref_squeeze %dma_wait3A_267 : memref<1x128xi32, #tpu.memory_space<vmem>> -> memref<128xi32, #tpu.memory_space<vmem>>
    %dma_wait3A_269 = arith.constant 0 : i32
    %dma_wait3A_270 = tpu.memref_slice %arg5[%dma_wait3A_269] : memref<16384xf32, #tpu.memory_space<hbm>> -> memref<16384xf32, #tpu.memory_space<hbm>>
    tpu.wait_indirect_dma semaphore(%arg14 : memref<!tpu.dma_semaphore, #tpu.memory_space<semaphore_mem>>) src(%dma_wait3A_270 : memref<16384xf32, #tpu.memory_space<hbm>>) dst(%dma_wait3A_265 : memref<128xf32, #tpu.memory_space<vmem>>)
    %dma_start3A_271 = arith.constant 0 : i32
    %dma_start3A_272 = arith.constant 0 : i32
    %dma_start3A_273 = arith.constant 0 : i32
    %dma_start3A_274 = arith.constant 0 : i32
    %dma_start3A_275 = tpu.memref_slice %arg12[%dma_start3A_271, %dma_start3A_273, %dma_start3A_274] : memref<4x128x128xf32, #tpu.memory_space<vmem>> -> memref<1x128x128xf32, #tpu.memory_space<vmem>>
    %dma_start3A_276 = tpu.memref_squeeze %dma_start3A_275 : memref<1x128x128xf32, #tpu.memory_space<vmem>> -> memref<128x128xf32, #tpu.memory_space<vmem>>
    %dma_start3A_277 = arith.constant 0 : i32
    %dma_start3A_278 = tpu.memref_slice %arg10[%dma_start3A_272, %dma_start3A_277] : memref<4x128xi32, #tpu.memory_space<vmem>> -> memref<1x128xi32, #tpu.memory_space<vmem>>
    %dma_start3A_279 = tpu.memref_squeeze %dma_start3A_278 : memref<1x128xi32, #tpu.memory_space<vmem>> -> memref<128xi32, #tpu.memory_space<vmem>>
    %dma_start3A_280 = arith.constant 0 : i32
    %dma_start3A_281 = arith.constant 0 : i32
    %dma_start3A_282 = tpu.memref_slice %arg6[%dma_start3A_280, %dma_start3A_281] : memref<1000000x128xf32, #tpu.memory_space<hbm>> -> memref<1000000x128xf32, #tpu.memory_space<hbm>>
    tpu.enqueue_indirect_dma source(%dma_start3A_276 : memref<128x128xf32, #tpu.memory_space<vmem>>) target(%dma_start3A_282 : memref<1000000x128xf32, #tpu.memory_space<hbm>>) offsets(%dma_start3A_279 : memref<128xi32, #tpu.memory_space<vmem>>) semaphore(%arg14 : memref<!tpu.dma_semaphore, #tpu.memory_space<semaphore_mem>>)
    %dma_start3A_283 = arith.constant 0 : i32
    %dma_start3A_284 = arith.constant 0 : i32
    %dma_start3A_285 = arith.constant 0 : i32
    %dma_start3A_286 = tpu.memref_slice %arg13[%dma_start3A_283, %dma_start3A_285] : memref<4x128xf32, #tpu.memory_space<vmem>> -> memref<1x128xf32, #tpu.memory_space<vmem>>
    %dma_start3A_287 = tpu.memref_squeeze %dma_start3A_286 : memref<1x128xf32, #tpu.memory_space<vmem>> -> memref<128xf32, #tpu.memory_space<vmem>>
    %dma_start3A_288 = arith.constant 0 : i32
    %dma_start3A_289 = tpu.memref_slice %arg10[%dma_start3A_284, %dma_start3A_288] : memref<4x128xi32, #tpu.memory_space<vmem>> -> memref<1x128xi32, #tpu.memory_space<vmem>>
    %dma_start3A_290 = tpu.memref_squeeze %dma_start3A_289 : memref<1x128xi32, #tpu.memory_space<vmem>> -> memref<128xi32, #tpu.memory_space<vmem>>
    %dma_start3A_291 = arith.constant 0 : i32
    %dma_start3A_292 = tpu.memref_slice %arg7[%dma_start3A_291] : memref<1000000xf32, #tpu.memory_space<hbm>> -> memref<1000000xf32, #tpu.memory_space<hbm>>
    tpu.enqueue_indirect_dma source(%dma_start3A_287 : memref<128xf32, #tpu.memory_space<vmem>>) target(%dma_start3A_292 : memref<1000000xf32, #tpu.memory_space<hbm>>) offsets(%dma_start3A_290 : memref<128xi32, #tpu.memory_space<vmem>>) semaphore(%arg14 : memref<!tpu.dma_semaphore, #tpu.memory_space<semaphore_mem>>)
    %dma_wait3A_293 = arith.constant 1 : i32
    %dma_wait3A_294 = arith.constant 1 : i32
    %dma_wait3A_295 = arith.constant 0 : i32
    %dma_wait3A_296 = arith.constant 0 : i32
    %dma_wait3A_297 = tpu.memref_slice %arg12[%dma_wait3A_294, %dma_wait3A_295, %dma_wait3A_296] : memref<4x128x128xf32, #tpu.memory_space<vmem>> -> memref<1x128x128xf32, #tpu.memory_space<vmem>>
    %dma_wait3A_298 = tpu.memref_squeeze %dma_wait3A_297 : memref<1x128x128xf32, #tpu.memory_space<vmem>> -> memref<128x128xf32, #tpu.memory_space<vmem>>
    %dma_wait3A_299 = arith.constant 0 : i32
    %dma_wait3A_300 = tpu.memref_slice %arg11[%dma_wait3A_293, %dma_wait3A_299] : memref<4x128xi32, #tpu.memory_space<vmem>> -> memref<1x128xi32, #tpu.memory_space<vmem>>
    %dma_wait3A_301 = tpu.memref_squeeze %dma_wait3A_300 : memref<1x128xi32, #tpu.memory_space<vmem>> -> memref<128xi32, #tpu.memory_space<vmem>>
    %dma_wait3A_302 = arith.constant 0 : i32
    %dma_wait3A_303 = arith.constant 0 : i32
    %dma_wait3A_304 = tpu.memref_slice %arg4[%dma_wait3A_302, %dma_wait3A_303] : memref<16384x128xf32, #tpu.memory_space<hbm>> -> memref<16384x128xf32, #tpu.memory_space<hbm>>
    tpu.wait_indirect_dma semaphore(%arg15 : memref<!tpu.dma_semaphore, #tpu.memory_space<semaphore_mem>>) src(%dma_wait3A_304 : memref<16384x128xf32, #tpu.memory_space<hbm>>) dst(%dma_wait3A_298 : memref<128x128xf32, #tpu.memory_space<vmem>>)
    %dma_wait3A_305 = arith.constant 1 : i32
    %dma_wait3A_306 = arith.constant 1 : i32
    %dma_wait3A_307 = arith.constant 0 : i32
    %dma_wait3A_308 = tpu.memref_slice %arg13[%dma_wait3A_306, %dma_wait3A_307] : memref<4x128xf32, #tpu.memory_space<vmem>> -> memref<1x128xf32, #tpu.memory_space<vmem>>
    %dma_wait3A_309 = tpu.memref_squeeze %dma_wait3A_308 : memref<1x128xf32, #tpu.memory_space<vmem>> -> memref<128xf32, #tpu.memory_space<vmem>>
    %dma_wait3A_310 = arith.constant 0 : i32
    %dma_wait3A_311 = tpu.memref_slice %arg11[%dma_wait3A_305, %dma_wait3A_310] : memref<4x128xi32, #tpu.memory_space<vmem>> -> memref<1x128xi32, #tpu.memory_space<vmem>>
    %dma_wait3A_312 = tpu.memref_squeeze %dma_wait3A_311 : memref<1x128xi32, #tpu.memory_space<vmem>> -> memref<128xi32, #tpu.memory_space<vmem>>
    %dma_wait3A_313 = arith.constant 0 : i32
    %dma_wait3A_314 = tpu.memref_slice %arg5[%dma_wait3A_313] : memref<16384xf32, #tpu.memory_space<hbm>> -> memref<16384xf32, #tpu.memory_space<hbm>>
    tpu.wait_indirect_dma semaphore(%arg15 : memref<!tpu.dma_semaphore, #tpu.memory_space<semaphore_mem>>) src(%dma_wait3A_314 : memref<16384xf32, #tpu.memory_space<hbm>>) dst(%dma_wait3A_309 : memref<128xf32, #tpu.memory_space<vmem>>)
    %dma_start3A_315 = arith.constant 1 : i32
    %dma_start3A_316 = arith.constant 1 : i32
    %dma_start3A_317 = arith.constant 0 : i32
    %dma_start3A_318 = arith.constant 0 : i32
    %dma_start3A_319 = tpu.memref_slice %arg12[%dma_start3A_315, %dma_start3A_317, %dma_start3A_318] : memref<4x128x128xf32, #tpu.memory_space<vmem>> -> memref<1x128x128xf32, #tpu.memory_space<vmem>>
    %dma_start3A_320 = tpu.memref_squeeze %dma_start3A_319 : memref<1x128x128xf32, #tpu.memory_space<vmem>> -> memref<128x128xf32, #tpu.memory_space<vmem>>
    %dma_start3A_321 = arith.constant 0 : i32
    %dma_start3A_322 = tpu.memref_slice %arg10[%dma_start3A_316, %dma_start3A_321] : memref<4x128xi32, #tpu.memory_space<vmem>> -> memref<1x128xi32, #tpu.memory_space<vmem>>
    %dma_start3A_323 = tpu.memref_squeeze %dma_start3A_322 : memref<1x128xi32, #tpu.memory_space<vmem>> -> memref<128xi32, #tpu.memory_space<vmem>>
    %dma_start3A_324 = arith.constant 0 : i32
    %dma_start3A_325 = arith.constant 0 : i32
    %dma_start3A_326 = tpu.memref_slice %arg6[%dma_start3A_324, %dma_start3A_325] : memref<1000000x128xf32, #tpu.memory_space<hbm>> -> memref<1000000x128xf32, #tpu.memory_space<hbm>>
    tpu.enqueue_indirect_dma source(%dma_start3A_320 : memref<128x128xf32, #tpu.memory_space<vmem>>) target(%dma_start3A_326 : memref<1000000x128xf32, #tpu.memory_space<hbm>>) offsets(%dma_start3A_323 : memref<128xi32, #tpu.memory_space<vmem>>) semaphore(%arg15 : memref<!tpu.dma_semaphore, #tpu.memory_space<semaphore_mem>>)
    %dma_start3A_327 = arith.constant 1 : i32
    %dma_start3A_328 = arith.constant 1 : i32
    %dma_start3A_329 = arith.constant 0 : i32
    %dma_start3A_330 = tpu.memref_slice %arg13[%dma_start3A_327, %dma_start3A_329] : memref<4x128xf32, #tpu.memory_space<vmem>> -> memref<1x128xf32, #tpu.memory_space<vmem>>
    %dma_start3A_331 = tpu.memref_squeeze %dma_start3A_330 : memref<1x128xf32, #tpu.memory_space<vmem>> -> memref<128xf32, #tpu.memory_space<vmem>>
    %dma_start3A_332 = arith.constant 0 : i32
    %dma_start3A_333 = tpu.memref_slice %arg10[%dma_start3A_328, %dma_start3A_332] : memref<4x128xi32, #tpu.memory_space<vmem>> -> memref<1x128xi32, #tpu.memory_space<vmem>>
    %dma_start3A_334 = tpu.memref_squeeze %dma_start3A_333 : memref<1x128xi32, #tpu.memory_space<vmem>> -> memref<128xi32, #tpu.memory_space<vmem>>
    %dma_start3A_335 = arith.constant 0 : i32
    %dma_start3A_336 = tpu.memref_slice %arg7[%dma_start3A_335] : memref<1000000xf32, #tpu.memory_space<hbm>> -> memref<1000000xf32, #tpu.memory_space<hbm>>
    tpu.enqueue_indirect_dma source(%dma_start3A_331 : memref<128xf32, #tpu.memory_space<vmem>>) target(%dma_start3A_336 : memref<1000000xf32, #tpu.memory_space<hbm>>) offsets(%dma_start3A_334 : memref<128xi32, #tpu.memory_space<vmem>>) semaphore(%arg15 : memref<!tpu.dma_semaphore, #tpu.memory_space<semaphore_mem>>)
    %dma_wait3A_337 = arith.constant 2 : i32
    %dma_wait3A_338 = arith.constant 2 : i32
    %dma_wait3A_339 = arith.constant 0 : i32
    %dma_wait3A_340 = arith.constant 0 : i32
    %dma_wait3A_341 = tpu.memref_slice %arg12[%dma_wait3A_338, %dma_wait3A_339, %dma_wait3A_340] : memref<4x128x128xf32, #tpu.memory_space<vmem>> -> memref<1x128x128xf32, #tpu.memory_space<vmem>>
    %dma_wait3A_342 = tpu.memref_squeeze %dma_wait3A_341 : memref<1x128x128xf32, #tpu.memory_space<vmem>> -> memref<128x128xf32, #tpu.memory_space<vmem>>
    %dma_wait3A_343 = arith.constant 0 : i32
    %dma_wait3A_344 = tpu.memref_slice %arg11[%dma_wait3A_337, %dma_wait3A_343] : memref<4x128xi32, #tpu.memory_space<vmem>> -> memref<1x128xi32, #tpu.memory_space<vmem>>
    %dma_wait3A_345 = tpu.memref_squeeze %dma_wait3A_344 : memref<1x128xi32, #tpu.memory_space<vmem>> -> memref<128xi32, #tpu.memory_space<vmem>>
    %dma_wait3A_346 = arith.constant 0 : i32
    %dma_wait3A_347 = arith.constant 0 : i32
    %dma_wait3A_348 = tpu.memref_slice %arg4[%dma_wait3A_346, %dma_wait3A_347] : memref<16384x128xf32, #tpu.memory_space<hbm>> -> memref<16384x128xf32, #tpu.memory_space<hbm>>
    tpu.wait_indirect_dma semaphore(%arg16 : memref<!tpu.dma_semaphore, #tpu.memory_space<semaphore_mem>>) src(%dma_wait3A_348 : memref<16384x128xf32, #tpu.memory_space<hbm>>) dst(%dma_wait3A_342 : memref<128x128xf32, #tpu.memory_space<vmem>>)
    %dma_wait3A_349 = arith.constant 2 : i32
    %dma_wait3A_350 = arith.constant 2 : i32
    %dma_wait3A_351 = arith.constant 0 : i32
    %dma_wait3A_352 = tpu.memref_slice %arg13[%dma_wait3A_350, %dma_wait3A_351] : memref<4x128xf32, #tpu.memory_space<vmem>> -> memref<1x128xf32, #tpu.memory_space<vmem>>
    %dma_wait3A_353 = tpu.memref_squeeze %dma_wait3A_352 : memref<1x128xf32, #tpu.memory_space<vmem>> -> memref<128xf32, #tpu.memory_space<vmem>>
    %dma_wait3A_354 = arith.constant 0 : i32
    %dma_wait3A_355 = tpu.memref_slice %arg11[%dma_wait3A_349, %dma_wait3A_354] : memref<4x128xi32, #tpu.memory_space<vmem>> -> memref<1x128xi32, #tpu.memory_space<vmem>>
    %dma_wait3A_356 = tpu.memref_squeeze %dma_wait3A_355 : memref<1x128xi32, #tpu.memory_space<vmem>> -> memref<128xi32, #tpu.memory_space<vmem>>
    %dma_wait3A_357 = arith.constant 0 : i32
    %dma_wait3A_358 = tpu.memref_slice %arg5[%dma_wait3A_357] : memref<16384xf32, #tpu.memory_space<hbm>> -> memref<16384xf32, #tpu.memory_space<hbm>>
    tpu.wait_indirect_dma semaphore(%arg16 : memref<!tpu.dma_semaphore, #tpu.memory_space<semaphore_mem>>) src(%dma_wait3A_358 : memref<16384xf32, #tpu.memory_space<hbm>>) dst(%dma_wait3A_353 : memref<128xf32, #tpu.memory_space<vmem>>)
    %dma_start3A_359 = arith.constant 2 : i32
    %dma_start3A_360 = arith.constant 2 : i32
    %dma_start3A_361 = arith.constant 0 : i32
    %dma_start3A_362 = arith.constant 0 : i32
    %dma_start3A_363 = tpu.memref_slice %arg12[%dma_start3A_359, %dma_start3A_361, %dma_start3A_362] : memref<4x128x128xf32, #tpu.memory_space<vmem>> -> memref<1x128x128xf32, #tpu.memory_space<vmem>>
    %dma_start3A_364 = tpu.memref_squeeze %dma_start3A_363 : memref<1x128x128xf32, #tpu.memory_space<vmem>> -> memref<128x128xf32, #tpu.memory_space<vmem>>
    %dma_start3A_365 = arith.constant 0 : i32
    %dma_start3A_366 = tpu.memref_slice %arg10[%dma_start3A_360, %dma_start3A_365] : memref<4x128xi32, #tpu.memory_space<vmem>> -> memref<1x128xi32, #tpu.memory_space<vmem>>
    %dma_start3A_367 = tpu.memref_squeeze %dma_start3A_366 : memref<1x128xi32, #tpu.memory_space<vmem>> -> memref<128xi32, #tpu.memory_space<vmem>>
    %dma_start3A_368 = arith.constant 0 : i32
    %dma_start3A_369 = arith.constant 0 : i32
    %dma_start3A_370 = tpu.memref_slice %arg6[%dma_start3A_368, %dma_start3A_369] : memref<1000000x128xf32, #tpu.memory_space<hbm>> -> memref<1000000x128xf32, #tpu.memory_space<hbm>>
    tpu.enqueue_indirect_dma source(%dma_start3A_364 : memref<128x128xf32, #tpu.memory_space<vmem>>) target(%dma_start3A_370 : memref<1000000x128xf32, #tpu.memory_space<hbm>>) offsets(%dma_start3A_367 : memref<128xi32, #tpu.memory_space<vmem>>) semaphore(%arg16 : memref<!tpu.dma_semaphore, #tpu.memory_space<semaphore_mem>>)
    %dma_start3A_371 = arith.constant 2 : i32
    %dma_start3A_372 = arith.constant 2 : i32
    %dma_start3A_373 = arith.constant 0 : i32
    %dma_start3A_374 = tpu.memref_slice %arg13[%dma_start3A_371, %dma_start3A_373] : memref<4x128xf32, #tpu.memory_space<vmem>> -> memref<1x128xf32, #tpu.memory_space<vmem>>
    %dma_start3A_375 = tpu.memref_squeeze %dma_start3A_374 : memref<1x128xf32, #tpu.memory_space<vmem>> -> memref<128xf32, #tpu.memory_space<vmem>>
    %dma_start3A_376 = arith.constant 0 : i32
    %dma_start3A_377 = tpu.memref_slice %arg10[%dma_start3A_372, %dma_start3A_376] : memref<4x128xi32, #tpu.memory_space<vmem>> -> memref<1x128xi32, #tpu.memory_space<vmem>>
    %dma_start3A_378 = tpu.memref_squeeze %dma_start3A_377 : memref<1x128xi32, #tpu.memory_space<vmem>> -> memref<128xi32, #tpu.memory_space<vmem>>
    %dma_start3A_379 = arith.constant 0 : i32
    %dma_start3A_380 = tpu.memref_slice %arg7[%dma_start3A_379] : memref<1000000xf32, #tpu.memory_space<hbm>> -> memref<1000000xf32, #tpu.memory_space<hbm>>
    tpu.enqueue_indirect_dma source(%dma_start3A_375 : memref<128xf32, #tpu.memory_space<vmem>>) target(%dma_start3A_380 : memref<1000000xf32, #tpu.memory_space<hbm>>) offsets(%dma_start3A_378 : memref<128xi32, #tpu.memory_space<vmem>>) semaphore(%arg16 : memref<!tpu.dma_semaphore, #tpu.memory_space<semaphore_mem>>)
    %dma_wait3A_381 = arith.constant 3 : i32
    %dma_wait3A_382 = arith.constant 3 : i32
    %dma_wait3A_383 = arith.constant 0 : i32
    %dma_wait3A_384 = arith.constant 0 : i32
    %dma_wait3A_385 = tpu.memref_slice %arg12[%dma_wait3A_382, %dma_wait3A_383, %dma_wait3A_384] : memref<4x128x128xf32, #tpu.memory_space<vmem>> -> memref<1x128x128xf32, #tpu.memory_space<vmem>>
    %dma_wait3A_386 = tpu.memref_squeeze %dma_wait3A_385 : memref<1x128x128xf32, #tpu.memory_space<vmem>> -> memref<128x128xf32, #tpu.memory_space<vmem>>
    %dma_wait3A_387 = arith.constant 0 : i32
    %dma_wait3A_388 = tpu.memref_slice %arg11[%dma_wait3A_381, %dma_wait3A_387] : memref<4x128xi32, #tpu.memory_space<vmem>> -> memref<1x128xi32, #tpu.memory_space<vmem>>
    %dma_wait3A_389 = tpu.memref_squeeze %dma_wait3A_388 : memref<1x128xi32, #tpu.memory_space<vmem>> -> memref<128xi32, #tpu.memory_space<vmem>>
    %dma_wait3A_390 = arith.constant 0 : i32
    %dma_wait3A_391 = arith.constant 0 : i32
    %dma_wait3A_392 = tpu.memref_slice %arg4[%dma_wait3A_390, %dma_wait3A_391] : memref<16384x128xf32, #tpu.memory_space<hbm>> -> memref<16384x128xf32, #tpu.memory_space<hbm>>
    tpu.wait_indirect_dma semaphore(%arg17 : memref<!tpu.dma_semaphore, #tpu.memory_space<semaphore_mem>>) src(%dma_wait3A_392 : memref<16384x128xf32, #tpu.memory_space<hbm>>) dst(%dma_wait3A_386 : memref<128x128xf32, #tpu.memory_space<vmem>>)
    %dma_wait3A_393 = arith.constant 3 : i32
    %dma_wait3A_394 = arith.constant 3 : i32
    %dma_wait3A_395 = arith.constant 0 : i32
    %dma_wait3A_396 = tpu.memref_slice %arg13[%dma_wait3A_394, %dma_wait3A_395] : memref<4x128xf32, #tpu.memory_space<vmem>> -> memref<1x128xf32, #tpu.memory_space<vmem>>
    %dma_wait3A_397 = tpu.memref_squeeze %dma_wait3A_396 : memref<1x128xf32, #tpu.memory_space<vmem>> -> memref<128xf32, #tpu.memory_space<vmem>>
    %dma_wait3A_398 = arith.constant 0 : i32
    %dma_wait3A_399 = tpu.memref_slice %arg11[%dma_wait3A_393, %dma_wait3A_398] : memref<4x128xi32, #tpu.memory_space<vmem>> -> memref<1x128xi32, #tpu.memory_space<vmem>>
    %dma_wait3A_400 = tpu.memref_squeeze %dma_wait3A_399 : memref<1x128xi32, #tpu.memory_space<vmem>> -> memref<128xi32, #tpu.memory_space<vmem>>
    %dma_wait3A_401 = arith.constant 0 : i32
    %dma_wait3A_402 = tpu.memref_slice %arg5[%dma_wait3A_401] : memref<16384xf32, #tpu.memory_space<hbm>> -> memref<16384xf32, #tpu.memory_space<hbm>>
    tpu.wait_indirect_dma semaphore(%arg17 : memref<!tpu.dma_semaphore, #tpu.memory_space<semaphore_mem>>) src(%dma_wait3A_402 : memref<16384xf32, #tpu.memory_space<hbm>>) dst(%dma_wait3A_397 : memref<128xf32, #tpu.memory_space<vmem>>)
    %dma_start3A_403 = arith.constant 3 : i32
    %dma_start3A_404 = arith.constant 3 : i32
    %dma_start3A_405 = arith.constant 0 : i32
    %dma_start3A_406 = arith.constant 0 : i32
    %dma_start3A_407 = tpu.memref_slice %arg12[%dma_start3A_403, %dma_start3A_405, %dma_start3A_406] : memref<4x128x128xf32, #tpu.memory_space<vmem>> -> memref<1x128x128xf32, #tpu.memory_space<vmem>>
    %dma_start3A_408 = tpu.memref_squeeze %dma_start3A_407 : memref<1x128x128xf32, #tpu.memory_space<vmem>> -> memref<128x128xf32, #tpu.memory_space<vmem>>
    %dma_start3A_409 = arith.constant 0 : i32
    %dma_start3A_410 = tpu.memref_slice %arg10[%dma_start3A_404, %dma_start3A_409] : memref<4x128xi32, #tpu.memory_space<vmem>> -> memref<1x128xi32, #tpu.memory_space<vmem>>
    %dma_start3A_411 = tpu.memref_squeeze %dma_start3A_410 : memref<1x128xi32, #tpu.memory_space<vmem>> -> memref<128xi32, #tpu.memory_space<vmem>>
    %dma_start3A_412 = arith.constant 0 : i32
    %dma_start3A_413 = arith.constant 0 : i32
    %dma_start3A_414 = tpu.memref_slice %arg6[%dma_start3A_412, %dma_start3A_413] : memref<1000000x128xf32, #tpu.memory_space<hbm>> -> memref<1000000x128xf32, #tpu.memory_space<hbm>>
    tpu.enqueue_indirect_dma source(%dma_start3A_408 : memref<128x128xf32, #tpu.memory_space<vmem>>) target(%dma_start3A_414 : memref<1000000x128xf32, #tpu.memory_space<hbm>>) offsets(%dma_start3A_411 : memref<128xi32, #tpu.memory_space<vmem>>) semaphore(%arg17 : memref<!tpu.dma_semaphore, #tpu.memory_space<semaphore_mem>>)
    %dma_start3A_415 = arith.constant 3 : i32
    %dma_start3A_416 = arith.constant 3 : i32
    %dma_start3A_417 = arith.constant 0 : i32
    %dma_start3A_418 = tpu.memref_slice %arg13[%dma_start3A_415, %dma_start3A_417] : memref<4x128xf32, #tpu.memory_space<vmem>> -> memref<1x128xf32, #tpu.memory_space<vmem>>
    %dma_start3A_419 = tpu.memref_squeeze %dma_start3A_418 : memref<1x128xf32, #tpu.memory_space<vmem>> -> memref<128xf32, #tpu.memory_space<vmem>>
    %dma_start3A_420 = arith.constant 0 : i32
    %dma_start3A_421 = tpu.memref_slice %arg10[%dma_start3A_416, %dma_start3A_420] : memref<4x128xi32, #tpu.memory_space<vmem>> -> memref<1x128xi32, #tpu.memory_space<vmem>>
    %dma_start3A_422 = tpu.memref_squeeze %dma_start3A_421 : memref<1x128xi32, #tpu.memory_space<vmem>> -> memref<128xi32, #tpu.memory_space<vmem>>
    %dma_start3A_423 = arith.constant 0 : i32
    %dma_start3A_424 = tpu.memref_slice %arg7[%dma_start3A_423] : memref<1000000xf32, #tpu.memory_space<hbm>> -> memref<1000000xf32, #tpu.memory_space<hbm>>
    tpu.enqueue_indirect_dma source(%dma_start3A_419 : memref<128xf32, #tpu.memory_space<vmem>>) target(%dma_start3A_424 : memref<1000000xf32, #tpu.memory_space<hbm>>) offsets(%dma_start3A_422 : memref<128xi32, #tpu.memory_space<vmem>>) semaphore(%arg17 : memref<!tpu.dma_semaphore, #tpu.memory_space<semaphore_mem>>)
    %dma_wait3A_425 = arith.constant 0 : i32
    %dma_wait3A_426 = arith.constant 0 : i32
    %dma_wait3A_427 = arith.constant 0 : i32
    %dma_wait3A_428 = arith.constant 0 : i32
    %dma_wait3A_429 = tpu.memref_slice %arg12[%dma_wait3A_425, %dma_wait3A_427, %dma_wait3A_428] : memref<4x128x128xf32, #tpu.memory_space<vmem>> -> memref<1x128x128xf32, #tpu.memory_space<vmem>>
    %dma_wait3A_430 = tpu.memref_squeeze %dma_wait3A_429 : memref<1x128x128xf32, #tpu.memory_space<vmem>> -> memref<128x128xf32, #tpu.memory_space<vmem>>
    %dma_wait3A_431 = arith.constant 0 : i32
    %dma_wait3A_432 = tpu.memref_slice %arg10[%dma_wait3A_426, %dma_wait3A_431] : memref<4x128xi32, #tpu.memory_space<vmem>> -> memref<1x128xi32, #tpu.memory_space<vmem>>
    %dma_wait3A_433 = tpu.memref_squeeze %dma_wait3A_432 : memref<1x128xi32, #tpu.memory_space<vmem>> -> memref<128xi32, #tpu.memory_space<vmem>>
    %dma_wait3A_434 = arith.constant 0 : i32
    %dma_wait3A_435 = arith.constant 0 : i32
    %dma_wait3A_436 = tpu.memref_slice %arg6[%dma_wait3A_434, %dma_wait3A_435] : memref<1000000x128xf32, #tpu.memory_space<hbm>> -> memref<1000000x128xf32, #tpu.memory_space<hbm>>
    tpu.wait_indirect_dma semaphore(%arg14 : memref<!tpu.dma_semaphore, #tpu.memory_space<semaphore_mem>>) src(%dma_wait3A_430 : memref<128x128xf32, #tpu.memory_space<vmem>>) dst(%dma_wait3A_436 : memref<1000000x128xf32, #tpu.memory_space<hbm>>)
    %dma_wait3A_437 = arith.constant 0 : i32
    %dma_wait3A_438 = arith.constant 0 : i32
    %dma_wait3A_439 = arith.constant 0 : i32
    %dma_wait3A_440 = tpu.memref_slice %arg13[%dma_wait3A_437, %dma_wait3A_439] : memref<4x128xf32, #tpu.memory_space<vmem>> -> memref<1x128xf32, #tpu.memory_space<vmem>>
    %dma_wait3A_441 = tpu.memref_squeeze %dma_wait3A_440 : memref<1x128xf32, #tpu.memory_space<vmem>> -> memref<128xf32, #tpu.memory_space<vmem>>
    %dma_wait3A_442 = arith.constant 0 : i32
    %dma_wait3A_443 = tpu.memref_slice %arg10[%dma_wait3A_438, %dma_wait3A_442] : memref<4x128xi32, #tpu.memory_space<vmem>> -> memref<1x128xi32, #tpu.memory_space<vmem>>
    %dma_wait3A_444 = tpu.memref_squeeze %dma_wait3A_443 : memref<1x128xi32, #tpu.memory_space<vmem>> -> memref<128xi32, #tpu.memory_space<vmem>>
    %dma_wait3A_445 = arith.constant 0 : i32
    %dma_wait3A_446 = tpu.memref_slice %arg7[%dma_wait3A_445] : memref<1000000xf32, #tpu.memory_space<hbm>> -> memref<1000000xf32, #tpu.memory_space<hbm>>
    tpu.wait_indirect_dma semaphore(%arg14 : memref<!tpu.dma_semaphore, #tpu.memory_space<semaphore_mem>>) src(%dma_wait3A_441 : memref<128xf32, #tpu.memory_space<vmem>>) dst(%dma_wait3A_446 : memref<1000000xf32, #tpu.memory_space<hbm>>)
    %dma_wait3A_447 = arith.constant 1 : i32
    %dma_wait3A_448 = arith.constant 1 : i32
    %dma_wait3A_449 = arith.constant 0 : i32
    %dma_wait3A_450 = arith.constant 0 : i32
    %dma_wait3A_451 = tpu.memref_slice %arg12[%dma_wait3A_447, %dma_wait3A_449, %dma_wait3A_450] : memref<4x128x128xf32, #tpu.memory_space<vmem>> -> memref<1x128x128xf32, #tpu.memory_space<vmem>>
    %dma_wait3A_452 = tpu.memref_squeeze %dma_wait3A_451 : memref<1x128x128xf32, #tpu.memory_space<vmem>> -> memref<128x128xf32, #tpu.memory_space<vmem>>
    %dma_wait3A_453 = arith.constant 0 : i32
    %dma_wait3A_454 = tpu.memref_slice %arg10[%dma_wait3A_448, %dma_wait3A_453] : memref<4x128xi32, #tpu.memory_space<vmem>> -> memref<1x128xi32, #tpu.memory_space<vmem>>
    %dma_wait3A_455 = tpu.memref_squeeze %dma_wait3A_454 : memref<1x128xi32, #tpu.memory_space<vmem>> -> memref<128xi32, #tpu.memory_space<vmem>>
    %dma_wait3A_456 = arith.constant 0 : i32
    %dma_wait3A_457 = arith.constant 0 : i32
    %dma_wait3A_458 = tpu.memref_slice %arg6[%dma_wait3A_456, %dma_wait3A_457] : memref<1000000x128xf32, #tpu.memory_space<hbm>> -> memref<1000000x128xf32, #tpu.memory_space<hbm>>
    tpu.wait_indirect_dma semaphore(%arg15 : memref<!tpu.dma_semaphore, #tpu.memory_space<semaphore_mem>>) src(%dma_wait3A_452 : memref<128x128xf32, #tpu.memory_space<vmem>>) dst(%dma_wait3A_458 : memref<1000000x128xf32, #tpu.memory_space<hbm>>)
    %dma_wait3A_459 = arith.constant 1 : i32
    %dma_wait3A_460 = arith.constant 1 : i32
    %dma_wait3A_461 = arith.constant 0 : i32
    %dma_wait3A_462 = tpu.memref_slice %arg13[%dma_wait3A_459, %dma_wait3A_461] : memref<4x128xf32, #tpu.memory_space<vmem>> -> memref<1x128xf32, #tpu.memory_space<vmem>>
    %dma_wait3A_463 = tpu.memref_squeeze %dma_wait3A_462 : memref<1x128xf32, #tpu.memory_space<vmem>> -> memref<128xf32, #tpu.memory_space<vmem>>
    %dma_wait3A_464 = arith.constant 0 : i32
    %dma_wait3A_465 = tpu.memref_slice %arg10[%dma_wait3A_460, %dma_wait3A_464] : memref<4x128xi32, #tpu.memory_space<vmem>> -> memref<1x128xi32, #tpu.memory_space<vmem>>
    %dma_wait3A_466 = tpu.memref_squeeze %dma_wait3A_465 : memref<1x128xi32, #tpu.memory_space<vmem>> -> memref<128xi32, #tpu.memory_space<vmem>>
    %dma_wait3A_467 = arith.constant 0 : i32
    %dma_wait3A_468 = tpu.memref_slice %arg7[%dma_wait3A_467] : memref<1000000xf32, #tpu.memory_space<hbm>> -> memref<1000000xf32, #tpu.memory_space<hbm>>
    tpu.wait_indirect_dma semaphore(%arg15 : memref<!tpu.dma_semaphore, #tpu.memory_space<semaphore_mem>>) src(%dma_wait3A_463 : memref<128xf32, #tpu.memory_space<vmem>>) dst(%dma_wait3A_468 : memref<1000000xf32, #tpu.memory_space<hbm>>)
    %dma_wait3A_469 = arith.constant 2 : i32
    %dma_wait3A_470 = arith.constant 2 : i32
    %dma_wait3A_471 = arith.constant 0 : i32
    %dma_wait3A_472 = arith.constant 0 : i32
    %dma_wait3A_473 = tpu.memref_slice %arg12[%dma_wait3A_469, %dma_wait3A_471, %dma_wait3A_472] : memref<4x128x128xf32, #tpu.memory_space<vmem>> -> memref<1x128x128xf32, #tpu.memory_space<vmem>>
    %dma_wait3A_474 = tpu.memref_squeeze %dma_wait3A_473 : memref<1x128x128xf32, #tpu.memory_space<vmem>> -> memref<128x128xf32, #tpu.memory_space<vmem>>
    %dma_wait3A_475 = arith.constant 0 : i32
    %dma_wait3A_476 = tpu.memref_slice %arg10[%dma_wait3A_470, %dma_wait3A_475] : memref<4x128xi32, #tpu.memory_space<vmem>> -> memref<1x128xi32, #tpu.memory_space<vmem>>
    %dma_wait3A_477 = tpu.memref_squeeze %dma_wait3A_476 : memref<1x128xi32, #tpu.memory_space<vmem>> -> memref<128xi32, #tpu.memory_space<vmem>>
    %dma_wait3A_478 = arith.constant 0 : i32
    %dma_wait3A_479 = arith.constant 0 : i32
    %dma_wait3A_480 = tpu.memref_slice %arg6[%dma_wait3A_478, %dma_wait3A_479] : memref<1000000x128xf32, #tpu.memory_space<hbm>> -> memref<1000000x128xf32, #tpu.memory_space<hbm>>
    tpu.wait_indirect_dma semaphore(%arg16 : memref<!tpu.dma_semaphore, #tpu.memory_space<semaphore_mem>>) src(%dma_wait3A_474 : memref<128x128xf32, #tpu.memory_space<vmem>>) dst(%dma_wait3A_480 : memref<1000000x128xf32, #tpu.memory_space<hbm>>)
    %dma_wait3A_481 = arith.constant 2 : i32
    %dma_wait3A_482 = arith.constant 2 : i32
    %dma_wait3A_483 = arith.constant 0 : i32
    %dma_wait3A_484 = tpu.memref_slice %arg13[%dma_wait3A_481, %dma_wait3A_483] : memref<4x128xf32, #tpu.memory_space<vmem>> -> memref<1x128xf32, #tpu.memory_space<vmem>>
    %dma_wait3A_485 = tpu.memref_squeeze %dma_wait3A_484 : memref<1x128xf32, #tpu.memory_space<vmem>> -> memref<128xf32, #tpu.memory_space<vmem>>
    %dma_wait3A_486 = arith.constant 0 : i32
    %dma_wait3A_487 = tpu.memref_slice %arg10[%dma_wait3A_482, %dma_wait3A_486] : memref<4x128xi32, #tpu.memory_space<vmem>> -> memref<1x128xi32, #tpu.memory_space<vmem>>
    %dma_wait3A_488 = tpu.memref_squeeze %dma_wait3A_487 : memref<1x128xi32, #tpu.memory_space<vmem>> -> memref<128xi32, #tpu.memory_space<vmem>>
    %dma_wait3A_489 = arith.constant 0 : i32
    %dma_wait3A_490 = tpu.memref_slice %arg7[%dma_wait3A_489] : memref<1000000xf32, #tpu.memory_space<hbm>> -> memref<1000000xf32, #tpu.memory_space<hbm>>
    tpu.wait_indirect_dma semaphore(%arg16 : memref<!tpu.dma_semaphore, #tpu.memory_space<semaphore_mem>>) src(%dma_wait3A_485 : memref<128xf32, #tpu.memory_space<vmem>>) dst(%dma_wait3A_490 : memref<1000000xf32, #tpu.memory_space<hbm>>)
    %dma_wait3A_491 = arith.constant 3 : i32
    %dma_wait3A_492 = arith.constant 3 : i32
    %dma_wait3A_493 = arith.constant 0 : i32
    %dma_wait3A_494 = arith.constant 0 : i32
    %dma_wait3A_495 = tpu.memref_slice %arg12[%dma_wait3A_491, %dma_wait3A_493, %dma_wait3A_494] : memref<4x128x128xf32, #tpu.memory_space<vmem>> -> memref<1x128x128xf32, #tpu.memory_space<vmem>>
    %dma_wait3A_496 = tpu.memref_squeeze %dma_wait3A_495 : memref<1x128x128xf32, #tpu.memory_space<vmem>> -> memref<128x128xf32, #tpu.memory_space<vmem>>
    %dma_wait3A_497 = arith.constant 0 : i32
    %dma_wait3A_498 = tpu.memref_slice %arg10[%dma_wait3A_492, %dma_wait3A_497] : memref<4x128xi32, #tpu.memory_space<vmem>> -> memref<1x128xi32, #tpu.memory_space<vmem>>
    %dma_wait3A_499 = tpu.memref_squeeze %dma_wait3A_498 : memref<1x128xi32, #tpu.memory_space<vmem>> -> memref<128xi32, #tpu.memory_space<vmem>>
    %dma_wait3A_500 = arith.constant 0 : i32
    %dma_wait3A_501 = arith.constant 0 : i32
    %dma_wait3A_502 = tpu.memref_slice %arg6[%dma_wait3A_500, %dma_wait3A_501] : memref<1000000x128xf32, #tpu.memory_space<hbm>> -> memref<1000000x128xf32, #tpu.memory_space<hbm>>
    tpu.wait_indirect_dma semaphore(%arg17 : memref<!tpu.dma_semaphore, #tpu.memory_space<semaphore_mem>>) src(%dma_wait3A_496 : memref<128x128xf32, #tpu.memory_space<vmem>>) dst(%dma_wait3A_502 : memref<1000000x128xf32, #tpu.memory_space<hbm>>)
    %dma_wait3A_503 = arith.constant 3 : i32
    %dma_wait3A_504 = arith.constant 3 : i32
    %dma_wait3A_505 = arith.constant 0 : i32
    %dma_wait3A_506 = tpu.memref_slice %arg13[%dma_wait3A_503, %dma_wait3A_505] : memref<4x128xf32, #tpu.memory_space<vmem>> -> memref<1x128xf32, #tpu.memory_space<vmem>>
    %dma_wait3A_507 = tpu.memref_squeeze %dma_wait3A_506 : memref<1x128xf32, #tpu.memory_space<vmem>> -> memref<128xf32, #tpu.memory_space<vmem>>
    %dma_wait3A_508 = arith.constant 0 : i32
    %dma_wait3A_509 = tpu.memref_slice %arg10[%dma_wait3A_504, %dma_wait3A_508] : memref<4x128xi32, #tpu.memory_space<vmem>> -> memref<1x128xi32, #tpu.memory_space<vmem>>
    %dma_wait3A_510 = tpu.memref_squeeze %dma_wait3A_509 : memref<1x128xi32, #tpu.memory_space<vmem>> -> memref<128xi32, #tpu.memory_space<vmem>>
    %dma_wait3A_511 = arith.constant 0 : i32
    %dma_wait3A_512 = tpu.memref_slice %arg7[%dma_wait3A_511] : memref<1000000xf32, #tpu.memory_space<hbm>> -> memref<1000000xf32, #tpu.memory_space<hbm>>
    tpu.wait_indirect_dma semaphore(%arg17 : memref<!tpu.dma_semaphore, #tpu.memory_space<semaphore_mem>>) src(%dma_wait3A_507 : memref<128xf32, #tpu.memory_space<vmem>>) dst(%dma_wait3A_512 : memref<1000000xf32, #tpu.memory_space<hbm>>)
    return
  }
}

module attributes {stable_mosaic.version = 14 : i64} {
  func.func @_gru_body(%arg0: i32, %arg1: memref<4096x256xf32, #tpu.memory_space<vmem>>, %arg2: memref<4096x128xf32, #tpu.memory_space<vmem>>, %arg3: memref<256x384xf32, #tpu.memory_space<vmem>>, %arg4: memref<128x384xf32, #tpu.memory_space<vmem>>, %arg5: memref<2x384xf32, #tpu.memory_space<vmem>>, %arg6: memref<4096x128xf32, #tpu.memory_space<vmem>>) attributes {dimension_semantics = [#tpu.dimension_semantics<arbitrary>], iteration_bounds = array<i64: 4>, scalar_prefetch = 0 : i64, scratch_operands = 0 : i64, tpu.core_type = #tpu.core_type<tc>, window_params = [{transform_indices = @transform_0, window_bounds = array<i64: 4096, 256>}, {transform_indices = @transform_1, window_bounds = array<i64: 4096, 128>}, {pipeline_mode = #tpu.pipeline_mode<synchronous>, transform_indices = @transform_2, window_bounds = array<i64: 256, 384>}, {pipeline_mode = #tpu.pipeline_mode<synchronous>, transform_indices = @transform_3, window_bounds = array<i64: 128, 384>}, {pipeline_mode = #tpu.pipeline_mode<synchronous>, transform_indices = @transform_4, window_bounds = array<i64: 2, 384>}, {transform_indices = @transform_5, window_bounds = array<i64: 4096, 128>}]} {
    %get3A = arith.constant 0 : index
    %get3A_0 = arith.constant 0 : index
    %get3A_1 = vector.load %arg2[%get3A, %get3A_0] : memref<4096x128xf32, #tpu.memory_space<vmem>>, vector<4096x128xf32>
    %get3A_2 = arith.constant 0 : index
    %get3A_3 = arith.constant 0 : index
    %get3A_4 = vector.load %arg1[%get3A_2, %get3A_3] : memref<4096x256xf32, #tpu.memory_space<vmem>>, vector<4096x256xf32>
    %get3A_5 = arith.constant 0 : index
    %get3A_6 = arith.constant 0 : index
    %get3A_7 = vector.load %arg3[%get3A_5, %get3A_6] : memref<256x384xf32, #tpu.memory_space<vmem>>, vector<256x384xf32>
    %dot_general3A = arith.constant dense<0.000000e+00> : vector<4096x384xf32>
    %dot_general3A_8 = tpu.matmul %get3A_4, %get3A_7, %dot_general3A {dimension_numbers = #tpu.dot_dimension_numbers<[1], [0], [0], [1], [0, 0, 1, 1], [], []>, transpose_lhs_hint = false} : vector<4096x256xf32>, vector<256x384xf32>, vector<4096x384xf32> -> vector<4096x384xf32>
    %get3A_9 = arith.constant 0 : index
    %get3A_10 = arith.constant 0 : index
    %get3A_11 = vector.load %arg4[%get3A_9, %get3A_10] : memref<128x384xf32, #tpu.memory_space<vmem>>, vector<128x384xf32>
    %dot_general3A_12 = arith.constant dense<0.000000e+00> : vector<4096x384xf32>
    %dot_general3A_13 = tpu.matmul %get3A_1, %get3A_11, %dot_general3A_12 {dimension_numbers = #tpu.dot_dimension_numbers<[1], [0], [0], [1], [0, 0, 1, 1], [], []>, transpose_lhs_hint = false} : vector<4096x128xf32>, vector<128x384xf32>, vector<4096x384xf32> -> vector<4096x384xf32>
    %get3A_14 = arith.constant 0 : index
    %get3A_15 = arith.constant 0 : index
    %get3A_16 = vector.load %arg5[%get3A_14, %get3A_15] : memref<2x384xf32, #tpu.memory_space<vmem>>, vector<1x384xf32>
    %add3A = vector.broadcast %get3A_16 : vector<1x384xf32> to vector<4096x384xf32>
    %add3A_17 = arith.addf %dot_general3A_8, %add3A : vector<4096x384xf32>
    %get3A_18 = arith.constant 1 : index
    %get3A_19 = arith.constant 0 : index
    %get3A_20 = vector.load %arg5[%get3A_18, %get3A_19] : memref<2x384xf32, #tpu.memory_space<vmem>>, vector<1x384xf32>
    %add3A_21 = vector.broadcast %get3A_20 : vector<1x384xf32> to vector<4096x384xf32>
    %add3A_22 = arith.addf %dot_general3A_13, %add3A_21 : vector<4096x384xf32>
    %slice3A = vector.extract_strided_slice %add3A_17 {offsets = [0, 0], sizes = [4096, 128], strides = [1, 1]} : vector<4096x384xf32> to vector<4096x128xf32>
    %slice3A_23 = vector.extract_strided_slice %add3A_22 {offsets = [0, 0], sizes = [4096, 128], strides = [1, 1]} : vector<4096x384xf32> to vector<4096x128xf32>
    %add3A_24 = arith.addf %slice3A, %slice3A_23 : vector<4096x128xf32>
    %logistic3A = arith.negf %add3A_24 : vector<4096x128xf32>
    %logistic3A_25 = math.exp %logistic3A : vector<4096x128xf32>
    %logistic3A_26 = arith.constant 1.000000e+00 : f32
    %logistic3A_27 = vector.broadcast %logistic3A_26 : f32 to vector<4096x128xf32>
    %logistic3A_28 = arith.addf %logistic3A_27, %logistic3A_25 : vector<4096x128xf32>
    %logistic3A_29 = arith.divf %logistic3A_27, %logistic3A_28 : vector<4096x128xf32>
    %slice3A_30 = vector.extract_strided_slice %add3A_17 {offsets = [0, 128], sizes = [4096, 128], strides = [1, 1]} : vector<4096x384xf32> to vector<4096x128xf32>
    %slice3A_31 = vector.extract_strided_slice %add3A_22 {offsets = [0, 128], sizes = [4096, 128], strides = [1, 1]} : vector<4096x384xf32> to vector<4096x128xf32>
    %add3A_32 = arith.addf %slice3A_30, %slice3A_31 : vector<4096x128xf32>
    %logistic3A_33 = arith.negf %add3A_32 : vector<4096x128xf32>
    %logistic3A_34 = math.exp %logistic3A_33 : vector<4096x128xf32>
    %logistic3A_35 = arith.constant 1.000000e+00 : f32
    %logistic3A_36 = vector.broadcast %logistic3A_35 : f32 to vector<4096x128xf32>
    %logistic3A_37 = arith.addf %logistic3A_36, %logistic3A_34 : vector<4096x128xf32>
    %logistic3A_38 = arith.divf %logistic3A_36, %logistic3A_37 : vector<4096x128xf32>
    %slice3A_39 = vector.extract_strided_slice %add3A_17 {offsets = [0, 256], sizes = [4096, 128], strides = [1, 1]} : vector<4096x384xf32> to vector<4096x128xf32>
    %slice3A_40 = vector.extract_strided_slice %add3A_22 {offsets = [0, 256], sizes = [4096, 128], strides = [1, 1]} : vector<4096x384xf32> to vector<4096x128xf32>
    %mul3A = arith.mulf %logistic3A_29, %slice3A_40 : vector<4096x128xf32>
    %add3A_41 = arith.addf %slice3A_39, %mul3A : vector<4096x128xf32>
    %tanh3A = math.tanh %add3A_41 : vector<4096x128xf32>
    %sub3A = arith.constant 1.000000e+00 : f32
    %sub3A_42 = vector.broadcast %sub3A : f32 to vector<4096x128xf32>
    %sub3A_43 = arith.subf %sub3A_42, %logistic3A_38 : vector<4096x128xf32>
    %mul3A_44 = arith.mulf %sub3A_43, %tanh3A : vector<4096x128xf32>
    %mul3A_45 = arith.mulf %logistic3A_38, %get3A_1 : vector<4096x128xf32>
    %add3A_46 = arith.addf %mul3A_44, %mul3A_45 : vector<4096x128xf32>
    %swap3A = arith.constant 0 : index
    %swap3A_47 = arith.constant 0 : index
    %swap3A_48 = vector.load %arg6[%swap3A, %swap3A_47] : memref<4096x128xf32, #tpu.memory_space<vmem>>, vector<4096x128xf32>
    tpu.vector_store %arg6[%swap3A, %swap3A_47], %add3A_46 {strides = array<i32>} : memref<4096x128xf32, #tpu.memory_space<vmem>>, vector<4096x128xf32>,
    return
  }
  func.func @transform_0(%arg0: i32) -> (i32, i32) {
    %c0_i32 = arith.constant 0 : i32
    %c0_i32_0 = arith.constant 0 : i32
    return %arg0, %c0_i32 : i32, i32
  }
  func.func @transform_1(%arg0: i32) -> (i32, i32) {
    %c0_i32 = arith.constant 0 : i32
    %c0_i32_0 = arith.constant 0 : i32
    return %arg0, %c0_i32 : i32, i32
  }
  func.func @transform_2(%arg0: i32) -> (i32, i32) {
    %c0_i32 = arith.constant 0 : i32
    %c0_i32_0 = arith.constant 0 : i32
    %c0_i32_1 = arith.constant 0 : i32
    return %c0_i32, %c0_i32_0 : i32, i32
  }
  func.func @transform_3(%arg0: i32) -> (i32, i32) {
    %c0_i32 = arith.constant 0 : i32
    %c0_i32_0 = arith.constant 0 : i32
    %c0_i32_1 = arith.constant 0 : i32
    return %c0_i32, %c0_i32_0 : i32, i32
  }
  func.func @transform_4(%arg0: i32) -> (i32, i32) {
    %c0_i32 = arith.constant 0 : i32
    %c0_i32_0 = arith.constant 0 : i32
    %c0_i32_1 = arith.constant 0 : i32
    return %c0_i32, %c0_i32_0 : i32, i32
  }
  func.func @transform_5(%arg0: i32) -> (i32, i32) {
    %c0_i32 = arith.constant 0 : i32
    %c0_i32_0 = arith.constant 0 : i32
    return %arg0, %c0_i32 : i32, i32
  }
}

</mosaic_0001>

<sc_bundles>
// kernel: kernel.12.cloned.1.call-start
scs
__scs_entry_jumppad:
0x0: {  	(pc) =	sbr.rel $0x88, $3  }
0x1: {  	(tag) =	ssettag $0x0;
	lr =	simm.s32 $0x1  }
0x2: {  	[smem:$0x3F98] =	sst lr;
	_ =	strace $0xD0000000  }
0x3: {  	_ = 	snop  }
0x4: {  	_ = 	snop  }
0x5: {  	_ = 	snop  }
0x6: {  	_ = 	snop  }
0x7: {  	_ = 	snop  }
__scs_overlays_trampoline_lowered:
0x8: {  	[smem:$0x3FA7] =	sst s0  }
0x9: {  	[smem:$0x3FA8] =	sst s1  }
0xa: {  	[smem:$0x3FA9] =	sst s2  }
0xb: {  	[smem:$0x3FAA] =	sst s3  }
0xc: {  	[smem:$0x3FAB] =	sst s4  }
0xd: {  	[smem:$0x3FAC] =	sst s5  }
0xe: {  	[smem:$0x3FAD] =	sst s6  }
0xf: {  	[smem:$0x3FAE] =	sst s7  }
0x10: {  	[smem:$0x3FAF] =	sst s8  }
0x11: {  	[smem:$0x3FB0] =	sst s9;
	s0 =	simm.s32 @!p0 $0x0  }
0x12: {  	s1 =	sld [smem:$0x3F96];
	s0 =	simm.s32 @p0 $0x1  }
0x13: {  	[smem:$0x3FB1] =	sst s0;
	s0 =	simm.s32 @!p1 $0x0  }
0x14: {  	s2 =	sld [smem:$0x3F95];
	s0 =	simm.s32 @p1 $0x1  }
0x15: {  	[smem:$0x3FB2] =	sst s0;
	s0 =	simm.s32 @!p2 $0x0  }
0x16: {  	s3 =	sld [smem:$0x3FDB];
	s0 =	simm.s32 @p2 $0x1  }
0x17: {  	s4 =	simm.s32 $0x1BF5;
	[smem:$0x3FB4] =	sst s0  }
0x18: {  	s0 =	sld [smem:$0x3F97];
	_ =	swait.ge [sflag:s4], $0x0  }
0x19: {  	s7 =	sld [smem:$0x3F98]  }
0x1a: {  	s8 =	sadd.s32 $0xFFFFE003, lr  }
0x1b: {  	s9 =	sadd.s32 $0xFFFFFEF7, lr;
	s5 =	simm.s32 $0xFFFFFFFF;
	p2 =	slt.u32 s8, $0xFFFFF086  }
0x1c: {  	p1 =	slt.u32 s9, $0xF7A;
	s5 =	simm.s32 @!p2 $0x0  }
0x1d: {  	s5 =	simm.s32 @p1 $0x1;
	p0 =	seq.s32 s7, s2  }
0x1e: {  	s7 =	smul.u32 @!p0 $0xF7A, s2;
	p2 =	seq.s32 @!p0 s5, $0x0  }
0x1f: {  	s9 =	smul.u32 $0xF7A, s1;
	s8 =	simm.s32 @!p0 $0x1BF5;
	p2 =	por !p2, p0  }
0x20: {  	[sflag:s8] =	ssyncset.s32 @!p0 $0xFFFFF086;
	s6 =	sadd.s32 @!p0 s3, s7;
	s7 =	simm.s32 @!p0 $0x108  }
0x21: {  	s3 =	sadd.s32 s3, s9;
	s6 =	sadd.s32 @!p0 $0x88, s6;
	s7 =	simm.s32 @p2 $0x1082  }
0x22: {  	[simem:s7], [sflag:s8] =	dma.local @!p0 [hbm:s6], $0xF7A  }
0x23: {  	s9 =	sor.u32 $0xD0000000, s2;
	s6 =	simm.s32 $0x108;
	_ =	swait.ge @!p0 [sflag:s8], $0x0  }
0x24: {  	s3 =	sadd.s32 $0x88, s3;
	s6 =	simm.s32 @!p1 $0x1082;
	[sflag:s4] =	ssyncset.s32 $0xFFFFF086  }
0x25: {  	[simem:s6], [sflag:s4] =	dma.local [hbm:s3], $0xF7A  }
0x26: {  	[smem:$0x3F98] =	sst s1;
	(tag) =	ssettag s2;
	_ =	strace s9  }
0x27: {  	s1 =	sld [smem:$0x3FA8]  }
0x28: {  	s2 =	sld [smem:$0x3FA9]  }
0x29: {  	s4 =	sld [smem:$0x3FAB]  }
0x2a: {  	p0 =	seq.s32 s5, $0x0;
	s5 =	sld [smem:$0x3FAC]  }
0x2b: {  	s6 =	sld [smem:$0x3FAD]  }
0x2c: {  	s7 =	sld [smem:$0x3FAE]  }
0x2d: {  	s3 =	simm.s32 $0x108;
	s8 =	sld [smem:$0x3FAF]  }
0x2e: {  	s3 =	simm.s32 @!p0 $0x1082;
	s9 =	sld [smem:$0x3FB0]  }
0x2f: {  	lr =	sadd.s32 s0, s3;
	s0 =	sld [smem:$0x3FA7]  }
0x30: {  	s3 =	sld [smem:$0x3FAA]  }
0x31: {  	[smem:$0x3FB3] =	sst s10  }
0x32: {  	s10 =	sld [smem:$0x3FB1];
	_ =	sdelay $0x3  }
0x33: {  	p0 =	seq.s32 s10, $0x1;
	s10 =	sld [smem:$0x3FB3];
	_ =	sdelay $0x3  }
0x34: {  	[smem:$0x3FB3] =	sst s10  }
0x35: {  	s10 =	sld [smem:$0x3FB2];
	_ =	sdelay $0x3  }
0x36: {  	p1 =	seq.s32 s10, $0x1;
	s10 =	sld [smem:$0x3FB3];
	_ =	sdelay $0x3  }
0x37: {  	[smem:$0x3FB3] =	sst s10  }
0x38: {  	s10 =	sld [smem:$0x3FB4]  }
0x39: {  	_ = 	snop;
	(pc) =	sbr.ind lr, $3  }
0x3a: {  	_ = 	snop  }
0x3b: {  	_ = 	snop  }
0x3c: {  	p2 =	seq.s32 s10, $0x1;
	s10 =	sld [smem:$0x3FB3]  }
0x3d: {  	_ =	shalt  }
0x3e: {  	_ =	shalt  }
0x3f: {  	_ =	shalt  }
0x40: {  	_ =	shalt  }
0x41: {  	_ =	shalt  }
0x42: {  	_ =	shalt  }
0x43: {  	_ =	shalt  }
0x44: {  	_ =	shalt  }
0x45: {  	_ =	shalt  }
0x46: {  	_ =	shalt  }
0x47: {  	_ =	shalt  }
0x48: {  	_ =	shalt  }
0x49: {  	_ =	shalt  }
0x4a: {  	_ =	shalt  }
0x4b: {  	_ =	shalt  }
0x4c: {  	_ =	shalt  }
0x4d: {  	_ =	shalt  }
0x4e: {  	_ =	shalt  }
0x4f: {  	_ =	shalt  }
0x50: {  	_ =	shalt  }
0x51: {  	_ =	shalt  }
0x52: {  	_ =	shalt  }
0x53: {  	_ =	shalt  }
0x54: {  	_ =	shalt  }
0x55: {  	_ =	shalt  }
0x56: {  	_ =	shalt  }
0x57: {  	_ =	shalt  }
0x58: {  	_ =	shalt  }
0x59: {  	_ =	shalt  }
0x5a: {  	_ =	shalt  }
0x5b: {  	_ =	shalt  }
0x5c: {  	_ =	shalt  }
0x5d: {  	_ =	shalt  }
0x5e: {  	_ =	shalt  }
0x5f: {  	_ =	shalt  }
0x60: {  	_ =	shalt  }
0x61: {  	_ =	shalt  }
0x62: {  	_ =	shalt  }
0x63: {  	_ =	shalt  }
0x64: {  	_ =	shalt  }
0x65: {  	_ =	shalt  }
0x66: {  	_ =	shalt  }
0x67: {  	_ =	shalt  }
0x68: {  	_ =	shalt  }
0x69: {  	_ =	shalt  }
0x6a: {  	_ =	shalt  }
0x6b: {  	_ =	shalt  }
0x6c: {  	_ =	shalt  }
0x6d: {  	_ =	shalt  }
0x6e: {  	_ =	shalt  }
0x6f: {  	_ =	shalt  }
0x70: {  	_ =	shalt  }
0x71: {  	_ =	shalt  }
0x72: {  	_ =	shalt  }
0x73: {  	_ =	shalt  }
0x74: {  	_ =	shalt  }
0x75: {  	_ =	shalt  }
0x76: {  	_ =	shalt  }
0x77: {  	_ =	shalt  }
0x78: {  	_ =	shalt  }
0x79: {  	_ =	shalt  }
0x7a: {  	_ =	shalt  }
0x7b: {  	_ =	shalt  }
0x7c: {  	_ =	shalt  }
0x7d: {  	_ =	shalt  }
0x7e: {  	_ =	shalt  }
0x7f: {  	_ =	shalt  }
0x80: {  	_ =	shalt  }
0x81: {  	_ =	shalt  }
0x82: {  	_ =	shalt  }
0x83: {  	_ =	shalt  }
0x84: {  	_ =	shalt  }
0x85: {  	_ =	shalt  }
0x86: {  	_ =	shalt  }
0x87: {  	_ =	shalt  }
.Lfunc_end0:
.L_simem_size_0:
called_computation.2_lowered:
.L_overlay_start_0:
0x88: {  	s2 =	sld [smem:$0x3FD9]  }
0x89: {  	s3 =	sld [smem:$0x3FFE];
	_ =	sdelay $0x1  }
0x8a: {  	s1 =	srdreg.scid  }
0x8b: {  	s0 =	sand.u32 $0x1, s1  }
0x8c: {  	s14 =	sshll.u32 s0, $0xA;
	s2 =	sadd.s32 s3, s2  }
0x8d: {  	s2 =	sadd.s32 s2, s14  }
0x8e: {  	[smem:$0x3FBF] =	sst s2  }
0x8f: {  	_ = 	snop  }
0x90: {  	s2 =	sld [smem:$0x3FD0];
	_ =	sdelay $0x1  }
0x91: {  	s15 =	sld [smem:$0x3FC7]  }
0x92: {  	s5 =	simm.s32 $0xB;
	s6 =	simm.s32 $0x10;
	s4 =	sld [smem:$0x3FC5]  }
0x93: {  	[smem:s6], [sflag:s5] =	dma.local [hbm:s2], $0x1  }
0x94: {  	_ =	swait.eq [sflag:s5], $0x1  }
0x95: {  	[sflag:s5] =	ssyncset.done $0x0  }
0x96: {  	s16 =	sld [smem:$0x10];
	[sflag:s5] =	ssyncadd.s32 $0xFFFFFFFF  }
0x97: {  	s17 =	sld [smem:$0x11];
	(tm) =	ssettm $0x1  }
0x98: {  	s18 =	sld [smem:$0x3FFB];
	_ =	sdelay $0x3  }
0x99: {  	_ =	strace s18  }
0x9a: {  	s6 =	sld [smem:$0x3FFC];
	_ =	sdelay $0x3  }
0x9b: {  	_ =	strace s6  }
0x9c: {  	s6 =	sld [smem:$0x3FFD];
	_ =	sdelay $0x3  }
0x9d: {  	_ =	strace s6  }
0x9e: {  	_ =	strace $0x8FFFFFFF  }
0x9f: {  	s19 =	sld [smem:$0x3FDB];
	_ =	sdelay $0x1  }
0xa0: {  	s7 =	simm.s32 $_scs_section_size  }
0xa1: {  	s8 =	simm.s32 $_size__tile_overlayer_lowered;
	s9 =	simm.s32 $_tile_overlayer_lowered  }
0xa2: {  	s22 =	simm.s32 $0x1BFF;
	s21 =	sshll.u32 s9, $0x1;
	s6 =	sadd.s32 s7, s19  }
0xa3: {  	s10 =	simm.s32 $0x0;
	s20 =	sshll.u32 s8, $0x1;
	s8 =	sadd.s32 s21, s6  }
0xa4: {  	[timem:s10], [sflag:s22] =	dma.local [hbm:s8], s20  }
0xa5: {  	_ =	swait.ge [sflag:s22], s20  }
0xa6: {  	s7 =	ssub.s32 $0x0, s20;
	[sflag:s22] =	ssyncset.done $0x0  }
0xa7: {  	[sflag:s22] =	ssyncadd.s32 s7;
	_ =	sdelay $0x1  }
0xa8: {  	s23 =	simm.s32 $0x1B8B  }
0xa9: {  	_ =	swait.ge [sflag:s23], $0x1  }
0xaa: {  	[sflag:s23] =	ssyncset.done $0x0  }
0xab: {  	s25 =	simm.s32 $0x1B8E;
	s24 =	sld [smem:$0x3FFE];
	[sflag:s23] =	ssyncadd.s32 $0xFFFFFFFF  }
0xac: {  	s26 =	simm.s32 $execute0_lowered;
	[smem:$0x3FD2] =	sst s25  }
0xad: {  	s8 =	sshll.u32 s26, $0x1;
	_ =	strace $0x8000004C;
	[dreg:$0x1] =	wrdreg $0xFFFFFFFF  }
0xae: {  	s28 =	simm.s32 $_size_execute0_lowered;
	s6 =	sadd.s32 s6, s8;
	[dreg:$0x0] =	wrdreg $0x0  }
0xaf: {  	s8 =	sshll.u32 s28, $0x1;
	[dreg:$0x2] =	wrdreg s6  }
0xb0: {  	[dreg:$0x3] =	wrdreg s8  }
0xb1: {  	[dreg:$0x4] =	wrdreg $0xC0  }
0xb2: {  	_ =	task [dreg:s10], $0x5FFFF  }
0xb3: {  	[dreg:$0x1] =	wrdreg $0xFFFFFFFF  }
0xb4: {  	[dreg:$0x0] =	wrdreg $0x60  }
0xb5: {  	[dreg:$0x2] =	wrdreg s15  }
0xb6: {  	[dreg:$0x3] =	wrdreg s24  }
0xb7: {  	[dreg:$0x4] =	wrdreg s4  }
0xb8: {  	[dreg:$0x5] =	wrdreg s16  }
0xb9: {  	[dreg:$0x6] =	wrdreg s17  }
0xba: {  	[dreg:$0x7] =	wrdreg $0x9  }
0xbb: {  	_ =	task.clear_ibuf [dreg:s10], $0x8FFFF;
	_ =	strace $0x9000004C  }
0xbc: {  	s29 =	simm.s32 $0x9;
	_ =	strace $0x8000004E  }
0xbd: {  	_ =	swait.ge [sflag:s29], $0x1  }
0xbe: {  	[sflag:s29] =	ssyncadd.s32 $0xFFFFFFFF  }
0xbf: {  	_ =	strace $0x9000004E  }
0xc0: {  	_ =	sfence  }
0xc1: {  	s30 =	sld [smem:$0x0];
	_ =	sdelay $0x2  }
0xc2: {  	s31 =	sshll.u32 s1, $0xD;
	s1 =	sshrl.u32 s1, $0x2  }
0xc3: {  	s3 =	sand.u32 $0x4000, s31;
	s1 =	sadd.s32 s1, s30  }
0xc4: {  	s0 =	sor.u32 s3, s0;
	s1 =	sshll.u32 s1, $0x11  }
0xc5: {  	s0 =	sor.u32 s1, s0  }
0xc6: {  	s0 =	sadd.s32 $0x8F2B, s0  }
0xc7: {  	[sflag:s0] =	ssyncadd.remote.s32 $0x1  }
0xc8: {  	_ =	sfence.sel $0xFFFF  }
0xc9: {  	[dreg:$0x0] =	wrdreg $0xFFFFFFFF;
	(pc) =	sbr.abs _section_cstart, $3  }
0xca: {  	[dreg:$0x1] =	wrdreg $0xFFFFFFFF  }
0xcb: {  	_ =	task.clear_ibuf [dreg:s10], $0x2FFFF;
	_ =	strace $0x9FFFFFFF  }
0xcc: {  	(tm) =	ssettm $0x7FFFFFFF  }
0xcd: {  	_ =	shalt  }
tec
execute0_lowered:
.L_overlay_start_1:
0x0: {  	(tag) =	ssettag $0x1  }
0x1: {  	s4 =	rddreg [dreg:$0x0]  }
0x2: {  	s5 =	rddreg [dreg:$0x1]  }
0x3: {  	s11 =	rddreg [dreg:$0x2]  }
0x4: {  	s2 =	rddreg [dreg:$0x3]  }
0x5: {  	s3 =	rddreg [dreg:$0x4];
	s6 =	srdreg.scid  }
0x6: {  	s10 =	simm.s32 $0x0;
	s1 =	stileid.u32;
	s12 =	simm.s32 $0x100  }
0x7: {  	s9 =	simm.s32 $0x180;
	s24 =	simm.s32 $0x300;
	s23 =	simm.s32 $0x380  }
0x8: {  	s20 =	simm.s32 $0x400;
	s21 =	simm.s32 $0x10400;
	s18 =	simm.s32 $0x4400  }
0x9: {  	p0 =	por $0x0, $0x0;
	s19 =	simm.s32 $0x10480;
	s6 =	sand.u32 $0x1, s6  }
0xa: {  	s7 =	sshll.u32 s1, $0x7;
	s8 =	sshll.u32 s6, $0x6;
	s6 =	ssub.s32 $0x2, s6  }
0xb: {  	s16 =	simm.s32 $0x8400;
	s7 =	sor.u32 s8, s7;
	s25 =	sshrl.u32 s6, $0x1  }
0xc: {  	s17 =	simm.s32 $0x10500;
	s28 =	sadd.s32 s4, s7;
	s4 =	ssub.s32 s6, s25  }
0xd: {  	s14 =	simm.s32 $0x10580;
	[smem:$0x7FF] =	sst s10;
	s13 =	smax.u32 s4, $0x1  }
0xe: {  	s22 =	sadd.s32 $0x41C00, s5;
	s15 =	sadd.s32 $0x1C00, s5;
	p1 =	sne.s32 s13, $0x1  }
.Ltmp0:
0xf: {  	s5 =	simm.s32 $0x3;
	_ =	strace $0x8000004D;
	(pc) =	sbr.rel @!p1 .LBB2_3-.Ltmp0, $4  }
0x10: {  	s8 =	simm.s32 $0x80;
	s7 =	simm.s32 $0x1;
	s6 =	simm.s32 $0x2  }
0x11: {  	s25 =	simm.s32 $0x280;
	s26 =	sadd.s32 $0x10, s28;
	s29 =	sadd.s32 $0x20, s28  }
0x12: {  	s30 =	sadd.s32 $0x30, s28;
	s4 =	simm.s32 $0x4;
	[dreg:$0x6] =	wrdreg s26  }
0x13: {  	s26 =	simm.s32 $0x200;
	s31 =	sadd.s32 $0xFFFFFFFF, s13;
	s13 =	simm.s32 $0xC400  }
0x14: {  	[tilespmem:s10], [sflag:$0x1] =	stream.linear.gather [hbm4b:s28+s10], $0x80, $0x38;
	[tilespmem:$0x10600] =	vst v63  }
0x15: {  	s0 =	rddreg [dreg:$0x6]  }
0x16: {  	[tilespmem:s8], [sflag:$0x2] =	stream.linear.gather [hbm4b:s0+s10], $0x80, $0x38;
	[tilespmem:$0x10600] =	vst v63  }
0x17: {  	_ = 	snop  }
0x18: {  	[tilespmem:s12], [sflag:$0x3] =	stream.linear.gather [hbm4b:s29+s10], $0x80, $0x38;
	[tilespmem:$0x10600] =	vst v63  }
0x19: {  	_ = 	snop  }
0x1a: {  	[tilespmem:s9], [sflag:$0x4] =	stream.linear.gather [hbm4b:s30+s10], $0x80, $0x38;
	[tilespmem:$0x10600] =	vst v63  }
0x1b: {  	_ =	swait.ge [sflag:s7], $0x80  }
0x1c: {  	[sflag:s7] =	ssyncset.done $0x0  }
0x1d: {  	[sflag:s7] =	ssyncadd.s32 $0xFFFFFF80  }
0x1e: {  	[tilespmem:s26], [sflag:$0x1] =	stream.indirect.gather [hbm4b:s22+s8], $0x1, s10, s8, $0xb8;
	[tilespmem:$0x10600] =	vst v63  }
0x1f: {  	_ =	swait.ge [sflag:s6], $0x80  }
0x20: {  	[sflag:s6] =	ssyncset.done $0x0  }
0x21: {  	[sflag:s6] =	ssyncadd.s32 $0xFFFFFF80  }
0x22: {  	[tilespmem:s25], [sflag:$0x2] =	stream.indirect.gather [hbm4b:s22+s8], $0x1, s8, s8, $0xb8;
	[tilespmem:$0x10600] =	vst v63  }
0x23: {  	_ =	swait.ge [sflag:s5], $0x80  }
0x24: {  	[sflag:s5] =	ssyncset.done $0x0  }
0x25: {  	[sflag:s5] =	ssyncadd.s32 $0xFFFFFF80  }
0x26: {  	[tilespmem:s24], [sflag:$0x3] =	stream.indirect.gather [hbm4b:s22+s8], $0x1, s12, s8, $0xb8;
	[tilespmem:$0x10600] =	vst v63  }
0x27: {  	_ =	swait.ge [sflag:s4], $0x80  }
0x28: {  	[sflag:s4] =	ssyncset.done $0x0  }
0x29: {  	[sflag:s4] =	ssyncadd.s32 $0xFFFFFF80  }
0x2a: {  	[tilespmem:s23], [sflag:$0x4] =	stream.indirect.gather [hbm4b:s22+s8], $0x1, s9, s8, $0xb8;
	[tilespmem:$0x10600] =	vst v63  }
0x2b: {  	_ =	swait.ge [sflag:s7], $0x80  }
0x2c: {  	[sflag:s7] =	ssyncset.done $0x0  }
0x2d: {  	[sflag:s7] =	ssyncadd.s32 $0xFFFFFF80  }
0x2e: {  	[tilespmem:s20], [sflag:$0x1] =	stream.indirect.gather [hbm4b:s15+s8], $0x80, s26, s8, $0xb8;
	[tilespmem:$0x10600] =	vst v63  }
0x2f: {  	_ = 	snop  }
0x30: {  	[tilespmem:s21], [sflag:$0x1] =	stream.indirect.gather [hbm4b:s11+s8], $0x1, s26, s8, $0xb8;
	[tilespmem:$0x10600] =	vst v63  }
0x31: {  	_ =	swait.ge [sflag:s6], $0x80  }
0x32: {  	[sflag:s6] =	ssyncset.done $0x0  }
0x33: {  	[sflag:s6] =	ssyncadd.s32 $0xFFFFFF80  }
0x34: {  	[tilespmem:s18], [sflag:$0x2] =	stream.indirect.gather [hbm4b:s15+s8], $0x80, s25, s8, $0xb8;
	[tilespmem:$0x10600] =	vst v63  }
0x35: {  	_ = 	snop  }
0x36: {  	[tilespmem:s19], [sflag:$0x2] =	stream.indirect.gather [hbm4b:s11+s8], $0x1, s25, s8, $0xb8;
	[tilespmem:$0x10600] =	vst v63  }
0x37: {  	_ =	swait.ge [sflag:s5], $0x80  }
0x38: {  	[sflag:s5] =	ssyncset.done $0x0  }
0x39: {  	[sflag:s5] =	ssyncadd.s32 $0xFFFFFF80  }
0x3a: {  	[tilespmem:s16], [sflag:$0x3] =	stream.indirect.gather [hbm4b:s15+s8], $0x80, s24, s8, $0xb8;
	[tilespmem:$0x10600] =	vst v63  }
0x3b: {  	_ = 	snop  }
0x3c: {  	[tilespmem:s17], [sflag:$0x3] =	stream.indirect.gather [hbm4b:s11+s8], $0x1, s24, s8, $0xb8;
	[tilespmem:$0x10600] =	vst v63  }
0x3d: {  	_ =	swait.ge [sflag:s4], $0x80  }
0x3e: {  	[sflag:s4] =	ssyncset.done $0x0  }
0x3f: {  	[sflag:s4] =	ssyncadd.s32 $0xFFFFFF80  }
0x40: {  	[tilespmem:s13], [sflag:$0x4] =	stream.indirect.gather [hbm4b:s15+s8], $0x80, s23, s8, $0xb8;
	[tilespmem:$0x10600] =	vst v63  }
0x41: {  	_ = 	snop  }
0x42: {  	[tilespmem:s14], [sflag:$0x4] =	stream.indirect.gather [hbm4b:s11+s8], $0x1, s23, s8, $0xb8;
	[tilespmem:$0x10600] =	vst v63  }
0x43: {  	_ =	swait.ge [sflag:s7], $0x4000  }
0x44: {  	[sflag:s7] =	ssyncset.done $0x0  }
0x45: {  	[sflag:s7] =	ssyncadd.s32 $0xFFFFC000  }
0x46: {  	_ =	swait.ge [sflag:s7], $0x80  }
0x47: {  	[sflag:s7] =	ssyncset.done $0x0  }
0x48: {  	[sflag:s7] =	ssyncadd.s32 $0xFFFFFF80  }
0x49: {  	[hbm4b:s2+s8] =	stream.indirect.scatter [tilespmem:s20], [sflag:$0x1], $0x80, s10, s8, $0xb8;
	[tilespmem:$0x10600] =	vst v63  }
0x4a: {  	_ = 	snop  }
0x4b: {  	[hbm4b:s3+s8] =	stream.indirect.scatter [tilespmem:s21], [sflag:$0x1], $0x1, s10, s8, $0xb8;
	[tilespmem:$0x10600] =	vst v63  }
0x4c: {  	_ =	swait.ge [sflag:s6], $0x4000  }
0x4d: {  	[sflag:s6] =	ssyncset.done $0x0  }
0x4e: {  	[sflag:s6] =	ssyncadd.s32 $0xFFFFC000  }
0x4f: {  	_ =	swait.ge [sflag:s6], $0x80  }
0x50: {  	[sflag:s6] =	ssyncset.done $0x0  }
0x51: {  	[sflag:s6] =	ssyncadd.s32 $0xFFFFFF80  }
0x52: {  	[hbm4b:s2+s8] =	stream.indirect.scatter [tilespmem:s18], [sflag:$0x2], $0x80, s8, s8, $0xb8;
	[tilespmem:$0x10600] =	vst v63  }
0x53: {  	_ = 	snop  }
0x54: {  	[hbm4b:s3+s8] =	stream.indirect.scatter [tilespmem:s19], [sflag:$0x2], $0x1, s8, s8, $0xb8;
	[tilespmem:$0x10600] =	vst v63  }
0x55: {  	_ =	swait.ge [sflag:s5], $0x4000  }
0x56: {  	[sflag:s5] =	ssyncset.done $0x0  }
0x57: {  	[sflag:s5] =	ssyncadd.s32 $0xFFFFC000  }
0x58: {  	_ =	swait.ge [sflag:s5], $0x80  }
0x59: {  	[sflag:s5] =	ssyncset.done $0x0  }
0x5a: {  	[sflag:s5] =	ssyncadd.s32 $0xFFFFFF80  }
0x5b: {  	[hbm4b:s2+s8] =	stream.indirect.scatter [tilespmem:s16], [sflag:$0x3], $0x80, s12, s8, $0xb8;
	[tilespmem:$0x10600] =	vst v63  }
0x5c: {  	_ = 	snop  }
0x5d: {  	[hbm4b:s3+s8] =	stream.indirect.scatter [tilespmem:s17], [sflag:$0x3], $0x1, s12, s8, $0xb8;
	[tilespmem:$0x10600] =	vst v63  }
0x5e: {  	_ =	swait.ge [sflag:s4], $0x4000  }
0x5f: {  	[sflag:s4] =	ssyncset.done $0x0  }
0x60: {  	[sflag:s4] =	ssyncadd.s32 $0xFFFFC000  }
0x61: {  	_ =	swait.ge [sflag:s4], $0x80  }
0x62: {  	[sflag:s4] =	ssyncset.done $0x0  }
0x63: {  	[sflag:s4] =	ssyncadd.s32 $0xFFFFFF80  }
0x64: {  	[hbm4b:s2+s8] =	stream.indirect.scatter [tilespmem:s13], [sflag:$0x4], $0x80, s9, s8, $0xb8;
	[tilespmem:$0x10600] =	vst v63  }
0x65: {  	_ = 	snop  }
0x66: {  	[hbm4b:s3+s8] =	stream.indirect.scatter [tilespmem:s14], [sflag:$0x4], $0x1, s9, s8, $0xb8;
	[tilespmem:$0x10600] =	vst v63  }
0x67: {  	_ =	swait.ge [sflag:s7], $0x4000  }
0x68: {  	[sflag:s7] =	ssyncset.done $0x0  }
0x69: {  	[sflag:s7] =	ssyncadd.s32 $0xFFFFC000  }
0x6a: {  	_ =	swait.ge [sflag:s7], $0x80  }
0x6b: {  	[sflag:s7] =	ssyncset.done $0x0  }
0x6c: {  	[sflag:s7] =	ssyncadd.s32 $0xFFFFFF80  }
0x6d: {  	_ =	swait.ge [sflag:s6], $0x4000  }
0x6e: {  	[sflag:s6] =	ssyncset.done $0x0  }
0x6f: {  	[sflag:s6] =	ssyncadd.s32 $0xFFFFC000  }
0x70: {  	_ =	swait.ge [sflag:s6], $0x80  }
0x71: {  	[sflag:s6] =	ssyncset.done $0x0  }
0x72: {  	[sflag:s6] =	ssyncadd.s32 $0xFFFFFF80  }
0x73: {  	_ =	swait.ge [sflag:s5], $0x4000  }
0x74: {  	[sflag:s5] =	ssyncset.done $0x0  }
0x75: {  	[sflag:s5] =	ssyncadd.s32 $0xFFFFC000  }
0x76: {  	_ =	swait.ge [sflag:s5], $0x80  }
0x77: {  	[sflag:s5] =	ssyncset.done $0x0  }
0x78: {  	p1 =	sne.s32 s31, $0x1;
	[sflag:s5] =	ssyncadd.s32 $0xFFFFFF80  }
.Ltmp1:
0x79: {  	_ =	swait.ge [sflag:s4], $0x4000;
	(pc) =	sbr.rel @!p1 .LBB2_3-.Ltmp1, $4  }
0x7a: {  	[sflag:s4] =	ssyncset.done $0x0  }
0x7b: {  	[sflag:s4] =	ssyncadd.s32 $0xFFFFC000  }
0x7c: {  	_ =	swait.ge [sflag:s4], $0x80  }
0x7d: {  	s31 =	sadd.s32 $0xFFFFFFFF, s31;
	p0 =	por $0x1, $0x1;
	[sflag:s4] =	ssyncset.done $0x0  }
.LBB2_2:
0x7e: {  	[sflag:s4] =	ssyncadd.s32 $0xFFFFFF80  }
0x7f: {  	[tilespmem:s10], [sflag:$0x1] =	stream.linear.gather [hbm4b:s28+s10], $0x80, $0x38;
	[tilespmem:$0x10600] =	vst v63  }
0x80: {  	s0 =	rddreg [dreg:$0x6]  }
0x81: {  	[tilespmem:s8], [sflag:$0x2] =	stream.linear.gather [hbm4b:s0+s10], $0x80, $0x38;
	[tilespmem:$0x10600] =	vst v63  }
0x82: {  	_ = 	snop  }
0x83: {  	[tilespmem:s12], [sflag:$0x3] =	stream.linear.gather [hbm4b:s29+s10], $0x80, $0x38;
	[tilespmem:$0x10600] =	vst v63  }
0x84: {  	_ = 	snop  }
0x85: {  	[tilespmem:s9], [sflag:$0x4] =	stream.linear.gather [hbm4b:s30+s10], $0x80, $0x38;
	[tilespmem:$0x10600] =	vst v63  }
0x86: {  	_ =	swait.ge [sflag:s7], $0x80  }
0x87: {  	[sflag:s7] =	ssyncset.done $0x0  }
0x88: {  	[sflag:s7] =	ssyncadd.s32 $0xFFFFFF80  }
0x89: {  	[tilespmem:s26], [sflag:$0x1] =	stream.indirect.gather [hbm4b:s22+s8], $0x1, s10, s8, $0xb8;
	[tilespmem:$0x10600] =	vst v63  }
0x8a: {  	_ =	swait.ge [sflag:s6], $0x80  }
0x8b: {  	[sflag:s6] =	ssyncset.done $0x0  }
0x8c: {  	[sflag:s6] =	ssyncadd.s32 $0xFFFFFF80  }
0x8d: {  	[tilespmem:s25], [sflag:$0x2] =	stream.indirect.gather [hbm4b:s22+s8], $0x1, s8, s8, $0xb8;
	[tilespmem:$0x10600] =	vst v63  }
0x8e: {  	_ =	swait.ge [sflag:s5], $0x80  }
0x8f: {  	[sflag:s5] =	ssyncset.done $0x0  }
0x90: {  	[sflag:s5] =	ssyncadd.s32 $0xFFFFFF80  }
0x91: {  	[tilespmem:s24], [sflag:$0x3] =	stream.indirect.gather [hbm4b:s22+s8], $0x1, s12, s8, $0xb8;
	[tilespmem:$0x10600] =	vst v63  }
0x92: {  	_ =	swait.ge [sflag:s4], $0x80  }
0x93: {  	[sflag:s4] =	ssyncset.done $0x0  }
0x94: {  	[sflag:s4] =	ssyncadd.s32 $0xFFFFFF80  }
0x95: {  	[tilespmem:s23], [sflag:$0x4] =	stream.indirect.gather [hbm4b:s22+s8], $0x1, s9, s8, $0xb8;
	[tilespmem:$0x10600] =	vst v63  }
0x96: {  	_ =	swait.ge [sflag:s7], $0x80  }
0x97: {  	[sflag:s7] =	ssyncset.done $0x0  }
0x98: {  	[sflag:s7] =	ssyncadd.s32 $0xFFFFFF80  }
0x99: {  	[tilespmem:s20], [sflag:$0x1] =	stream.indirect.gather [hbm4b:s15+s8], $0x80, s26, s8, $0xb8;
	[tilespmem:$0x10600] =	vst v63  }
0x9a: {  	_ = 	snop  }
0x9b: {  	[tilespmem:s21], [sflag:$0x1] =	stream.indirect.gather [hbm4b:s11+s8], $0x1, s26, s8, $0xb8;
	[tilespmem:$0x10600] =	vst v63  }
0x9c: {  	_ =	swait.ge [sflag:s6], $0x80  }
0x9d: {  	[sflag:s6] =	ssyncset.done $0x0  }
0x9e: {  	[sflag:s6] =	ssyncadd.s32 $0xFFFFFF80  }
0x9f: {  	[tilespmem:s18], [sflag:$0x2] =	stream.indirect.gather [hbm4b:s15+s8], $0x80, s25, s8, $0xb8;
	[tilespmem:$0x10600] =	vst v63  }
0xa0: {  	_ = 	snop  }
0xa1: {  	[tilespmem:s19], [sflag:$0x2] =	stream.indirect.gather [hbm4b:s11+s8], $0x1, s25, s8, $0xb8;
	[tilespmem:$0x10600] =	vst v63  }
0xa2: {  	_ =	swait.ge [sflag:s5], $0x80  }
0xa3: {  	[sflag:s5] =	ssyncset.done $0x0  }
0xa4: {  	[sflag:s5] =	ssyncadd.s32 $0xFFFFFF80  }
0xa5: {  	[tilespmem:s16], [sflag:$0x3] =	stream.indirect.gather [hbm4b:s15+s8], $0x80, s24, s8, $0xb8;
	[tilespmem:$0x10600] =	vst v63  }
0xa6: {  	_ = 	snop  }
0xa7: {  	[tilespmem:s17], [sflag:$0x3] =	stream.indirect.gather [hbm4b:s11+s8], $0x1, s24, s8, $0xb8;
	[tilespmem:$0x10600] =	vst v63  }
0xa8: {  	_ =	swait.ge [sflag:s4], $0x80  }
0xa9: {  	[sflag:s4] =	ssyncset.done $0x0  }
0xaa: {  	[sflag:s4] =	ssyncadd.s32 $0xFFFFFF80  }
0xab: {  	[tilespmem:s13], [sflag:$0x4] =	stream.indirect.gather [hbm4b:s15+s8], $0x80, s23, s8, $0xb8;
	[tilespmem:$0x10600] =	vst v63  }
0xac: {  	_ = 	snop  }
0xad: {  	[tilespmem:s14], [sflag:$0x4] =	stream.indirect.gather [hbm4b:s11+s8], $0x1, s23, s8, $0xb8;
	[tilespmem:$0x10600] =	vst v63  }
0xae: {  	_ =	swait.ge [sflag:s7], $0x4000  }
0xaf: {  	[sflag:s7] =	ssyncset.done $0x0  }
0xb0: {  	[sflag:s7] =	ssyncadd.s32 $0xFFFFC000  }
0xb1: {  	_ =	swait.ge [sflag:s7], $0x80  }
0xb2: {  	[sflag:s7] =	ssyncset.done $0x0  }
0xb3: {  	[sflag:s7] =	ssyncadd.s32 $0xFFFFFF80  }
0xb4: {  	[hbm4b:s2+s8] =	stream.indirect.scatter [tilespmem:s20], [sflag:$0x1], $0x80, s10, s8, $0xb8;
	[tilespmem:$0x10600] =	vst v63  }
0xb5: {  	_ = 	snop  }
0xb6: {  	[hbm4b:s3+s8] =	stream.indirect.scatter [tilespmem:s21], [sflag:$0x1], $0x1, s10, s8, $0xb8;
	[tilespmem:$0x10600] =	vst v63  }
0xb7: {  	_ =	swait.ge [sflag:s6], $0x4000  }
0xb8: {  	[sflag:s6] =	ssyncset.done $0x0  }
0xb9: {  	[sflag:s6] =	ssyncadd.s32 $0xFFFFC000  }
0xba: {  	_ =	swait.ge [sflag:s6], $0x80  }
0xbb: {  	[sflag:s6] =	ssyncset.done $0x0  }
0xbc: {  	[sflag:s6] =	ssyncadd.s32 $0xFFFFFF80  }
0xbd: {  	[hbm4b:s2+s8] =	stream.indirect.scatter [tilespmem:s18], [sflag:$0x2], $0x80, s8, s8, $0xb8;
	[tilespmem:$0x10600] =	vst v63  }
0xbe: {  	_ = 	snop  }
0xbf: {  	[hbm4b:s3+s8] =	stream.indirect.scatter [tilespmem:s19], [sflag:$0x2], $0x1, s8, s8, $0xb8;
	[tilespmem:$0x10600] =	vst v63  }
0xc0: {  	_ =	swait.ge [sflag:s5], $0x4000  }
0xc1: {  	[sflag:s5] =	ssyncset.done $0x0  }
0xc2: {  	[sflag:s5] =	ssyncadd.s32 $0xFFFFC000  }
0xc3: {  	_ =	swait.ge [sflag:s5], $0x80  }
0xc4: {  	[sflag:s5] =	ssyncset.done $0x0  }
0xc5: {  	[sflag:s5] =	ssyncadd.s32 $0xFFFFFF80  }
0xc6: {  	[hbm4b:s2+s8] =	stream.indirect.scatter [tilespmem:s16], [sflag:$0x3], $0x80, s12, s8, $0xb8;
	[tilespmem:$0x10600] =	vst v63  }
0xc7: {  	_ = 	snop  }
0xc8: {  	[hbm4b:s3+s8] =	stream.indirect.scatter [tilespmem:s17], [sflag:$0x3], $0x1, s12, s8, $0xb8;
	[tilespmem:$0x10600] =	vst v63  }
0xc9: {  	_ =	swait.ge [sflag:s4], $0x4000  }
0xca: {  	[sflag:s4] =	ssyncset.done $0x0  }
0xcb: {  	[sflag:s4] =	ssyncadd.s32 $0xFFFFC000  }
0xcc: {  	_ =	swait.ge [sflag:s4], $0x80  }
0xcd: {  	[sflag:s4] =	ssyncset.done $0x0  }
0xce: {  	[sflag:s4] =	ssyncadd.s32 $0xFFFFFF80  }
0xcf: {  	[hbm4b:s2+s8] =	stream.indirect.scatter [tilespmem:s13], [sflag:$0x4], $0x80, s9, s8, $0xb8;
	[tilespmem:$0x10600] =	vst v63  }
0xd0: {  	_ = 	snop  }
0xd1: {  	[hbm4b:s3+s8] =	stream.indirect.scatter [tilespmem:s14], [sflag:$0x4], $0x1, s9, s8, $0xb8;
	[tilespmem:$0x10600] =	vst v63  }
0xd2: {  	_ =	swait.ge [sflag:s7], $0x4000  }
0xd3: {  	[sflag:s7] =	ssyncset.done $0x0  }
0xd4: {  	[sflag:s7] =	ssyncadd.s32 $0xFFFFC000  }
0xd5: {  	_ =	swait.ge [sflag:s7], $0x80  }
0xd6: {  	[sflag:s7] =	ssyncset.done $0x0  }
0xd7: {  	[sflag:s7] =	ssyncadd.s32 $0xFFFFFF80  }
0xd8: {  	_ =	swait.ge [sflag:s6], $0x4000  }
0xd9: {  	[sflag:s6] =	ssyncset.done $0x0  }
0xda: {  	[sflag:s6] =	ssyncadd.s32 $0xFFFFC000  }
0xdb: {  	_ =	swait.ge [sflag:s6], $0x80  }
0xdc: {  	[sflag:s6] =	ssyncset.done $0x0  }
0xdd: {  	[sflag:s6] =	ssyncadd.s32 $0xFFFFFF80  }
0xde: {  	_ =	swait.ge [sflag:s5], $0x4000  }
0xdf: {  	[sflag:s5] =	ssyncset.done $0x0  }
0xe0: {  	[sflag:s5] =	ssyncadd.s32 $0xFFFFC000  }
0xe1: {  	_ =	swait.ge [sflag:s5], $0x80  }
0xe2: {  	[sflag:s5] =	ssyncset.done $0x0  }
0xe3: {  	p1 =	sne.s32 s31, $0x1;
	[sflag:s5] =	ssyncadd.s32 $0xFFFFFF80  }
.Ltmp2:
0xe4: {  	_ =	swait.ge [sflag:s4], $0x4000;
	(pc) =	sbr.rel @p1 .LBB2_2-.Ltmp2, $4  }
0xe5: {  	[sflag:s4] =	ssyncset.done $0x0  }
0xe6: {  	[sflag:s4] =	ssyncadd.s32 $0xFFFFC000  }
0xe7: {  	_ =	swait.ge [sflag:s4], $0x80  }
0xe8: {  	s31 =	sadd.s32 $0xFFFFFFFF, s31;
	[sflag:s4] =	ssyncset.done $0x0  }
.LBB2_3:
0xe9: {  	[sflag:s4] =	ssyncadd.s32 @p0 $0xFFFFFF80  }
0xea: {  	[tilespmem:s10], [sflag:$0x1] =	stream.linear.gather [hbm4b:s28+s10], $0x80, $0x38;
	[tilespmem:$0x10600] =	vst v63  }
0xeb: {  	s0 =	rddreg [dreg:$0x6]  }
0xec: {  	[tilespmem:s8], [sflag:$0x2] =	stream.linear.gather [hbm4b:s0+s10], $0x80, $0x38;
	[tilespmem:$0x10600] =	vst v63  }
0xed: {  	_ = 	snop  }
0xee: {  	[tilespmem:s12], [sflag:$0x3] =	stream.linear.gather [hbm4b:s29+s10], $0x80, $0x38;
	[tilespmem:$0x10600] =	vst v63  }
0xef: {  	_ = 	snop  }
0xf0: {  	[tilespmem:s9], [sflag:$0x4] =	stream.linear.gather [hbm4b:s30+s10], $0x80, $0x38;
	[tilespmem:$0x10600] =	vst v63  }
0xf1: {  	_ =	swait.ge [sflag:s7], $0x80  }
0xf2: {  	[sflag:s7] =	ssyncset.done $0x0  }
0xf3: {  	[sflag:s7] =	ssyncadd.s32 $0xFFFFFF80  }
0xf4: {  	[tilespmem:s26], [sflag:$0x1] =	stream.indirect.gather [hbm4b:s22+s8], $0x1, s10, s8, $0xb8;
	[tilespmem:$0x10600] =	vst v63  }
0xf5: {  	_ =	swait.ge [sflag:s6], $0x80  }
0xf6: {  	[sflag:s6] =	ssyncset.done $0x0  }
0xf7: {  	[sflag:s6] =	ssyncadd.s32 $0xFFFFFF80  }
0xf8: {  	[tilespmem:s25], [sflag:$0x2] =	stream.indirect.gather [hbm4b:s22+s8], $0x1, s8, s8, $0xb8;
	[tilespmem:$0x10600] =	vst v63  }
0xf9: {  	_ =	swait.ge [sflag:s5], $0x80  }
0xfa: {  	[sflag:s5] =	ssyncset.done $0x0  }
0xfb: {  	[sflag:s5] =	ssyncadd.s32 $0xFFFFFF80  }
0xfc: {  	[tilespmem:s24], [sflag:$0x3] =	stream.indirect.gather [hbm4b:s22+s8], $0x1, s12, s8, $0xb8;
	[tilespmem:$0x10600] =	vst v63  }
0xfd: {  	_ =	swait.ge [sflag:s4], $0x80  }
0xfe: {  	[sflag:s4] =	ssyncset.done $0x0  }
0xff: {  	[sflag:s4] =	ssyncadd.s32 $0xFFFFFF80  }
0x100: {  	[tilespmem:s23], [sflag:$0x4] =	stream.indirect.gather [hbm4b:s22+s8], $0x1, s9, s8, $0xb8;
	[tilespmem:$0x10600] =	vst v63  }
0x101: {  	_ =	swait.ge [sflag:s7], $0x80  }
0x102: {  	[sflag:s7] =	ssyncset.done $0x0  }
0x103: {  	[sflag:s7] =	ssyncadd.s32 $0xFFFFFF80  }
0x104: {  	[tilespmem:s20], [sflag:$0x1] =	stream.indirect.gather [hbm4b:s15+s8], $0x80, s26, s8, $0xb8;
	[tilespmem:$0x10600] =	vst v63  }
0x105: {  	_ = 	snop  }
0x106: {  	[tilespmem:s21], [sflag:$0x1] =	stream.indirect.gather [hbm4b:s11+s8], $0x1, s26, s8, $0xb8;
	[tilespmem:$0x10600] =	vst v63  }
0x107: {  	_ =	swait.ge [sflag:s6], $0x80  }
0x108: {  	[sflag:s6] =	ssyncset.done $0x0  }
0x109: {  	[sflag:s6] =	ssyncadd.s32 $0xFFFFFF80  }
0x10a: {  	[tilespmem:s18], [sflag:$0x2] =	stream.indirect.gather [hbm4b:s15+s8], $0x80, s25, s8, $0xb8;
	[tilespmem:$0x10600] =	vst v63  }
0x10b: {  	_ = 	snop  }
0x10c: {  	[tilespmem:s19], [sflag:$0x2] =	stream.indirect.gather [hbm4b:s11+s8], $0x1, s25, s8, $0xb8;
	[tilespmem:$0x10600] =	vst v63  }
0x10d: {  	_ =	swait.ge [sflag:s5], $0x80  }
0x10e: {  	[sflag:s5] =	ssyncset.done $0x0  }
0x10f: {  	[sflag:s5] =	ssyncadd.s32 $0xFFFFFF80  }
0x110: {  	[tilespmem:s16], [sflag:$0x3] =	stream.indirect.gather [hbm4b:s15+s8], $0x80, s24, s8, $0xb8;
	[tilespmem:$0x10600] =	vst v63  }
0x111: {  	_ = 	snop  }
0x112: {  	[tilespmem:s17], [sflag:$0x3] =	stream.indirect.gather [hbm4b:s11+s8], $0x1, s24, s8, $0xb8;
	[tilespmem:$0x10600] =	vst v63  }
0x113: {  	_ =	swait.ge [sflag:s4], $0x80  }
0x114: {  	[sflag:s4] =	ssyncset.done $0x0  }
0x115: {  	[sflag:s4] =	ssyncadd.s32 $0xFFFFFF80  }
0x116: {  	[tilespmem:s13], [sflag:$0x4] =	stream.indirect.gather [hbm4b:s15+s8], $0x80, s23, s8, $0xb8;
	[tilespmem:$0x10600] =	vst v63  }
0x117: {  	_ = 	snop  }
0x118: {  	[tilespmem:s14], [sflag:$0x4] =	stream.indirect.gather [hbm4b:s11+s8], $0x1, s23, s8, $0xb8;
	[tilespmem:$0x10600] =	vst v63  }
0x119: {  	_ =	swait.ge [sflag:s7], $0x4000  }
0x11a: {  	[sflag:s7] =	ssyncset.done $0x0  }
0x11b: {  	[sflag:s7] =	ssyncadd.s32 $0xFFFFC000  }
0x11c: {  	_ =	swait.ge [sflag:s7], $0x80  }
0x11d: {  	[sflag:s7] =	ssyncset.done $0x0  }
0x11e: {  	[sflag:s7] =	ssyncadd.s32 $0xFFFFFF80  }
0x11f: {  	[hbm4b:s2+s8] =	stream.indirect.scatter [tilespmem:s20], [sflag:$0x1], $0x80, s10, s8, $0xb8;
	[tilespmem:$0x10600] =	vst v63  }
0x120: {  	_ = 	snop  }
0x121: {  	[hbm4b:s3+s8] =	stream.indirect.scatter [tilespmem:s21], [sflag:$0x1], $0x1, s10, s8, $0xb8;
	[tilespmem:$0x10600] =	vst v63  }
0x122: {  	_ =	swait.ge [sflag:s6], $0x4000  }
0x123: {  	[sflag:s6] =	ssyncset.done $0x0  }
0x124: {  	[sflag:s6] =	ssyncadd.s32 $0xFFFFC000  }
0x125: {  	_ =	swait.ge [sflag:s6], $0x80  }
0x126: {  	[sflag:s6] =	ssyncset.done $0x0  }
0x127: {  	[sflag:s6] =	ssyncadd.s32 $0xFFFFFF80  }
0x128: {  	[hbm4b:s2+s8] =	stream.indirect.scatter [tilespmem:s18], [sflag:$0x2], $0x80, s8, s8, $0xb8;
	[tilespmem:$0x10600] =	vst v63  }
0x129: {  	_ = 	snop  }
0x12a: {  	[hbm4b:s3+s8] =	stream.indirect.scatter [tilespmem:s19], [sflag:$0x2], $0x1, s8, s8, $0xb8;
	[tilespmem:$0x10600] =	vst v63  }
0x12b: {  	_ =	swait.ge [sflag:s5], $0x4000  }
0x12c: {  	[sflag:s5] =	ssyncset.done $0x0  }
0x12d: {  	[sflag:s5] =	ssyncadd.s32 $0xFFFFC000  }
0x12e: {  	_ =	swait.ge [sflag:s5], $0x80  }
0x12f: {  	[sflag:s5] =	ssyncset.done $0x0  }
0x130: {  	[sflag:s5] =	ssyncadd.s32 $0xFFFFFF80  }
0x131: {  	[hbm4b:s2+s8] =	stream.indirect.scatter [tilespmem:s16], [sflag:$0x3], $0x80, s12, s8, $0xb8;
	[tilespmem:$0x10600] =	vst v63  }
0x132: {  	_ = 	snop  }
0x133: {  	[hbm4b:s3+s8] =	stream.indirect.scatter [tilespmem:s17], [sflag:$0x3], $0x1, s12, s8, $0xb8;
	[tilespmem:$0x10600] =	vst v63  }
0x134: {  	_ =	swait.ge [sflag:s4], $0x4000  }
0x135: {  	[sflag:s4] =	ssyncset.done $0x0  }
0x136: {  	[sflag:s4] =	ssyncadd.s32 $0xFFFFC000  }
0x137: {  	_ =	swait.ge [sflag:s4], $0x80  }
0x138: {  	[sflag:s4] =	ssyncset.done $0x0  }
0x139: {  	[sflag:s4] =	ssyncadd.s32 $0xFFFFFF80  }
0x13a: {  	[hbm4b:s2+s8] =	stream.indirect.scatter [tilespmem:s13], [sflag:$0x4], $0x80, s9, s8, $0xb8;
	[tilespmem:$0x10600] =	vst v63  }
0x13b: {  	_ = 	snop  }
0x13c: {  	[hbm4b:s3+s8] =	stream.indirect.scatter [tilespmem:s14], [sflag:$0x4], $0x1, s9, s8, $0xb8;
	[tilespmem:$0x10600] =	vst v63  }
0x13d: {  	_ =	swait.ge [sflag:s7], $0x4000  }
0x13e: {  	[sflag:s7] =	ssyncset.done $0x0  }
0x13f: {  	[sflag:s7] =	ssyncadd.s32 $0xFFFFC000  }
0x140: {  	_ =	swait.ge [sflag:s7], $0x80  }
0x141: {  	[sflag:s7] =	ssyncset.done $0x0  }
0x142: {  	[sflag:s7] =	ssyncadd.s32 $0xFFFFFF80  }
0x143: {  	_ =	swait.ge [sflag:s6], $0x4000  }
0x144: {  	[sflag:s6] =	ssyncset.done $0x0  }
0x145: {  	[sflag:s6] =	ssyncadd.s32 $0xFFFFC000  }
0x146: {  	_ =	swait.ge [sflag:s6], $0x80  }
0x147: {  	[sflag:s6] =	ssyncset.done $0x0  }
0x148: {  	[sflag:s6] =	ssyncadd.s32 $0xFFFFFF80  }
0x149: {  	_ =	swait.ge [sflag:s5], $0x4000  }
0x14a: {  	[sflag:s5] =	ssyncset.done $0x0  }
0x14b: {  	[sflag:s5] =	ssyncadd.s32 $0xFFFFC000  }
0x14c: {  	_ =	swait.ge [sflag:s5], $0x80  }
0x14d: {  	[sflag:s5] =	ssyncset.done $0x0  }
0x14e: {  	[sflag:s5] =	ssyncadd.s32 $0xFFFFFF80  }
0x14f: {  	_ =	swait.ge [sflag:s4], $0x4000  }
0x150: {  	[sflag:s4] =	ssyncset.done $0x0  }
0x151: {  	[sflag:s4] =	ssyncadd.s32 $0xFFFFC000  }
0x152: {  	_ =	swait.ge [sflag:s4], $0x80  }
0x153: {  	[sflag:s4] =	ssyncset.done $0x0  }
0x154: {  	[sflag:s4] =	ssyncadd.s32 $0xFFFFFF80  }
0x155: {  	_ =	sfence.sel $0x180000  }
0x156: {  	[bflag:$0x0] =	sbarrier.arrive $0xFFFF  }
0x157: {  	_ =	strace $0x9000004D  }
0x158: {  	[bflag:$0x2] =	sbarrier.arrive $0xFFFF  }
0x159: {  	p0 =	sne.s32 s1, $0x0;
	s0 =	rddreg [dreg:$0x5]  }
0x15a: {  	s0 =	sadd.s32 @!p0 $0x100000, s0  }
0x15b: {  	[sflag:s0] =	ssyncadd.tile.s32 @!p0 $0x1;
	_ =	shalt  }
.Lfunc_end2:
_tile_overlayer_lowered:
.L_overlay_start_2:
0x15c: {  	(tag) =	ssettag $0x2  }
0x15d: {  	s0 =	rddreg [dreg:$0x0];
	s2 =	stileid.u32  }
0x15e: {  	s1 =	rddreg [dreg:$0x1];
	p0 =	sne.s32 s2, $0x0  }
0x15f: {  	s3 =	rddreg [dreg:$0x2];
	[bflag:$0x3] =	sbarrier.arrive $0xFFFF;
	s2 =	simm.s32 @!p0 $0x1C05  }
0x160: {  	[timem:s3], [sflag:s2] =	dma.local @!p0 [hbm:s0], s1  }
0x161: {  	s0 =	simm.s32 @!p0 $0x5  }
0x162: {  	_ =	swait.ge @!p0 [sflag:s0], s1  }
0x163: {  	s1 =	ssub.s32 @!p0 $0x0, s1;
	[sflag:s0] =	ssyncset.done @!p0 $0x0  }
0x164: {  	[sflag:s0] =	ssyncadd.s32 @!p0 s1  }
0x165: {  	[bflag:$0x3] =	sbarrier.arrive $0xFFFF  }
0x166: {  	_ =	shalt  }

// kernel: kernel.6.cloned.1.call-start
scs
__scs_entry_jumppad:
0x0: {  	(pc) =	sbr.rel $0x88, $3  }
0x1: {  	(tag) =	ssettag $0x0;
	lr =	simm.s32 $0x1  }
0x2: {  	[smem:$0x3F98] =	sst lr;
	_ =	strace $0xD0000000  }
0x3: {  	_ = 	snop  }
0x4: {  	_ = 	snop  }
0x5: {  	_ = 	snop  }
0x6: {  	_ = 	snop  }
0x7: {  	_ = 	snop  }
__scs_overlays_trampoline_lowered:
0x8: {  	[smem:$0x3FA7] =	sst s0  }
0x9: {  	[smem:$0x3FA8] =	sst s1  }
0xa: {  	[smem:$0x3FA9] =	sst s2  }
0xb: {  	[smem:$0x3FAA] =	sst s3  }
0xc: {  	[smem:$0x3FAB] =	sst s4  }
0xd: {  	[smem:$0x3FAC] =	sst s5  }
0xe: {  	[smem:$0x3FAD] =	sst s6  }
0xf: {  	[smem:$0x3FAE] =	sst s7  }
0x10: {  	[smem:$0x3FAF] =	sst s8  }
0x11: {  	[smem:$0x3FB0] =	sst s9;
	s0 =	simm.s32 @!p0 $0x0  }
0x12: {  	s1 =	sld [smem:$0x3F96];
	s0 =	simm.s32 @p0 $0x1  }
0x13: {  	[smem:$0x3FB1] =	sst s0;
	s0 =	simm.s32 @!p1 $0x0  }
0x14: {  	s2 =	sld [smem:$0x3F95];
	s0 =	simm.s32 @p1 $0x1  }
0x15: {  	[smem:$0x3FB2] =	sst s0;
	s0 =	simm.s32 @!p2 $0x0  }
0x16: {  	s3 =	sld [smem:$0x3FDB];
	s0 =	simm.s32 @p2 $0x1  }
0x17: {  	s4 =	simm.s32 $0x1BF5;
	[smem:$0x3FB4] =	sst s0  }
0x18: {  	s0 =	sld [smem:$0x3F97];
	_ =	swait.ge [sflag:s4], $0x0  }
0x19: {  	s7 =	sld [smem:$0x3F98]  }
0x1a: {  	s8 =	sadd.s32 $0xFFFFE003, lr  }
0x1b: {  	s9 =	sadd.s32 $0xFFFFFEF7, lr;
	s5 =	simm.s32 $0xFFFFFFFF;
	p2 =	slt.u32 s8, $0xFFFFF086  }
0x1c: {  	p1 =	slt.u32 s9, $0xF7A;
	s5 =	simm.s32 @!p2 $0x0  }
0x1d: {  	s5 =	simm.s32 @p1 $0x1;
	p0 =	seq.s32 s7, s2  }
0x1e: {  	s7 =	smul.u32 @!p0 $0xF7A, s2;
	p2 =	seq.s32 @!p0 s5, $0x0  }
0x1f: {  	s9 =	smul.u32 $0xF7A, s1;
	s8 =	simm.s32 @!p0 $0x1BF5;
	p2 =	por !p2, p0  }
0x20: {  	[sflag:s8] =	ssyncset.s32 @!p0 $0xFFFFF086;
	s6 =	sadd.s32 @!p0 s3, s7;
	s7 =	simm.s32 @!p0 $0x108  }
0x21: {  	s3 =	sadd.s32 s3, s9;
	s6 =	sadd.s32 @!p0 $0x88, s6;
	s7 =	simm.s32 @p2 $0x1082  }
0x22: {  	[simem:s7], [sflag:s8] =	dma.local @!p0 [hbm:s6], $0xF7A  }
0x23: {  	s9 =	sor.u32 $0xD0000000, s2;
	s6 =	simm.s32 $0x108;
	_ =	swait.ge @!p0 [sflag:s8], $0x0  }
0x24: {  	s3 =	sadd.s32 $0x88, s3;
	s6 =	simm.s32 @!p1 $0x1082;
	[sflag:s4] =	ssyncset.s32 $0xFFFFF086  }
0x25: {  	[simem:s6], [sflag:s4] =	dma.local [hbm:s3], $0xF7A  }
0x26: {  	[smem:$0x3F98] =	sst s1;
	(tag) =	ssettag s2;
	_ =	strace s9  }
0x27: {  	s1 =	sld [smem:$0x3FA8]  }
0x28: {  	s2 =	sld [smem:$0x3FA9]  }
0x29: {  	s4 =	sld [smem:$0x3FAB]  }
0x2a: {  	p0 =	seq.s32 s5, $0x0;
	s5 =	sld [smem:$0x3FAC]  }
0x2b: {  	s6 =	sld [smem:$0x3FAD]  }
0x2c: {  	s7 =	sld [smem:$0x3FAE]  }
0x2d: {  	s3 =	simm.s32 $0x108;
	s8 =	sld [smem:$0x3FAF]  }
0x2e: {  	s3 =	simm.s32 @!p0 $0x1082;
	s9 =	sld [smem:$0x3FB0]  }
0x2f: {  	lr =	sadd.s32 s0, s3;
	s0 =	sld [smem:$0x3FA7]  }
0x30: {  	s3 =	sld [smem:$0x3FAA]  }
0x31: {  	[smem:$0x3FB3] =	sst s10  }
0x32: {  	s10 =	sld [smem:$0x3FB1];
	_ =	sdelay $0x3  }
0x33: {  	p0 =	seq.s32 s10, $0x1;
	s10 =	sld [smem:$0x3FB3];
	_ =	sdelay $0x3  }
0x34: {  	[smem:$0x3FB3] =	sst s10  }
0x35: {  	s10 =	sld [smem:$0x3FB2];
	_ =	sdelay $0x3  }
0x36: {  	p1 =	seq.s32 s10, $0x1;
	s10 =	sld [smem:$0x3FB3];
	_ =	sdelay $0x3  }
0x37: {  	[smem:$0x3FB3] =	sst s10  }
0x38: {  	s10 =	sld [smem:$0x3FB4]  }
0x39: {  	_ = 	snop;
	(pc) =	sbr.ind lr, $3  }
0x3a: {  	_ = 	snop  }
0x3b: {  	_ = 	snop  }
0x3c: {  	p2 =	seq.s32 s10, $0x1;
	s10 =	sld [smem:$0x3FB3]  }
0x3d: {  	_ =	shalt  }
0x3e: {  	_ =	shalt  }
0x3f: {  	_ =	shalt  }
0x40: {  	_ =	shalt  }
0x41: {  	_ =	shalt  }
0x42: {  	_ =	shalt  }
0x43: {  	_ =	shalt  }
0x44: {  	_ =	shalt  }
0x45: {  	_ =	shalt  }
0x46: {  	_ =	shalt  }
0x47: {  	_ =	shalt  }
0x48: {  	_ =	shalt  }
0x49: {  	_ =	shalt  }
0x4a: {  	_ =	shalt  }
0x4b: {  	_ =	shalt  }
0x4c: {  	_ =	shalt  }
0x4d: {  	_ =	shalt  }
0x4e: {  	_ =	shalt  }
0x4f: {  	_ =	shalt  }
0x50: {  	_ =	shalt  }
0x51: {  	_ =	shalt  }
0x52: {  	_ =	shalt  }
0x53: {  	_ =	shalt  }
0x54: {  	_ =	shalt  }
0x55: {  	_ =	shalt  }
0x56: {  	_ =	shalt  }
0x57: {  	_ =	shalt  }
0x58: {  	_ =	shalt  }
0x59: {  	_ =	shalt  }
0x5a: {  	_ =	shalt  }
0x5b: {  	_ =	shalt  }
0x5c: {  	_ =	shalt  }
0x5d: {  	_ =	shalt  }
0x5e: {  	_ =	shalt  }
0x5f: {  	_ =	shalt  }
0x60: {  	_ =	shalt  }
0x61: {  	_ =	shalt  }
0x62: {  	_ =	shalt  }
0x63: {  	_ =	shalt  }
0x64: {  	_ =	shalt  }
0x65: {  	_ =	shalt  }
0x66: {  	_ =	shalt  }
0x67: {  	_ =	shalt  }
0x68: {  	_ =	shalt  }
0x69: {  	_ =	shalt  }
0x6a: {  	_ =	shalt  }
0x6b: {  	_ =	shalt  }
0x6c: {  	_ =	shalt  }
0x6d: {  	_ =	shalt  }
0x6e: {  	_ =	shalt  }
0x6f: {  	_ =	shalt  }
0x70: {  	_ =	shalt  }
0x71: {  	_ =	shalt  }
0x72: {  	_ =	shalt  }
0x73: {  	_ =	shalt  }
0x74: {  	_ =	shalt  }
0x75: {  	_ =	shalt  }
0x76: {  	_ =	shalt  }
0x77: {  	_ =	shalt  }
0x78: {  	_ =	shalt  }
0x79: {  	_ =	shalt  }
0x7a: {  	_ =	shalt  }
0x7b: {  	_ =	shalt  }
0x7c: {  	_ =	shalt  }
0x7d: {  	_ =	shalt  }
0x7e: {  	_ =	shalt  }
0x7f: {  	_ =	shalt  }
0x80: {  	_ =	shalt  }
0x81: {  	_ =	shalt  }
0x82: {  	_ =	shalt  }
0x83: {  	_ =	shalt  }
0x84: {  	_ =	shalt  }
0x85: {  	_ =	shalt  }
0x86: {  	_ =	shalt  }
0x87: {  	_ =	shalt  }
.Lfunc_end0:
.L_simem_size_0:
called_computation_lowered:
.L_overlay_start_0:
0x88: {  	s2 =	sld [smem:$0x3FD9]  }
0x89: {  	s3 =	sld [smem:$0x3FFE];
	_ =	sdelay $0x1  }
0x8a: {  	s1 =	srdreg.scid  }
0x8b: {  	s0 =	sand.u32 $0x1, s1  }
0x8c: {  	s17 =	sshll.u32 s0, $0xA;
	s2 =	sadd.s32 s3, s2  }
0x8d: {  	s2 =	sadd.s32 s2, s17  }
0x8e: {  	[smem:$0x3FBF] =	sst s2  }
0x8f: {  	_ = 	snop  }
0x90: {  	s18 =	sld [smem:$0x3FC7];
	(tm) =	ssettm $0x1  }
0x91: {  	s19 =	sld [smem:$0x3FFB];
	_ =	sdelay $0x3  }
0x92: {  	_ =	strace s19  }
0x93: {  	s2 =	sld [smem:$0x3FFC];
	_ =	sdelay $0x3  }
0x94: {  	_ =	strace s2  }
0x95: {  	s2 =	sld [smem:$0x3FFD];
	_ =	sdelay $0x3  }
0x96: {  	_ =	strace s2  }
0x97: {  	_ =	strace $0x8FFFFFFF  }
0x98: {  	s20 =	sld [smem:$0x3FDB];
	_ =	sdelay $0x1  }
0x99: {  	s4 =	simm.s32 $_scs_section_size  }
0x9a: {  	s5 =	simm.s32 $_size__tile_overlayer_lowered;
	s6 =	simm.s32 $_tile_overlayer_lowered  }
0x9b: {  	s7 =	simm.s32 $0x1BFF;
	s21 =	sshll.u32 s6, $0x1;
	s4 =	sadd.s32 s4, s20  }
0x9c: {  	s22 =	simm.s32 $0x0;
	s5 =	sshll.u32 s5, $0x1;
	s6 =	sadd.s32 s21, s4  }
0x9d: {  	[timem:s22], [sflag:s7] =	dma.local [hbm:s6], s5  }
0x9e: {  	_ =	swait.ge [sflag:s7], s5  }
0x9f: {  	s5 =	ssub.s32 $0x0, s5;
	[sflag:s7] =	ssyncset.done $0x0  }
0xa0: {  	[sflag:s7] =	ssyncadd.s32 s5;
	_ =	sdelay $0x1  }
0xa1: {  	s23 =	simm.s32 $0x1B8B  }
0xa2: {  	_ =	swait.ge [sflag:s23], $0x1  }
0xa3: {  	[sflag:s23] =	ssyncset.done $0x0  }
0xa4: {  	[sflag:s23] =	ssyncadd.s32 $0xFFFFFFFF  }
0xa5: {  	s5 =	sld [smem:$0x0]  }
0xa6: {  	s6 =	sand.u32 $0xFFFFFFFE, s1  }
0xa7: {  	p0 =	sne.s32 s1, s6  }
0xa8: {  	s6 =	sshll.u32 @p0 s6, $0xE  }
0xa9: {  	s6 =	sadd.s32 @p0 $0x11B8D, s6;
	s7 =	sshll.u32 @p0 s5, $0x11  }
0xaa: {  	s6 =	sor.u32 @p0 s7, s6  }
0xab: {  	[sflag:s6] =	ssyncadd.remote.s32 @p0 $0x1;
	_ =	sdelay $0x1  }
0xac: {  	s6 =	simm.s32 @p0 $0x1B8D  }
0xad: {  	_ =	swait.eq @p0 [sflag:s6], $0x1  }
0xae: {  	[sflag:s6] =	ssyncadd.s32 @p0 $0xFFFFFFFF  }
0xaf: {  	s7 =	sshll.u32 @!p0 s1, $0xE  }
0xb0: {  	s7 =	sor.u32 @!p0 $0x4000, s7;
	s6 =	simm.s32 @!p0 $0x1B8D  }
0xb1: {  	s5 =	sshll.u32 @!p0 s5, $0x11;
	s7 =	sadd.s32 @!p0 $0x11B8D, s7;
	_ =	swait.eq @!p0 [sflag:s6], $0x1  }
0xb2: {  	s5 =	sor.u32 @!p0 s5, s7;
	[sflag:s6] =	ssyncadd.s32 @!p0 $0xFFFFFFFF  }
0xb3: {  	s25 =	simm.s32 $0x1B8E;
	s24 =	sld [smem:$0x3FFE];
	[sflag:s5] =	ssyncadd.remote.s32 @!p0 $0x1  }
0xb4: {  	s26 =	simm.s32 $execute0_lowered;
	[smem:$0x3FD2] =	sst s25  }
0xb5: {  	s6 =	sshll.u32 s26, $0x1;
	_ =	strace $0x80000049;
	[dreg:$0x1] =	wrdreg $0xFFFFFFFF  }
0xb6: {  	s28 =	simm.s32 $_size_execute0_lowered;
	s4 =	sadd.s32 s4, s6;
	[dreg:$0x0] =	wrdreg $0x0  }
0xb7: {  	s6 =	sshll.u32 s28, $0x1;
	[dreg:$0x2] =	wrdreg s4  }
0xb8: {  	[dreg:$0x3] =	wrdreg s6  }
0xb9: {  	[dreg:$0x4] =	wrdreg $0xC0  }
0xba: {  	_ =	task [dreg:s22], $0x5FFFF  }
0xbb: {  	[dreg:$0x1] =	wrdreg $0xFFFFFFFF  }
0xbc: {  	[dreg:$0x0] =	wrdreg $0x60  }
0xbd: {  	[dreg:$0x2] =	wrdreg s18  }
0xbe: {  	[dreg:$0x3] =	wrdreg s24  }
0xbf: {  	[dreg:$0x4] =	wrdreg $0x9  }
0xc0: {  	_ =	task.clear_ibuf [dreg:s22], $0x5FFFF;
	_ =	strace $0x90000049  }
0xc1: {  	s29 =	simm.s32 $0x9;
	_ =	strace $0x8000004B  }
0xc2: {  	_ =	swait.ge [sflag:s29], $0x1  }
0xc3: {  	[sflag:s29] =	ssyncadd.s32 $0xFFFFFFFF  }
0xc4: {  	_ =	strace $0x9000004B  }
0xc5: {  	_ =	sfence  }
0xc6: {  	s30 =	sld [smem:$0x0];
	_ =	sdelay $0x2  }
0xc7: {  	s31 =	sshll.u32 s1, $0xD;
	s1 =	sshrl.u32 s1, $0x2  }
0xc8: {  	s4 =	sand.u32 $0x4000, s31;
	s1 =	sadd.s32 s1, s30  }
0xc9: {  	s0 =	sor.u32 s4, s0;
	s1 =	sshll.u32 s1, $0x11  }
0xca: {  	s0 =	sor.u32 s1, s0  }
0xcb: {  	s0 =	sadd.s32 $0x8F2B, s0  }
0xcc: {  	[sflag:s0] =	ssyncadd.remote.s32 $0x1  }
0xcd: {  	_ =	sfence.sel $0xFFFF  }
0xce: {  	[dreg:$0x0] =	wrdreg $0xFFFFFFFF;
	(pc) =	sbr.abs _section_cstart, $3  }
0xcf: {  	[dreg:$0x1] =	wrdreg $0xFFFFFFFF  }
0xd0: {  	_ =	task.clear_ibuf [dreg:s22], $0x2FFFF;
	_ =	strace $0x9FFFFFFF  }
0xd1: {  	(tm) =	ssettm $0x7FFFFFFF  }
tec
execute0_lowered:
.L_overlay_start_1:
0x0: {  	(tag) =	ssettag $0x1  }
0x1: {  	s1 =	srdreg.scid;
	s0 =	stileid.u32  }
0x2: {  	s2 =	rddreg [dreg:$0x0];
	s3 =	sand.u32 $0x1, s1;
	s31 =	sshll.u32 s0, $0x1  }
0x3: {  	s4 =	rddreg [dreg:$0x1];
	s1 =	sor.u32 s3, s31;
	s5 =	ssub.s32 $0x2, s3  }
0x4: {  	s3 =	simm.s32 $0x0;
	s6 =	smul.u32 $0x7A18, s1;
	s1 =	rddreg [dreg:$0x2]  }
0x5: {  	s8 =	sshrl.u32 s5, $0x1;
	[smem:$0x7FF] =	sst s3  }
0x6: {  	s5 =	ssub.s32 s5, s8;
	_ =	strace $0x8000004A;
	s7 =	sshrl.u32 s6, $0x3  }
0x7: {  	s8 =	simm.s32 $0x0;
	s5 =	smax.u32 s5, $0x1;
	s4 =	sadd.s32 s7, s4  }
0x8: {  	v1 =	vlaneseq.u32;
	v2 =	vimm.s32 $0x0;
	v0 =	vmov s6;
	s6 =	simm.s32 $0x1;
	s7 =	simm.s32 $0x4000;
	s4 =	sadd.s32 $0x41C00, s4  }
.LBB2_1:
0x9: {  	[tilespmem:s3], [sflag:$0x1] =	stream.linear.gather [hbm4b:s2+s3], $0x4000, $0x38;
	[tilespmem:$0xBA80] =	vst v63  }
0xa: {  	_ =	swait.ge [sflag:s6], $0x4000  }
0xb: {  	[sflag:s6] =	ssyncset.done $0x0  }
0xc: {  	s9 =	simm.s32 $0x70;
	s10 =	simm.s32 $0x40;
	[sflag:s6] =	ssyncadd.s32 $0xFFFFC000  }
.LBB2_2:
0xd: {  	v3 =	vld [tilespmem:s10+$0xFFFFFFC0];
	_ =	sdelay $0x4  }
0xe: {  	v3 =	vsub.s32 v3, v0  }
0xf: {  	vm0 =	vlt.u32 v3, $0x7A18  }
0x10: {  	v3 =	vnsel vm0, $0x0, v3;
	_ =	sdelay $0x2  }
0x11: {  	s11 =	sadd.s32 $0xFFFFFF90, s9  }
0x12: {  	v4 =	vor.u32 s11, v1  }
0x13: {  	[tilespmem:v3+s7+$0x0] =	vst.idx.msk vm0, v4  }
0x14: {  	v3 =	vld [tilespmem:s10+$0xFFFFFFD0];
	_ =	sdelay $0x4  }
0x15: {  	v3 =	vsub.s32 v3, v0  }
0x16: {  	vm9 =	vlt.u32 v3, $0x7A18  }
0x17: {  	v3 =	vnsel vm9, $0x0, v3;
	_ =	sdelay $0x2  }
0x18: {  	s25 =	sadd.s32 $0xFFFFFFA0, s9  }
0x19: {  	v57 =	vor.u32 s25, v1  }
0x1a: {  	[tilespmem:v3+s7+$0x0] =	vst.idx.msk vm9, v57  }
0x1b: {  	v3 =	vld [tilespmem:s10+$0xFFFFFFE0];
	_ =	sdelay $0x4  }
0x1c: {  	v3 =	vsub.s32 v3, v0  }
0x1d: {  	vm10 =	vlt.u32 v3, $0x7A18  }
0x1e: {  	v3 =	vnsel vm10, $0x0, v3;
	_ =	sdelay $0x2  }
0x1f: {  	s26 =	sadd.s32 $0xFFFFFFB0, s9  }
0x20: {  	v58 =	vor.u32 s26, v1  }
0x21: {  	[tilespmem:v3+s7+$0x0] =	vst.idx.msk vm10, v58  }
0x22: {  	v3 =	vld [tilespmem:s10+$0xFFFFFFF0];
	_ =	sdelay $0x4  }
0x23: {  	v3 =	vsub.s32 v3, v0  }
0x24: {  	vm11 =	vlt.u32 v3, $0x7A18  }
0x25: {  	v3 =	vnsel vm11, $0x0, v3;
	_ =	sdelay $0x2  }
0x26: {  	s28 =	sadd.s32 $0xFFFFFFC0, s9  }
0x27: {  	v59 =	vor.u32 s28, v1  }
0x28: {  	[tilespmem:v3+s7+$0x0] =	vst.idx.msk vm11, v59  }
0x29: {  	v3 =	vld [tilespmem:s10+$0x0];
	_ =	sdelay $0x4  }
0x2a: {  	v3 =	vsub.s32 v3, v0  }
0x2b: {  	vm12 =	vlt.u32 v3, $0x7A18  }
0x2c: {  	v3 =	vnsel vm12, $0x0, v3;
	_ =	sdelay $0x2  }
0x2d: {  	s29 =	sadd.s32 $0xFFFFFFD0, s9  }
0x2e: {  	v60 =	vor.u32 s29, v1  }
0x2f: {  	[tilespmem:v3+s7+$0x0] =	vst.idx.msk vm12, v60  }
0x30: {  	v3 =	vld [tilespmem:s10+$0x10];
	_ =	sdelay $0x4  }
0x31: {  	v3 =	vsub.s32 v3, v0  }
0x32: {  	vm13 =	vlt.u32 v3, $0x7A18  }
0x33: {  	v3 =	vnsel vm13, $0x0, v3;
	_ =	sdelay $0x2  }
0x34: {  	s30 =	sadd.s32 $0xFFFFFFE0, s9  }
0x35: {  	v61 =	vor.u32 s30, v1  }
0x36: {  	[tilespmem:v3+s7+$0x0] =	vst.idx.msk vm13, v61  }
0x37: {  	v3 =	vld [tilespmem:s10+$0x20];
	_ =	sdelay $0x4  }
0x38: {  	v3 =	vsub.s32 v3, v0  }
0x39: {  	vm14 =	vlt.u32 v3, $0x7A18  }
0x3a: {  	v3 =	vnsel vm14, $0x0, v3;
	_ =	sdelay $0x2  }
0x3b: {  	s31 =	sadd.s32 $0xFFFFFFF0, s9  }
0x3c: {  	v62 =	vor.u32 s31, v1  }
0x3d: {  	[tilespmem:v3+s7+$0x0] =	vst.idx.msk vm14, v62  }
0x3e: {  	v3 =	vld [tilespmem:s10+$0x30];
	_ =	sdelay $0x4  }
0x3f: {  	v3 =	vsub.s32 v3, v0  }
0x40: {  	vm15 =	vlt.u32 v3, $0x7A18  }
0x41: {  	p0 =	seq.s32 s9, $0x3FF0;
	v3 =	vnsel vm15, $0x0, v3  }
.Ltmp0:
0x42: {  	_ = 	snop;
	(pc) =	sbr.rel @!p0 .LBB2_2-.Ltmp0, $3  }
0x43: {  	_ =	sdelay $0x1  }
0x44: {  	v63 =	vor.u32 s9, v1  }
0x45: {  	s9 =	sadd.s32 $0x80, s9;
	s10 =	sadd.s32 $0x80, s10;
	[tilespmem:v3+s7+$0x0] =	vst.idx.msk vm15, v63  }
0x46: {  	s10 =	simm.s32 $0x0;
	s9 =	simm.s32 $0x0  }
.LBB2_4:
0x47: {  	s11 =	sshll.u32 s9, $0x7  }
0x48: {  	s12 =	sand.u32 $0x3FFFFF80, s11  }
0x49: {  	v3 =	vld [tilespmem:s12+$0x0];
	_ =	sdelay $0x4  }
0x4a: {  	v3 =	vsub.s32 v3, v0  }
0x4b: {  	vm0 =	vlt.u32 v3, $0x7A18  }
0x4c: {  	v3 =	vnsel vm0, $0x0, v3;
	_ =	sdelay $0x4  }
0x4d: {  	v4 =	vld.idx.msk [tilespmem:v3+s7+$0x0], vm0;
	_ =	sdelay $0x3  }
0x4e: {  	v5 =	vor.u32 s11, v1  }
0x4f: {  	vm1 =	vlt.s32 v4, v5  }
0x50: {  	vm0 =	vmand vm0, vm1;
	_ =	sdelay $0x5  }
0x51: {  	[tilespmem:v3+s7+$0x0] =	vst.idx.msk vm0, v5  }
0x52: {  	v3 =	vld [tilespmem:s12+$0x10];
	_ =	sdelay $0x4  }
0x53: {  	v3 =	vsub.s32 v3, v0  }
0x54: {  	vm8 =	vlt.u32 v3, $0x7A18  }
0x55: {  	v3 =	vnsel vm8, $0x0, v3;
	_ =	sdelay $0x4  }
0x56: {  	v36 =	vld.idx.msk [tilespmem:v3+s7+$0x0], vm8;
	_ =	sdelay $0x2  }
0x57: {  	s13 =	sor.u32 $0x10, s11  }
0x58: {  	v37 =	vor.u32 s13, v1  }
0x59: {  	vm2 =	vlt.s32 v36, v37  }
0x5a: {  	vm1 =	vmand vm8, vm2;
	_ =	sdelay $0x5  }
0x5b: {  	[tilespmem:v3+s7+$0x0] =	vst.idx.msk vm1, v37  }
0x5c: {  	v3 =	vld [tilespmem:s12+$0x20];
	_ =	sdelay $0x4  }
0x5d: {  	v3 =	vsub.s32 v3, v0  }
0x5e: {  	vm9 =	vlt.u32 v3, $0x7A18  }
0x5f: {  	v3 =	vnsel vm9, $0x0, v3;
	_ =	sdelay $0x4  }
0x60: {  	v38 =	vld.idx.msk [tilespmem:v3+s7+$0x0], vm9;
	_ =	sdelay $0x2  }
0x61: {  	s18 =	sor.u32 $0x20, s11  }
0x62: {  	v39 =	vor.u32 s18, v1  }
0x63: {  	vm3 =	vlt.s32 v38, v39  }
0x64: {  	vm2 =	vmand vm9, vm3;
	_ =	sdelay $0x5  }
0x65: {  	[tilespmem:v3+s7+$0x0] =	vst.idx.msk vm2, v39  }
0x66: {  	v3 =	vld [tilespmem:s12+$0x30];
	_ =	sdelay $0x4  }
0x67: {  	v3 =	vsub.s32 v3, v0  }
0x68: {  	vm10 =	vlt.u32 v3, $0x7A18  }
0x69: {  	v3 =	vnsel vm10, $0x0, v3;
	_ =	sdelay $0x4  }
0x6a: {  	v40 =	vld.idx.msk [tilespmem:v3+s7+$0x0], vm10;
	_ =	sdelay $0x2  }
0x6b: {  	s19 =	sor.u32 $0x30, s11  }
0x6c: {  	v41 =	vor.u32 s19, v1  }
0x6d: {  	vm4 =	vlt.s32 v40, v41  }
0x6e: {  	vm3 =	vmand vm10, vm4;
	_ =	sdelay $0x5  }
0x6f: {  	[tilespmem:v3+s7+$0x0] =	vst.idx.msk vm3, v41  }
0x70: {  	v3 =	vld [tilespmem:s12+$0x40];
	_ =	sdelay $0x4  }
0x71: {  	v3 =	vsub.s32 v3, v0  }
0x72: {  	vm11 =	vlt.u32 v3, $0x7A18  }
0x73: {  	v3 =	vnsel vm11, $0x0, v3;
	_ =	sdelay $0x4  }
0x74: {  	v42 =	vld.idx.msk [tilespmem:v3+s7+$0x0], vm11;
	_ =	sdelay $0x2  }
0x75: {  	s20 =	sor.u32 $0x40, s11  }
0x76: {  	v43 =	vor.u32 s20, v1  }
0x77: {  	vm5 =	vlt.s32 v42, v43  }
0x78: {  	vm4 =	vmand vm11, vm5;
	_ =	sdelay $0x5  }
0x79: {  	[tilespmem:v3+s7+$0x0] =	vst.idx.msk vm4, v43  }
0x7a: {  	v3 =	vld [tilespmem:s12+$0x50];
	_ =	sdelay $0x4  }
0x7b: {  	v3 =	vsub.s32 v3, v0  }
0x7c: {  	vm12 =	vlt.u32 v3, $0x7A18  }
0x7d: {  	v3 =	vnsel vm12, $0x0, v3;
	_ =	sdelay $0x4  }
0x7e: {  	v44 =	vld.idx.msk [tilespmem:v3+s7+$0x0], vm12;
	_ =	sdelay $0x2  }
0x7f: {  	s21 =	sor.u32 $0x50, s11  }
0x80: {  	v45 =	vor.u32 s21, v1  }
0x81: {  	vm6 =	vlt.s32 v44, v45  }
0x82: {  	vm5 =	vmand vm12, vm6;
	_ =	sdelay $0x5  }
0x83: {  	[tilespmem:v3+s7+$0x0] =	vst.idx.msk vm5, v45  }
0x84: {  	v3 =	vld [tilespmem:s12+$0x60];
	_ =	sdelay $0x4  }
0x85: {  	v3 =	vsub.s32 v3, v0  }
0x86: {  	vm13 =	vlt.u32 v3, $0x7A18  }
0x87: {  	v3 =	vnsel vm13, $0x0, v3;
	_ =	sdelay $0x4  }
0x88: {  	v46 =	vld.idx.msk [tilespmem:v3+s7+$0x0], vm13;
	_ =	sdelay $0x2  }
0x89: {  	s22 =	sor.u32 $0x60, s11  }
0x8a: {  	v47 =	vor.u32 s22, v1  }
0x8b: {  	vm7 =	vlt.s32 v46, v47  }
0x8c: {  	vm6 =	vmand vm13, vm7;
	_ =	sdelay $0x5  }
0x8d: {  	[tilespmem:v3+s7+$0x0] =	vst.idx.msk vm6, v47  }
0x8e: {  	v3 =	vld [tilespmem:s12+$0x70];
	_ =	sdelay $0x4  }
0x8f: {  	v3 =	vsub.s32 v3, v0  }
0x90: {  	vm14 =	vlt.u32 v3, $0x7A18  }
0x91: {  	v3 =	vnsel vm14, $0x0, v3;
	_ =	sdelay $0x4  }
0x92: {  	v48 =	vsel vm0, $0x1, v2;
	v5 =	vld.idx.msk [tilespmem:v3+s7+$0x0], vm14  }
0x93: {  	(xrf0) =	vadd.scan.msk.s32 $0xffff, v48;
	v6 =	vsel vm1, $0x1, v2  }
0x94: {  	(xrf0) =	vadd.scan.msk.s32 $0xffff, v6;
	v49 =	vsel vm2, $0x1, v2  }
0x95: {  	s11 =	sor.u32 $0x70, s11;
	(xrf0) =	vadd.scan.msk.s32 $0xffff, v49;
	v50 =	vsel vm3, $0x1, v2  }
0x96: {  	v52 =	vor.u32 s11, v1;
	(xrf0) =	vadd.scan.msk.s32 $0xffff, v50;
	v51 =	vsel vm4, $0x1, v2  }
0x97: {  	(xrf0) =	vadd.scan.msk.s32 $0xffff, v51;
	v53 =	vsel vm5, $0x1, v2;
	vm15 =	vlt.s32 v5, v52  }
0x98: {  	(xrf0) =	vadd.scan.msk.s32 $0xffff, v53;
	v54 =	vsel vm6, $0x1, v2;
	vm0 =	vmand vm14, vm15  }
0x99: {  	v55, _, _ =	vpop (xrf0);
	(xrf0) =	vadd.scan.msk.s32 $0xffff, v54;
	v56 =	vsel vm0, $0x1, v2  }
0x9a: {  	(v2sf) =	vpush v55, $0xF;
	v57, _, _ =	vpop (xrf0);
	(xrf0) =	vadd.scan.msk.s32 $0xffff, v56  }
0x9b: {  	(v2sf) =	vpush v57, $0xF;
	v58, _, _ =	vpop (xrf0)  }
0x9c: {  	(v2sf) =	vpush v58, $0xF;
	v59, _, _ =	vpop (xrf0)  }
0x9d: {  	(v2sf) =	vpush v59, $0xF;
	v60, _, _ =	vpop (xrf0)  }
0x9e: {  	(v2sf) =	vpush v60, $0xF;
	v61, _, _ =	vpop (xrf0)  }
0x9f: {  	(v2sf) =	vpush v61, $0xF;
	v62, _, _ =	vpop (xrf0)  }
0xa0: {  	(v2sf) =	vpush v62, $0xF;
	v63, _, _ =	vpop (xrf0)  }
0xa1: {  	(v2sf) =	vpush v63, $0xF;
	_ =	sdelay $0x7  }
0xa2: {  	s23 =	spop (v2sf)  }
0xa3: {  	s10 =	sadd.s32 s10, s23;
	s24 =	spop (v2sf)  }
0xa4: {  	s10 =	sadd.s32 s24, s10;
	s25 =	spop (v2sf)  }
0xa5: {  	s10 =	sadd.s32 s25, s10;
	s26 =	spop (v2sf)  }
0xa6: {  	s10 =	sadd.s32 s26, s10;
	s28 =	spop (v2sf)  }
0xa7: {  	s10 =	sadd.s32 s28, s10;
	s29 =	spop (v2sf)  }
0xa8: {  	s10 =	sadd.s32 s29, s10;
	s30 =	spop (v2sf)  }
0xa9: {  	s9 =	sadd.s32 $0x1, s9;
	s10 =	sadd.s32 s30, s10;
	s31 =	spop (v2sf)  }
0xaa: {  	p0 =	seq.s32 s9, $0x80;
	s10 =	sadd.s32 s31, s10  }
0xab: {  	p1 =	slt.s32 @p0 s10, $0x1  }
0xac: {  	p1 =	por !p0, !p1  }
.Ltmp1:
0xad: {  	_ = 	snop;
	(pc) =	sbr.rel @p1 .LBB2_4-.Ltmp1, $2  }
0xae: {  	_ =	sdelay $0x2  }
0xaf: {  	s9 =	simm.s32 @p0 $0x0;
	[tilespmem:v3+s7+$0x0] =	vst.idx.msk vm0, v52;
	s10 =	simm.s32 @p0 $0x0  }
0xb0: {  	s8 =	sadd.s32 $0x1, s8  }
0xb1: {  	p0 =	sne.s32 s8, s5  }
.Ltmp2:
0xb2: {  	_ = 	snop;
	(pc) =	sbr.rel @p0 .LBB2_1-.Ltmp2, $4  }
0xb3: {  	[hbm4b:s4+s3] =	stream.linear.scatter [tilespmem:s7], [sflag:$0x1], $0x7A18, $0x38;
	[tilespmem:$0xBA80] =	vst v63  }
0xb4: {  	_ =	swait.ge [sflag:s6], $0x7A18  }
0xb5: {  	[sflag:s6] =	ssyncset.done $0x0  }
0xb6: {  	[sflag:s6] =	ssyncadd.s32 $0xFFFF85E8  }
0xb7: {  	_ =	sfence.sel $0x180000  }
0xb8: {  	[bflag:$0x0] =	sbarrier.arrive $0xFFFF  }
0xb9: {  	p0 =	sne.s32 s0, $0x0;
	_ =	strace $0x9000004A  }
0xba: {  	s0 =	sadd.s32 @!p0 $0x100000, s1;
	[bflag:$0x2] =	sbarrier.arrive $0xFFFF  }
0xbb: {  	[sflag:s0] =	ssyncadd.tile.s32 @!p0 $0x1;
	_ =	shalt  }
.Lfunc_end2:
_tile_overlayer_lowered:
.L_overlay_start_2:
0xbc: {  	(tag) =	ssettag $0x2  }
0xbd: {  	s0 =	rddreg [dreg:$0x0];
	s2 =	stileid.u32  }
0xbe: {  	s1 =	rddreg [dreg:$0x1];
	p0 =	sne.s32 s2, $0x0  }
0xbf: {  	s3 =	rddreg [dreg:$0x2];
	[bflag:$0x3] =	sbarrier.arrive $0xFFFF;
	s2 =	simm.s32 @!p0 $0x1C01  }
0xc0: {  	[timem:s3], [sflag:s2] =	dma.local @!p0 [hbm:s0], s1  }
0xc1: {  	s0 =	simm.s32 @!p0 $0x1  }
0xc2: {  	_ =	swait.ge @!p0 [sflag:s0], s1  }
0xc3: {  	s1 =	ssub.s32 @!p0 $0x0, s1;
	[sflag:s0] =	ssyncset.done @!p0 $0x0  }
0xc4: {  	[sflag:s0] =	ssyncadd.s32 @!p0 s1  }
0xc5: {  	[bflag:$0x3] =	sbarrier.arrive $0xFFFF  }
0xc6: {  	_ =	shalt  }

// kernel: kernel.9.cloned.1.call-start
scs
__scs_entry_jumppad:
0x0: {  	(pc) =	sbr.rel $0x88, $3  }
0x1: {  	(tag) =	ssettag $0x0;
	lr =	simm.s32 $0x1  }
0x2: {  	[smem:$0x3F98] =	sst lr;
	_ =	strace $0xD0000000  }
0x3: {  	_ = 	snop  }
0x4: {  	_ = 	snop  }
0x5: {  	_ = 	snop  }
0x6: {  	_ = 	snop  }
0x7: {  	_ = 	snop  }
__scs_overlays_trampoline_lowered:
0x8: {  	[smem:$0x3FA7] =	sst s0  }
0x9: {  	[smem:$0x3FA8] =	sst s1  }
0xa: {  	[smem:$0x3FA9] =	sst s2  }
0xb: {  	[smem:$0x3FAA] =	sst s3  }
0xc: {  	[smem:$0x3FAB] =	sst s4  }
0xd: {  	[smem:$0x3FAC] =	sst s5  }
0xe: {  	[smem:$0x3FAD] =	sst s6  }
0xf: {  	[smem:$0x3FAE] =	sst s7  }
0x10: {  	[smem:$0x3FAF] =	sst s8  }
0x11: {  	[smem:$0x3FB0] =	sst s9;
	s0 =	simm.s32 @!p0 $0x0  }
0x12: {  	s1 =	sld [smem:$0x3F96];
	s0 =	simm.s32 @p0 $0x1  }
0x13: {  	[smem:$0x3FB1] =	sst s0;
	s0 =	simm.s32 @!p1 $0x0  }
0x14: {  	s2 =	sld [smem:$0x3F95];
	s0 =	simm.s32 @p1 $0x1  }
0x15: {  	[smem:$0x3FB2] =	sst s0;
	s0 =	simm.s32 @!p2 $0x0  }
0x16: {  	s3 =	sld [smem:$0x3FDB];
	s0 =	simm.s32 @p2 $0x1  }
0x17: {  	s4 =	simm.s32 $0x1BF5;
	[smem:$0x3FB4] =	sst s0  }
0x18: {  	s0 =	sld [smem:$0x3F97];
	_ =	swait.ge [sflag:s4], $0x0  }
0x19: {  	s7 =	sld [smem:$0x3F98]  }
0x1a: {  	s8 =	sadd.s32 $0xFFFFE003, lr  }
0x1b: {  	s9 =	sadd.s32 $0xFFFFFEF7, lr;
	s5 =	simm.s32 $0xFFFFFFFF;
	p2 =	slt.u32 s8, $0xFFFFF086  }
0x1c: {  	p1 =	slt.u32 s9, $0xF7A;
	s5 =	simm.s32 @!p2 $0x0  }
0x1d: {  	s5 =	simm.s32 @p1 $0x1;
	p0 =	seq.s32 s7, s2  }
0x1e: {  	s7 =	smul.u32 @!p0 $0xF7A, s2;
	p2 =	seq.s32 @!p0 s5, $0x0  }
0x1f: {  	s9 =	smul.u32 $0xF7A, s1;
	s8 =	simm.s32 @!p0 $0x1BF5;
	p2 =	por !p2, p0  }
0x20: {  	[sflag:s8] =	ssyncset.s32 @!p0 $0xFFFFF086;
	s6 =	sadd.s32 @!p0 s3, s7;
	s7 =	simm.s32 @!p0 $0x108  }
0x21: {  	s3 =	sadd.s32 s3, s9;
	s6 =	sadd.s32 @!p0 $0x88, s6;
	s7 =	simm.s32 @p2 $0x1082  }
0x22: {  	[simem:s7], [sflag:s8] =	dma.local @!p0 [hbm:s6], $0xF7A  }
0x23: {  	s9 =	sor.u32 $0xD0000000, s2;
	s6 =	simm.s32 $0x108;
	_ =	swait.ge @!p0 [sflag:s8], $0x0  }
0x24: {  	s3 =	sadd.s32 $0x88, s3;
	s6 =	simm.s32 @!p1 $0x1082;
	[sflag:s4] =	ssyncset.s32 $0xFFFFF086  }
0x25: {  	[simem:s6], [sflag:s4] =	dma.local [hbm:s3], $0xF7A  }
0x26: {  	[smem:$0x3F98] =	sst s1;
	(tag) =	ssettag s2;
	_ =	strace s9  }
0x27: {  	s1 =	sld [smem:$0x3FA8]  }
0x28: {  	s2 =	sld [smem:$0x3FA9]  }
0x29: {  	s4 =	sld [smem:$0x3FAB]  }
0x2a: {  	p0 =	seq.s32 s5, $0x0;
	s5 =	sld [smem:$0x3FAC]  }
0x2b: {  	s6 =	sld [smem:$0x3FAD]  }
0x2c: {  	s7 =	sld [smem:$0x3FAE]  }
0x2d: {  	s3 =	simm.s32 $0x108;
	s8 =	sld [smem:$0x3FAF]  }
0x2e: {  	s3 =	simm.s32 @!p0 $0x1082;
	s9 =	sld [smem:$0x3FB0]  }
0x2f: {  	lr =	sadd.s32 s0, s3;
	s0 =	sld [smem:$0x3FA7]  }
0x30: {  	s3 =	sld [smem:$0x3FAA]  }
0x31: {  	[smem:$0x3FB3] =	sst s10  }
0x32: {  	s10 =	sld [smem:$0x3FB1];
	_ =	sdelay $0x3  }
0x33: {  	p0 =	seq.s32 s10, $0x1;
	s10 =	sld [smem:$0x3FB3];
	_ =	sdelay $0x3  }
0x34: {  	[smem:$0x3FB3] =	sst s10  }
0x35: {  	s10 =	sld [smem:$0x3FB2];
	_ =	sdelay $0x3  }
0x36: {  	p1 =	seq.s32 s10, $0x1;
	s10 =	sld [smem:$0x3FB3];
	_ =	sdelay $0x3  }
0x37: {  	[smem:$0x3FB3] =	sst s10  }
0x38: {  	s10 =	sld [smem:$0x3FB4]  }
0x39: {  	_ = 	snop;
	(pc) =	sbr.ind lr, $3  }
0x3a: {  	_ = 	snop  }
0x3b: {  	_ = 	snop  }
0x3c: {  	p2 =	seq.s32 s10, $0x1;
	s10 =	sld [smem:$0x3FB3]  }
0x3d: {  	_ =	shalt  }
0x3e: {  	_ =	shalt  }
0x3f: {  	_ =	shalt  }
0x40: {  	_ =	shalt  }
0x41: {  	_ =	shalt  }
0x42: {  	_ =	shalt  }
0x43: {  	_ =	shalt  }
0x44: {  	_ =	shalt  }
0x45: {  	_ =	shalt  }
0x46: {  	_ =	shalt  }
0x47: {  	_ =	shalt  }
0x48: {  	_ =	shalt  }
0x49: {  	_ =	shalt  }
0x4a: {  	_ =	shalt  }
0x4b: {  	_ =	shalt  }
0x4c: {  	_ =	shalt  }
0x4d: {  	_ =	shalt  }
0x4e: {  	_ =	shalt  }
0x4f: {  	_ =	shalt  }
0x50: {  	_ =	shalt  }
0x51: {  	_ =	shalt  }
0x52: {  	_ =	shalt  }
0x53: {  	_ =	shalt  }
0x54: {  	_ =	shalt  }
0x55: {  	_ =	shalt  }
0x56: {  	_ =	shalt  }
0x57: {  	_ =	shalt  }
0x58: {  	_ =	shalt  }
0x59: {  	_ =	shalt  }
0x5a: {  	_ =	shalt  }
0x5b: {  	_ =	shalt  }
0x5c: {  	_ =	shalt  }
0x5d: {  	_ =	shalt  }
0x5e: {  	_ =	shalt  }
0x5f: {  	_ =	shalt  }
0x60: {  	_ =	shalt  }
0x61: {  	_ =	shalt  }
0x62: {  	_ =	shalt  }
0x63: {  	_ =	shalt  }
0x64: {  	_ =	shalt  }
0x65: {  	_ =	shalt  }
0x66: {  	_ =	shalt  }
0x67: {  	_ =	shalt  }
0x68: {  	_ =	shalt  }
0x69: {  	_ =	shalt  }
0x6a: {  	_ =	shalt  }
0x6b: {  	_ =	shalt  }
0x6c: {  	_ =	shalt  }
0x6d: {  	_ =	shalt  }
0x6e: {  	_ =	shalt  }
0x6f: {  	_ =	shalt  }
0x70: {  	_ =	shalt  }
0x71: {  	_ =	shalt  }
0x72: {  	_ =	shalt  }
0x73: {  	_ =	shalt  }
0x74: {  	_ =	shalt  }
0x75: {  	_ =	shalt  }
0x76: {  	_ =	shalt  }
0x77: {  	_ =	shalt  }
0x78: {  	_ =	shalt  }
0x79: {  	_ =	shalt  }
0x7a: {  	_ =	shalt  }
0x7b: {  	_ =	shalt  }
0x7c: {  	_ =	shalt  }
0x7d: {  	_ =	shalt  }
0x7e: {  	_ =	shalt  }
0x7f: {  	_ =	shalt  }
0x80: {  	_ =	shalt  }
0x81: {  	_ =	shalt  }
0x82: {  	_ =	shalt  }
0x83: {  	_ =	shalt  }
0x84: {  	_ =	shalt  }
0x85: {  	_ =	shalt  }
0x86: {  	_ =	shalt  }
0x87: {  	_ =	shalt  }
.Lfunc_end0:
.L_simem_size_0:
called_computation.1_lowered:
.L_overlay_start_0:
0x88: {  	s2 =	sld [smem:$0x3FD9]  }
0x89: {  	s3 =	sld [smem:$0x3FFE];
	_ =	sdelay $0x1  }
0x8a: {  	s1 =	srdreg.scid  }
0x8b: {  	s0 =	sand.u32 $0x1, s1  }
0x8c: {  	s14 =	sshll.u32 s0, $0xA;
	s2 =	sadd.s32 s3, s2  }
0x8d: {  	s2 =	sadd.s32 s2, s14  }
0x8e: {  	[smem:$0x3FBF] =	sst s2  }
0x8f: {  	_ = 	snop  }
0x90: {  	s2 =	sld [smem:$0x3FD0];
	_ =	sdelay $0x2  }
0x91: {  	s4 =	simm.s32 $0xB;
	s5 =	simm.s32 $0x10;
	s15 =	sld [smem:$0x3FC7]  }
0x92: {  	[smem:s5], [sflag:s4] =	dma.local [hbm:s2], $0x1  }
0x93: {  	_ =	swait.eq [sflag:s4], $0x1  }
0x94: {  	[sflag:s4] =	ssyncset.done $0x0  }
0x95: {  	[sflag:s4] =	ssyncadd.s32 $0xFFFFFFFF  }
0x96: {  	s16 =	sld [smem:$0x10];
	(tm) =	ssettm $0x1  }
0x97: {  	s17 =	sld [smem:$0x3FFB];
	_ =	sdelay $0x3  }
0x98: {  	_ =	strace s17  }
0x99: {  	s4 =	sld [smem:$0x3FFC];
	_ =	sdelay $0x3  }
0x9a: {  	_ =	strace s4  }
0x9b: {  	s4 =	sld [smem:$0x3FFD];
	_ =	sdelay $0x3  }
0x9c: {  	_ =	strace s4  }
0x9d: {  	_ =	strace $0x8FFFFFFF  }
0x9e: {  	s18 =	sld [smem:$0x3FDB];
	_ =	sdelay $0x1  }
0x9f: {  	s19 =	simm.s32 $_scs_section_size  }
0xa0: {  	s6 =	simm.s32 $_size__tile_overlayer_lowered;
	s7 =	simm.s32 $_tile_overlayer_lowered  }
0xa1: {  	s22 =	simm.s32 $0x1BFF;
	s21 =	sshll.u32 s7, $0x1;
	s4 =	sadd.s32 s19, s18  }
0xa2: {  	s8 =	simm.s32 $0x0;
	s20 =	sshll.u32 s6, $0x1;
	s6 =	sadd.s32 s21, s4  }
0xa3: {  	[timem:s8], [sflag:s22] =	dma.local [hbm:s6], s20  }
0xa4: {  	_ =	swait.ge [sflag:s22], s20  }
0xa5: {  	s5 =	ssub.s32 $0x0, s20;
	[sflag:s22] =	ssyncset.done $0x0  }
0xa6: {  	[sflag:s22] =	ssyncadd.s32 s5;
	_ =	sdelay $0x1  }
0xa7: {  	s23 =	simm.s32 $0x1B8B  }
0xa8: {  	_ =	swait.ge [sflag:s23], $0x1  }
0xa9: {  	[sflag:s23] =	ssyncset.done $0x0  }
0xaa: {  	s25 =	simm.s32 $0x1B8E;
	s24 =	sld [smem:$0x3FFE];
	[sflag:s23] =	ssyncadd.s32 $0xFFFFFFFF  }
0xab: {  	s26 =	simm.s32 $execute0_lowered;
	[smem:$0x3FD2] =	sst s25  }
0xac: {  	s6 =	sshll.u32 s26, $0x1;
	_ =	strace $0x80000046;
	[dreg:$0x1] =	wrdreg $0xFFFFFFFF  }
0xad: {  	s28 =	simm.s32 $_size_execute0_lowered;
	s4 =	sadd.s32 s4, s6;
	[dreg:$0x0] =	wrdreg $0x0  }
0xae: {  	s6 =	sshll.u32 s28, $0x1;
	[dreg:$0x2] =	wrdreg s4  }
0xaf: {  	[dreg:$0x3] =	wrdreg s6  }
0xb0: {  	[dreg:$0x4] =	wrdreg $0xC0  }
0xb1: {  	_ =	task [dreg:s8], $0x5FFFF  }
0xb2: {  	[dreg:$0x1] =	wrdreg $0xFFFFFFFF  }
0xb3: {  	[dreg:$0x0] =	wrdreg $0x60  }
0xb4: {  	[dreg:$0x2] =	wrdreg s15  }
0xb5: {  	[dreg:$0x3] =	wrdreg s16  }
0xb6: {  	[dreg:$0x4] =	wrdreg s24  }
0xb7: {  	[dreg:$0x5] =	wrdreg $0xA  }
0xb8: {  	_ =	task.clear_ibuf [dreg:s8], $0x6FFFF;
	_ =	strace $0x90000046  }
0xb9: {  	s29 =	simm.s32 $0xA;
	_ =	strace $0x80000048  }
0xba: {  	_ =	swait.ge [sflag:s29], $0x1  }
0xbb: {  	[sflag:s29] =	ssyncadd.s32 $0xFFFFFFFF  }
0xbc: {  	_ =	strace $0x90000048  }
0xbd: {  	_ =	sfence  }
0xbe: {  	s30 =	sld [smem:$0x0];
	_ =	sdelay $0x2  }
0xbf: {  	s31 =	sshll.u32 s1, $0xD;
	s1 =	sshrl.u32 s1, $0x2  }
0xc0: {  	s3 =	sand.u32 $0x4000, s31;
	s1 =	sadd.s32 s1, s30  }
0xc1: {  	s0 =	sor.u32 s3, s0;
	s1 =	sshll.u32 s1, $0x11  }
0xc2: {  	s0 =	sor.u32 s1, s0  }
0xc3: {  	s0 =	sadd.s32 $0x8F2B, s0  }
0xc4: {  	[sflag:s0] =	ssyncadd.remote.s32 $0x1  }
0xc5: {  	_ =	sfence.sel $0xFFFF  }
0xc6: {  	[dreg:$0x0] =	wrdreg $0xFFFFFFFF;
	(pc) =	sbr.abs _section_cstart, $3  }
0xc7: {  	[dreg:$0x1] =	wrdreg $0xFFFFFFFF  }
0xc8: {  	_ =	task.clear_ibuf [dreg:s8], $0x2FFFF;
	_ =	strace $0x9FFFFFFF  }
0xc9: {  	(tm) =	ssettm $0x7FFFFFFF  }
tec
execute0_lowered:
.L_overlay_start_1:
0x0: {  	(tag) =	ssettag $0x1  }
0x1: {  	s9 =	rddreg [dreg:$0x0];
	s1 =	srdreg.scid  }
0x2: {  	s2 =	rddreg [dreg:$0x1];
	s0 =	stileid.u32  }
0x3: {  	s16 =	rddreg [dreg:$0x2];
	s3 =	simm.s32 $0x0;
	s20 =	sand.u32 $0x1, s1  }
0x4: {  	s4 =	sshll.u32 s0, $0xA;
	s1 =	rddreg [dreg:$0x3];
	s5 =	sshll.u32 s20, $0x9  }
0x5: {  	s6 =	simm.s32 $0x80;
	[smem:$0x7FF] =	sst s3;
	s17 =	sor.u32 s5, s4  }
0x6: {  	_ =	strace $0x80000047;
	s18 =	sor.u32 $0x80, s17;
	s4 =	sshrl.u32 s17, $0x3  }
0x7: {  	s19 =	sor.u32 $0x100, s17;
	s25 =	sshrl.u32 s18, $0x3;
	s4 =	sadd.s32 s9, s4  }
0x8: {  	[tilespmem:s3], [sflag:$0x1] =	stream.linear.gather [hbm4b:s4+s3], $0x80, $0x38;
	[tilespmem:$0x10200] =	vst v63  }
0x9: {  	s21 =	sor.u32 $0x180, s17;
	s7 =	sshrl.u32 s19, $0x3;
	s5 =	sadd.s32 s9, s25  }
0xa: {  	[tilespmem:s6], [sflag:$0x1] =	stream.linear.gather [hbm4b:s5+s3], $0x80, $0x38;
	[tilespmem:$0x10200] =	vst v63  }
0xb: {  	s8 =	simm.s32 $0x100;
	s10 =	sshrl.u32 s21, $0x3;
	s7 =	sadd.s32 s9, s7  }
0xc: {  	[tilespmem:s8], [sflag:$0x1] =	stream.linear.gather [hbm4b:s7+s3], $0x80, $0x38;
	[tilespmem:$0x10200] =	vst v63  }
0xd: {  	s11 =	simm.s32 $0x180;
	s9 =	sadd.s32 s9, s10;
	s10 =	simm.s32 $0x1  }
0xe: {  	[tilespmem:s11], [sflag:$0x1] =	stream.linear.gather [hbm4b:s9+s3], $0x80, $0x38;
	[tilespmem:$0x10200] =	vst v63  }
0xf: {  	_ =	swait.ge [sflag:s10], $0x80  }
0x10: {  	[sflag:s10] =	ssyncset.done $0x0  }
0x11: {  	[sflag:s10] =	ssyncadd.s32 $0xFFFFFF80  }
0x12: {  	_ =	swait.ge [sflag:s10], $0x80  }
0x13: {  	[sflag:s10] =	ssyncset.done $0x0  }
0x14: {  	[sflag:s10] =	ssyncadd.s32 $0xFFFFFF80  }
0x15: {  	_ =	swait.ge [sflag:s10], $0x80  }
0x16: {  	[sflag:s10] =	ssyncset.done $0x0  }
0x17: {  	[sflag:s10] =	ssyncadd.s32 $0xFFFFFF80  }
0x18: {  	_ =	swait.ge [sflag:s10], $0x80  }
0x19: {  	[sflag:s10] =	ssyncset.done $0x0  }
0x1a: {  	s12 =	simm.s32 $0x200;
	[sflag:s10] =	ssyncadd.s32 $0xFFFFFF80  }
0x1b: {  	[tilespmem:s12], [sflag:$0x1] =	stream.indirect.gather [hbm4b:s2+s6], $0x80, s3, s6, $0xb8;
	[tilespmem:$0x10200] =	vst v63  }
0x1c: {  	s13 =	simm.s32 $0x4200  }
0x1d: {  	[tilespmem:s13], [sflag:$0x1] =	stream.indirect.gather [hbm4b:s2+s6], $0x80, s6, s6, $0xb8;
	[tilespmem:$0x10200] =	vst v63  }
0x1e: {  	s14 =	simm.s32 $0x8200  }
0x1f: {  	[tilespmem:s14], [sflag:$0x1] =	stream.indirect.gather [hbm4b:s2+s6], $0x80, s8, s6, $0xb8;
	[tilespmem:$0x10200] =	vst v63  }
0x20: {  	s15 =	simm.s32 $0xC200  }
0x21: {  	[tilespmem:s15], [sflag:$0x1] =	stream.indirect.gather [hbm4b:s2+s6], $0x80, s11, s6, $0xb8;
	[tilespmem:$0x10200] =	vst v63  }
0x22: {  	_ =	swait.ge [sflag:s10], $0x4000  }
0x23: {  	[sflag:s10] =	ssyncset.done $0x0  }
0x24: {  	[sflag:s10] =	ssyncadd.s32 $0xFFFFC000  }
0x25: {  	_ =	swait.ge [sflag:s10], $0x4000  }
0x26: {  	[sflag:s10] =	ssyncset.done $0x0  }
0x27: {  	[sflag:s10] =	ssyncadd.s32 $0xFFFFC000  }
0x28: {  	_ =	swait.ge [sflag:s10], $0x4000  }
0x29: {  	[sflag:s10] =	ssyncset.done $0x0  }
0x2a: {  	[sflag:s10] =	ssyncadd.s32 $0xFFFFC000  }
0x2b: {  	_ =	swait.ge [sflag:s10], $0x4000  }
0x2c: {  	s22 =	sadd.s32 $0x1C00, s16;
	s26 =	sshll.u32 s17, $0x4;
	[sflag:s10] =	ssyncset.done $0x0  }
0x2d: {  	s16 =	sadd.s32 s22, s26;
	s28 =	sshll.u32 s18, $0x4;
	[sflag:s10] =	ssyncadd.s32 $0xFFFFC000  }
0x2e: {  	[hbm4b:s16+s3] =	stream.linear.scatter [tilespmem:s12], [sflag:$0x1], $0x4000, $0x38;
	[tilespmem:$0x10200] =	vst v63  }
0x2f: {  	s29 =	sshll.u32 s19, $0x4;
	s17 =	sadd.s32 s22, s28  }
0x30: {  	[hbm4b:s17+s3] =	stream.linear.scatter [tilespmem:s13], [sflag:$0x1], $0x4000, $0x38;
	[tilespmem:$0x10200] =	vst v63  }
0x31: {  	s30 =	sshll.u32 s21, $0x4;
	s18 =	sadd.s32 s22, s29  }
0x32: {  	[hbm4b:s18+s3] =	stream.linear.scatter [tilespmem:s14], [sflag:$0x1], $0x4000, $0x38;
	[tilespmem:$0x10200] =	vst v63  }
0x33: {  	s19 =	sadd.s32 s22, s30  }
0x34: {  	[hbm4b:s19+s3] =	stream.linear.scatter [tilespmem:s15], [sflag:$0x1], $0x4000, $0x38;
	[tilespmem:$0x10200] =	vst v63  }
0x35: {  	_ =	swait.ge [sflag:s10], $0x4000  }
0x36: {  	s20 =	ssub.s32 $0x2, s20;
	[sflag:s10] =	ssyncset.done $0x0  }
0x37: {  	s31 =	sshrl.u32 s20, $0x1;
	[sflag:s10] =	ssyncadd.s32 $0xFFFFC000  }
0x38: {  	s20 =	ssub.s32 s20, s31;
	_ =	swait.ge [sflag:s10], $0x4000  }
0x39: {  	s20 =	smax.u32 s20, $0x1;
	[sflag:s10] =	ssyncset.done $0x0  }
0x3a: {  	p0 =	sne.s32 s20, $0x1;
	[sflag:s10] =	ssyncadd.s32 $0xFFFFC000  }
.Ltmp0:
0x3b: {  	_ =	swait.ge [sflag:s10], $0x4000;
	(pc) =	sbr.rel @!p0 .LBB2_2-.Ltmp0, $4  }
0x3c: {  	[sflag:s10] =	ssyncset.done $0x0  }
0x3d: {  	[sflag:s10] =	ssyncadd.s32 $0xFFFFC000  }
0x3e: {  	_ =	swait.ge [sflag:s10], $0x4000  }
0x3f: {  	s20 =	sadd.s32 $0xFFFFFFFF, s20;
	[sflag:s10] =	ssyncset.done $0x0  }
.LBB2_1:
0x40: {  	p0 =	sne.s32 s20, $0x1;
	s20 =	sadd.s32 $0xFFFFFFFF, s20;
	[sflag:s10] =	ssyncadd.s32 $0xFFFFC000  }
0x41: {  	[tilespmem:s3], [sflag:$0x1] =	stream.linear.gather [hbm4b:s4+s3], $0x80, $0x38;
	[tilespmem:$0x10200] =	vst v63  }
0x42: {  	_ = 	snop  }
0x43: {  	[tilespmem:s6], [sflag:$0x1] =	stream.linear.gather [hbm4b:s5+s3], $0x80, $0x38;
	[tilespmem:$0x10200] =	vst v63  }
0x44: {  	_ = 	snop  }
0x45: {  	[tilespmem:s8], [sflag:$0x1] =	stream.linear.gather [hbm4b:s7+s3], $0x80, $0x38;
	[tilespmem:$0x10200] =	vst v63  }
0x46: {  	_ = 	snop  }
0x47: {  	[tilespmem:s11], [sflag:$0x1] =	stream.linear.gather [hbm4b:s9+s3], $0x80, $0x38;
	[tilespmem:$0x10200] =	vst v63  }
0x48: {  	_ =	swait.ge [sflag:s10], $0x80  }
0x49: {  	[sflag:s10] =	ssyncset.done $0x0  }
0x4a: {  	[sflag:s10] =	ssyncadd.s32 $0xFFFFFF80  }
0x4b: {  	_ =	swait.ge [sflag:s10], $0x80  }
0x4c: {  	[sflag:s10] =	ssyncset.done $0x0  }
0x4d: {  	[sflag:s10] =	ssyncadd.s32 $0xFFFFFF80  }
0x4e: {  	_ =	swait.ge [sflag:s10], $0x80  }
0x4f: {  	[sflag:s10] =	ssyncset.done $0x0  }
0x50: {  	[sflag:s10] =	ssyncadd.s32 $0xFFFFFF80  }
0x51: {  	_ =	swait.ge [sflag:s10], $0x80  }
0x52: {  	[sflag:s10] =	ssyncset.done $0x0  }
0x53: {  	[sflag:s10] =	ssyncadd.s32 $0xFFFFFF80  }
0x54: {  	[tilespmem:s12], [sflag:$0x1] =	stream.indirect.gather [hbm4b:s2+s6], $0x80, s3, s6, $0xb8;
	[tilespmem:$0x10200] =	vst v63  }
0x55: {  	_ = 	snop  }
0x56: {  	[tilespmem:s13], [sflag:$0x1] =	stream.indirect.gather [hbm4b:s2+s6], $0x80, s6, s6, $0xb8;
	[tilespmem:$0x10200] =	vst v63  }
0x57: {  	_ = 	snop  }
0x58: {  	[tilespmem:s14], [sflag:$0x1] =	stream.indirect.gather [hbm4b:s2+s6], $0x80, s8, s6, $0xb8;
	[tilespmem:$0x10200] =	vst v63  }
0x59: {  	_ = 	snop  }
0x5a: {  	[tilespmem:s15], [sflag:$0x1] =	stream.indirect.gather [hbm4b:s2+s6], $0x80, s11, s6, $0xb8;
	[tilespmem:$0x10200] =	vst v63  }
0x5b: {  	_ =	swait.ge [sflag:s10], $0x4000  }
0x5c: {  	[sflag:s10] =	ssyncset.done $0x0  }
0x5d: {  	[sflag:s10] =	ssyncadd.s32 $0xFFFFC000  }
0x5e: {  	_ =	swait.ge [sflag:s10], $0x4000  }
0x5f: {  	[sflag:s10] =	ssyncset.done $0x0  }
0x60: {  	[sflag:s10] =	ssyncadd.s32 $0xFFFFC000  }
0x61: {  	_ =	swait.ge [sflag:s10], $0x4000  }
0x62: {  	[sflag:s10] =	ssyncset.done $0x0  }
0x63: {  	[sflag:s10] =	ssyncadd.s32 $0xFFFFC000  }
0x64: {  	_ =	swait.ge [sflag:s10], $0x4000  }
0x65: {  	[sflag:s10] =	ssyncset.done $0x0  }
0x66: {  	[sflag:s10] =	ssyncadd.s32 $0xFFFFC000  }
0x67: {  	[hbm4b:s16+s3] =	stream.linear.scatter [tilespmem:s12], [sflag:$0x1], $0x4000, $0x38;
	[tilespmem:$0x10200] =	vst v63  }
0x68: {  	_ = 	snop  }
0x69: {  	[hbm4b:s17+s3] =	stream.linear.scatter [tilespmem:s13], [sflag:$0x1], $0x4000, $0x38;
	[tilespmem:$0x10200] =	vst v63  }
0x6a: {  	_ = 	snop  }
0x6b: {  	[hbm4b:s18+s3] =	stream.linear.scatter [tilespmem:s14], [sflag:$0x1], $0x4000, $0x38;
	[tilespmem:$0x10200] =	vst v63  }
0x6c: {  	_ = 	snop  }
0x6d: {  	[hbm4b:s19+s3] =	stream.linear.scatter [tilespmem:s15], [sflag:$0x1], $0x4000, $0x38;
	[tilespmem:$0x10200] =	vst v63  }
0x6e: {  	_ =	swait.ge [sflag:s10], $0x4000  }
0x6f: {  	[sflag:s10] =	ssyncset.done $0x0  }
0x70: {  	[sflag:s10] =	ssyncadd.s32 $0xFFFFC000  }
0x71: {  	_ =	swait.ge [sflag:s10], $0x4000  }
0x72: {  	[sflag:s10] =	ssyncset.done $0x0  }
0x73: {  	[sflag:s10] =	ssyncadd.s32 $0xFFFFC000  }
.Ltmp1:
0x74: {  	_ =	swait.ge [sflag:s10], $0x4000;
	(pc) =	sbr.rel @p0 .LBB2_1-.Ltmp1, $4  }
0x75: {  	[sflag:s10] =	ssyncset.done $0x0  }
0x76: {  	[sflag:s10] =	ssyncadd.s32 $0xFFFFC000  }
0x77: {  	_ =	swait.ge [sflag:s10], $0x4000  }
0x78: {  	[sflag:s10] =	ssyncset.done $0x0  }
.LBB2_2:
0x79: {  	[sflag:s10] =	ssyncadd.s32 $0xFFFFC000  }
0x7a: {  	_ =	sfence.sel $0x180000  }
0x7b: {  	[bflag:$0x0] =	sbarrier.arrive $0xFFFF  }
0x7c: {  	p0 =	sne.s32 s0, $0x0;
	_ =	strace $0x90000047  }
0x7d: {  	s0 =	sadd.s32 @!p0 $0x100000, s1;
	[bflag:$0x2] =	sbarrier.arrive $0xFFFF  }
0x7e: {  	[sflag:s0] =	ssyncadd.tile.s32 @!p0 $0x1;
	_ =	shalt  }
.Lfunc_end2:
_tile_overlayer_lowered:
.L_overlay_start_2:
0x7f: {  	(tag) =	ssettag $0x2  }
0x80: {  	s0 =	rddreg [dreg:$0x0];
	s2 =	stileid.u32  }
0x81: {  	s1 =	rddreg [dreg:$0x1];
	p0 =	sne.s32 s2, $0x0  }
0x82: {  	s3 =	rddreg [dreg:$0x2];
	[bflag:$0x3] =	sbarrier.arrive $0xFFFF;
	s2 =	simm.s32 @!p0 $0x1C02  }
0x83: {  	[timem:s3], [sflag:s2] =	dma.local @!p0 [hbm:s0], s1  }
0x84: {  	s0 =	simm.s32 @!p0 $0x2  }
0x85: {  	_ =	swait.ge @!p0 [sflag:s0], s1  }
0x86: {  	s1 =	ssub.s32 @!p0 $0x0, s1;
	[sflag:s0] =	ssyncset.done @!p0 $0x0  }
0x87: {  	[sflag:s0] =	ssyncadd.s32 @!p0 s1  }
0x88: {  	[bflag:$0x3] =	sbarrier.arrive $0xFFFF  }
0x89: {  	_ =	shalt  }

</sc_bundles>
